<compile_context>
chip_gen: v7x
topology: tpu7x:2x2x1
jax: 0.10.2.dev20260603
libtpu: 0.0.44.dev20260713+nightly
codegen_flags: <defaults>
</compile_context>

<pallas_src>
import functools

import jax
import jax.numpy as jnp
from jax import lax
from jax.experimental import pallas as pl
from jax.experimental.pallas import tpu as pltpu
from jax.experimental.pallas import tpu_sc as plsc

NC = 2
NS = 16
NW = NC * NS
CH = 128
LANES = 16

_sc_mesh = plsc.VectorSubcoreMesh(core_axis_name="c", subcore_axis_name="s")


def _fill_rows(ref, rows, width, value):
    @pl.loop(0, rows)
    def _(i):
        @pl.loop(0, width, step=LANES)
        def _(j):
            ref[i, pl.ds(j, LANES)] = jnp.full((LANES,), value, jnp.float32)


def _row_quota(n):
    q = (n // (NS * 8)) * 8
    rem = n - q * NS
    zch = 48 if q % 48 == 0 else (16 if q % 16 == 0 else 8)
    return q, rem, zch


def _deg_partials(dst3, n, pad):
    epw = dst3.shape[0] // NW
    nchunk = epw // CH
    q, rem, zch = _row_quota(n)
    DW = 4
    nq = nchunk // DW

    @functools.partial(
        pl.kernel,
        out_type=jax.ShapeDtypeStruct((NC * n,), jnp.float32),
        mesh=_sc_mesh,
        scratch_types=[
            pltpu.VMEM((CH,), jnp.int32),
            pltpu.VMEM((CH,), jnp.int32),
            pltpu.VMEM((CH,), jnp.int32),
            pltpu.VMEM((CH,), jnp.int32),
            pltpu.VMEM((CH,), jnp.float32),
            pltpu.VMEM((zch,), jnp.float32),
            pltpu.VMEM((q,), jnp.float32),
            pltpu.VMEM_SHARED((n + pad,), jnp.float32),
            pltpu.SemaphoreType.DMA,
            pltpu.SemaphoreType.DMA,
            pltpu.SemaphoreType.DMA,
            pltpu.SemaphoreType.DMA,
            pltpu.SemaphoreType.DMA,
            pltpu.SemaphoreType.DMA,
            pltpu.SemaphoreType.DMA,
            pltpu.SemaphoreType.DMA,
        ],
    )
    def deg_kernel(dst_hbm, out_hbm, i0, i1, i2, i3, ones_v, zbuf, rd_v, acc,
                   e0, e1, e2, e3, f0, f1, f2, f3):
        cid = lax.axis_index("c")
        sid = lax.axis_index("s")
        w = sid * NC + cid

        @pl.loop(0, CH, step=LANES)
        def _(j):
            ones_v[pl.ds(j, LANES)] = jnp.full((LANES,), 1.0, jnp.float32)

        @pl.loop(0, zch, step=LANES)
        def _(j):
            zbuf[pl.ds(j, LANES)] = jnp.zeros((LANES,), jnp.float32)

        @pl.loop(0, q // zch)
        def _(r):
            pltpu.sync_copy(zbuf, acc.at[pl.ds(sid * q + r * zch, zch)])
        if rem:
            @pl.when(sid == NS - 1)
            def _():
                pltpu.sync_copy(zbuf.at[pl.ds(0, rem)],
                                acc.at[pl.ds(NS * q, rem)])
        plsc.subcore_barrier()

        idxs = (i0, i1, i2, i3)
        isems = (e0, e1, e2, e3)
        ssems = (f0, f1, f2, f3)

        @pl.loop(0, nq)
        def _(p):
            g = p * DW

            @pl.when(p > 0)
            def _():
                for i in range(DW):
                    pltpu.make_async_copy(ones_v, acc.at[idxs[i]],
                                          ssems[i]).wait()

            cps = [pltpu.async_copy(
                       dst_hbm.at[pl.ds(w * epw + (g + i) * CH, CH)],
                       idxs[i], isems[i])
                   for i in range(DW)]
            for i in range(DW):
                cps[i].wait()
                pltpu.async_copy(ones_v, acc.at[idxs[i]], ssems[i], add=True)

        for i in range(DW):
            pltpu.make_async_copy(ones_v, acc.at[idxs[i]], ssems[i]).wait()

        plsc.subcore_barrier()

        pltpu.sync_copy(acc.at[pl.ds(sid * q, q)], rd_v)
        pltpu.sync_copy(rd_v, out_hbm.at[pl.ds(cid * n + sid * q, q)])
        if rem:
            @pl.when(sid == NS - 1)
            def _():
                pltpu.sync_copy(acc.at[pl.ds(NS * q, rem)],
                                rd_v.at[pl.ds(0, rem)])
                pltpu.sync_copy(rd_v.at[pl.ds(0, rem)],
                                out_hbm.at[pl.ds(cid * n + NS * q, rem)])

    return deg_kernel(dst3)


def _scatter_rows(y, src3, dst3, pad):
    n, h = y.shape
    epw = src3.shape[0] // NW
    nchunk = epw // CH
    q, rem, zch = _row_quota(n)
    W = 2
    nq = nchunk // W

    @functools.partial(
        pl.kernel,
        out_type=jax.ShapeDtypeStruct((NC, n, h), jnp.float32),
        mesh=_sc_mesh,
        scratch_types=[
            pltpu.VMEM((epw,), jnp.int32),
            pltpu.VMEM((CH,), jnp.int32),
            pltpu.VMEM((CH,), jnp.int32),
            pltpu.VMEM((CH, h), jnp.float32),
            pltpu.VMEM((CH, h), jnp.float32),
            pltpu.VMEM((zch, h), jnp.float32),
            pltpu.VMEM_SHARED((n + pad, h), jnp.float32),
            pltpu.SemaphoreType.DMA,
            pltpu.SemaphoreType.DMA,
            pltpu.SemaphoreType.DMA,
            pltpu.SemaphoreType.DMA,
            pltpu.SemaphoreType.DMA,
            pltpu.SemaphoreType.DMA,
        ],
    )
    def scatter_kernel(y_hbm, src_hbm, dst_hbm, out_hbm,
                       src_v, d0, d1, r0, r1, zbuf, acc,
                       s0, s1, e0, e1, f0, f1):
        cid = lax.axis_index("c")
        sid = lax.axis_index("s")
        w = sid * NC + cid

        slab = pltpu.async_copy(src_hbm.at[pl.ds(w * epw, epw)], src_v, s0)

        _fill_rows(zbuf, zch, h, 0.0)

        zcps = [pltpu.async_copy(zbuf, acc.at[pl.ds(sid * q + r * zch, zch)],
                                 s1)
                for r in range(q // zch)]
        if rem:
            @pl.when(sid == NS - 1)
            def _():
                pltpu.sync_copy(zbuf.at[pl.ds(0, rem)],
                                acc.at[pl.ds(NS * q, rem)])
        for cp in zcps:
            cp.wait()
        slab.wait()
        plsc.subcore_barrier()

        rows = (r0, r1)
        sems = (s0, s1)
        idxs = (d0, d1)
        isems = (e0, e1)
        ssems = (f0, f1)

        @pl.loop(0, nq)
        def _(p):
            g = p * W

            @pl.when(p > 0)
            def _():
                for i in range(W):
                    pltpu.make_async_copy(rows[i], acc.at[idxs[i]],
                                          ssems[i]).wait()

            ci = [pltpu.async_copy(
                      dst_hbm.at[pl.ds(w * epw + (g + i) * CH, CH)],
                      idxs[i], isems[i])
                  for i in range(W)]
            cg = [pltpu.async_copy(
                      y_hbm.at[src_v.at[pl.ds((g + i) * CH, CH)]],
                      rows[i], sems[i])
                  for i in range(W)]
            for i in range(W):
                ci[i].wait()
                cg[i].wait()
                pltpu.async_copy(rows[i], acc.at[idxs[i]], ssems[i], add=True)

        for i in range(W):
            pltpu.make_async_copy(rows[i], acc.at[idxs[i]], ssems[i]).wait()

        plsc.subcore_barrier()

        pltpu.sync_copy(acc.at[pl.ds(sid * q, q)],
                        out_hbm.at[cid, pl.ds(sid * q, q)])
        if rem:
            @pl.when(sid == NS - 1)
            def _():
                pltpu.sync_copy(acc.at[pl.ds(NS * q, rem)],
                                out_hbm.at[cid, pl.ds(NS * q, rem)])

    return scatter_kernel(y, src3, dst3)


def _norm_from(deg_ref):
    d = deg_ref[:, 0:1] + deg_ref[:, 1:2]
    return lax.rsqrt(jnp.maximum(d, 1.0))


def _mm_scale(x, w, degp, block):
    n, d = x.shape
    h = w.shape[1]

    def body(deg_ref, x_ref, w_ref, o_ref):
        nrm = _norm_from(deg_ref)
        o_ref[...] = jnp.dot(x_ref[...], w_ref[...],
                             preferred_element_type=jnp.float32) * nrm

    return pl.pallas_call(
        body,
        grid=(n // block,),
        in_specs=[
            pl.BlockSpec((block, 2), lambda i: (i, 0)),
            pl.BlockSpec((block, d), lambda i: (i, 0)),
            pl.BlockSpec((d, h), lambda i: (0, 0)),
        ],
        out_specs=pl.BlockSpec((block, h), lambda i: (i, 0)),
        out_shape=jax.ShapeDtypeStruct((n, h), jnp.float32),
    )(degp, x, w)


def _layer_mid(s, degp, w, b, block):
    _, n, h = s.shape

    def body(deg_ref, s_ref, w_ref, b_ref, o_ref):
        nrm = _norm_from(deg_ref)
        hid = jnp.maximum((s_ref[0] + s_ref[1]) * nrm + b_ref[...], 0.0)
        o_ref[...] = jnp.dot(hid, w_ref[...],
                             preferred_element_type=jnp.float32) * nrm

    return pl.pallas_call(
        body,
        grid=(n // block,),
        in_specs=[
            pl.BlockSpec((block, 2), lambda i: (i, 0)),
            pl.BlockSpec((2, block, h), lambda i: (0, i, 0)),
            pl.BlockSpec((h, h), lambda i: (0, 0)),
            pl.BlockSpec((1, h), lambda i: (0, 0)),
        ],
        out_specs=pl.BlockSpec((block, h), lambda i: (i, 0)),
        out_shape=jax.ShapeDtypeStruct((n, h), jnp.float32),
    )(degp, s, w, b)


def _readout(s, degp, b, wg, bg, block):
    _, n, h = s.shape

    def body(deg_ref, s_ref, b_ref, wg_ref, bg_ref, h_ref, wh_ref):
        nrm = _norm_from(deg_ref)
        hid = jnp.maximum((s_ref[0] + s_ref[1]) * nrm + b_ref[...], 0.0)
        h_ref[...] = hid
        gate = jax.nn.sigmoid(
            jnp.dot(hid, wg_ref[...], preferred_element_type=jnp.float32)
            + bg_ref[...])
        part = jnp.sum(gate * hid, axis=0, keepdims=True)

        @pl.when(pl.program_id(0) == 0)
        def _():
            wh_ref[...] = jnp.zeros_like(wh_ref)

        wh_ref[...] += part

    return pl.pallas_call(
        body,
        grid=(n // block,),
        in_specs=[
            pl.BlockSpec((block, 2), lambda i: (i, 0)),
            pl.BlockSpec((2, block, h), lambda i: (0, i, 0)),
            pl.BlockSpec((1, h), lambda i: (0, 0)),
            pl.BlockSpec((h, 1), lambda i: (0, 0)),
            pl.BlockSpec((1, 1), lambda i: (0, 0)),
        ],
        out_specs=[
            pl.BlockSpec((block, h), lambda i: (i, 0)),
            pl.BlockSpec((1, h), lambda i: (0, 0)),
        ],
        out_shape=[
            jax.ShapeDtypeStruct((n, h), jnp.float32),
            jax.ShapeDtypeStruct((1, h), jnp.float32),
        ],
    )(degp, s, b, wg, bg)


def kernel(x, edge_index, W1, b1, W2, b2, Wg, bg):
    n, d = x.shape
    h = W1.shape[1]
    e = edge_index.shape[1]
    block = 1000

    pad = 8
    epw = e // NW
    epw_pad = ((epw + CH - 1) // CH) * CH
    while (epw_pad // CH) % 4:
        epw_pad += CH
    npad = epw_pad - epw
    j = jnp.arange(npad, dtype=jnp.int32)
    src_fill = jnp.broadcast_to((j * 997) % n, (NW, npad))
    dst_fill = jnp.broadcast_to(n + (j % pad), (NW, npad))
    src3 = jnp.concatenate(
        [edge_index[0].reshape(NW, epw), src_fill], axis=1).reshape(-1)
    dst3 = jnp.concatenate(
        [edge_index[1].reshape(NW, epw), dst_fill], axis=1).reshape(-1)

    degp = _deg_partials(dst3, n, pad).reshape(NC, n).T

    y1 = _mm_scale(x, W1, degp, block)
    s1 = _scatter_rows(y1, src3, dst3, pad)
    y2 = _layer_mid(s1, degp, W2, b1.reshape(1, h), block)
    s2 = _scatter_rows(y2, src3, dst3, pad)
    h2, wh = _readout(s2, degp, b2.reshape(1, h), Wg, bg.reshape(1, 1), block)
    return wh.reshape(h), h2

# --- scband reference (transcript-rebuilt; emitter-appended) ---
"""Pipeline reference for scband-gcn-15522011808374 (READ-ONLY COPY).

The authoritative reference and input builder live on the scoring server;
editing this copy changes nothing except your own understanding.
"""

import jax, jax.numpy as jnp
import numpy as np

N = 10000
E = 320000
D = 128
H = 128


def setup_inputs(seed: int = 0) -> dict:
    key = jax.random.key(seed)
    ks = jax.random.split(key, 9)
    x = jax.random.normal(ks[0], (N, D), dtype=jnp.float32)
    edge_index = jax.random.randint(ks[1], (2, E), 0, N, dtype=jnp.int32)
    s1 = 1.0 / np.sqrt(D)
    s2 = 1.0 / np.sqrt(H)
    W1 = jax.random.normal(ks[2], (D, H), dtype=jnp.float32) * s1
    b1 = jnp.zeros((H,), dtype=jnp.float32)
    W2 = jax.random.normal(ks[3], (H, H), dtype=jnp.float32) * s2
    b2 = jnp.zeros((H,), dtype=jnp.float32)
    Wg = jax.random.normal(ks[4], (H, 1), dtype=jnp.float32) * s2
    bg = jnp.zeros((1,), dtype=jnp.float32)
    return {"x": x, "edge_index": edge_index, "W1": W1, "b1": b1, "W2": W2, "b2": b2, "Wg": Wg, "bg": bg}


def _gcn_layer(h, edge_index, W, b):
    # DGL GraphConv with norm='both': D^{-1/2} A D^{-1/2} H W + b
    src = edge_index[0]
    dst = edge_index[1]
    n = h.shape[0]
    deg = jnp.zeros((n,), dtype=h.dtype).at[dst].add(1.0)
    norm = jax.lax.rsqrt(jnp.clip(deg, 1.0, None))
    msg = (h * norm[:, None])[src]  # gather source features (normalized)
    agg = jnp.zeros_like(h).at[dst].add(msg)  # scatter-add to destinations
    agg = agg * norm[:, None]
    return agg @ W + b


def reference(x, edge_index, W1, b1, W2, b2, Wg, bg):
    # layer 1
    h = jax.nn.relu(_gcn_layer(x, edge_index, W1, b1))
    # dropout p=0.0 (identity), layer 2
    h = jax.nn.relu(_gcn_layer(h, edge_index, W2, b2))
    # weighted graph aggregation: gated sum readout over all nodes
    gate = jax.nn.sigmoid(h @ Wg + bg)  # [N, 1]
    wh = jnp.sum(gate * h, axis=0)  # [H]
    return (wh, h)

if __name__ == "__main__":
    import jax
    _d = setup_inputs()
    print(jax.jit(kernel)(*tuple(_d.values())))

</pallas_src>

<mosaic_0001>
#map = affine_map<(d0, d1) -> (0)>
module attributes {stable_mosaic.version = 14 : i64} {
  func.func @deg_kernel(%arg0: i32, %arg1: i32, %arg2: memref<327680xi32, #tpu.memory_space<hbm>>, %arg3: memref<20000xf32, #tpu.memory_space<hbm>>, %arg4: memref<128xi32, #tpu.memory_space<vmem>>, %arg5: memref<128xi32, #tpu.memory_space<vmem>>, %arg6: memref<128xi32, #tpu.memory_space<vmem>>, %arg7: memref<128xi32, #tpu.memory_space<vmem>>, %arg8: memref<128xf32, #tpu.memory_space<vmem>>, %arg9: memref<48xf32, #tpu.memory_space<vmem>>, %arg10: memref<624xf32, #tpu.memory_space<vmem>>, %arg11: memref<10008xf32, #tpu.memory_space<vmem_shared>>, %arg12: memref<!tpu.dma_semaphore, #tpu.memory_space<semaphore_mem>>, %arg13: memref<!tpu.dma_semaphore, #tpu.memory_space<semaphore_mem>>, %arg14: memref<!tpu.dma_semaphore, #tpu.memory_space<semaphore_mem>>, %arg15: memref<!tpu.dma_semaphore, #tpu.memory_space<semaphore_mem>>, %arg16: memref<!tpu.dma_semaphore, #tpu.memory_space<semaphore_mem>>, %arg17: memref<!tpu.dma_semaphore, #tpu.memory_space<semaphore_mem>>, %arg18: memref<!tpu.dma_semaphore, #tpu.memory_space<semaphore_mem>>, %arg19: memref<!tpu.dma_semaphore, #tpu.memory_space<semaphore_mem>>) attributes {dimension_semantics = [#tpu.dimension_semantics<core_parallel>, #tpu.dimension_semantics<subcore_parallel>], iteration_bounds = array<i64: 2, 16>, scalar_prefetch = 0 : i64, scratch_operands = 16 : i64, tpu.core_type = #tpu.core_type<sc_vector_subcore>, window_params = [{transform_indices = #map}, {transform_indices = #map}]} {
    %mul3A = arith.constant 2 : i32
    %mul3A_0 = arith.muli %arg1, %mul3A : i32
    %add3A = arith.addi %mul3A_0, %arg0 : i32
    %scan3A = arith.constant 0 : i32
    %scan3A_1 = arith.constant 8 : i32
    %scan3A_2 = arith.addi %scan3A, %scan3A_1 : i32
    %scan3A_3 = arith.constant 1 : i32
    scf.for %scan3A_42 = %scan3A to %scan3A_2 step %scan3A_3  : i32 {
      %mul3A_43 = arith.constant 16 : i32
      %mul3A_44 = arith.muli %scan3A_42, %mul3A_43 : i32
      %add3A_45 = arith.constant 0 : i32
      %add3A_46 = arith.addi %add3A_45, %mul3A_44 : i32
      %broadcast_in_dim3A = arith.constant 1.000000e+00 : f32
      %broadcast_in_dim3A_47 = vector.broadcast %broadcast_in_dim3A : f32 to vector<16xf32>
      %swap3A = arith.index_cast %add3A_46 : i32 to index
      %swap3A_48 = tpu.vector_load %arg8[%swap3A] {strides = array<i32>} : memref<128xf32, #tpu.memory_space<vmem>>, vector<16xf32>,
      %swap3A_49 = vector.shape_cast %swap3A_48 : vector<16xf32> to vector<16xf32>
      %swap3A_50 = vector.shape_cast %broadcast_in_dim3A_47 : vector<16xf32> to vector<16xf32>
      tpu.vector_store %arg8[%swap3A], %swap3A_50 {strides = array<i32>} : memref<128xf32, #tpu.memory_space<vmem>>, vector<16xf32>,
    }
    %scan3A_4 = arith.constant 8 : i32
    %scan3A_5 = arith.constant 0 : i32
    %scan3A_6 = arith.constant 3 : i32
    %scan3A_7 = arith.addi %scan3A_5, %scan3A_6 : i32
    %scan3A_8 = arith.constant 1 : i32
    scf.for %scan3A_42 = %scan3A_5 to %scan3A_7 step %scan3A_8  : i32 {
      %mul3A_43 = arith.constant 16 : i32
      %mul3A_44 = arith.muli %scan3A_42, %mul3A_43 : i32
      %add3A_45 = arith.constant 0 : i32
      %add3A_46 = arith.addi %add3A_45, %mul3A_44 : i32
      %broadcast_in_dim3A = arith.constant 0.000000e+00 : f32
      %broadcast_in_dim3A_47 = vector.broadcast %broadcast_in_dim3A : f32 to vector<16xf32>
      %swap3A = arith.index_cast %add3A_46 : i32 to index
      %swap3A_48 = tpu.vector_load %arg9[%swap3A] {strides = array<i32>} : memref<48xf32, #tpu.memory_space<vmem>>, vector<16xf32>,
      %swap3A_49 = vector.shape_cast %swap3A_48 : vector<16xf32> to vector<16xf32>
      %swap3A_50 = vector.shape_cast %broadcast_in_dim3A_47 : vector<16xf32> to vector<16xf32>
      tpu.vector_store %arg9[%swap3A], %swap3A_50 {strides = array<i32>} : memref<48xf32, #tpu.memory_space<vmem>>, vector<16xf32>,
    }
    %scan3A_9 = arith.constant 3 : i32
    %scan3A_10 = arith.constant 0 : i32
    %scan3A_11 = arith.constant 13 : i32
    %scan3A_12 = arith.addi %scan3A_10, %scan3A_11 : i32
    %scan3A_13 = arith.constant 1 : i32
    scf.for %scan3A_42 = %scan3A_10 to %scan3A_12 step %scan3A_13  : i32 {
      %mul3A_43 = arith.constant 1 : i32
      %mul3A_44 = arith.muli %scan3A_42, %mul3A_43 : i32
      %add3A_45 = arith.constant 0 : i32
      %add3A_46 = arith.addi %add3A_45, %mul3A_44 : i32
      %mul3A_47 = arith.constant 624 : i32
      %mul3A_48 = arith.muli %arg1, %mul3A_47 : i32
      %mul3A_49 = arith.constant 48 : i32
      %mul3A_50 = arith.muli %add3A_46, %mul3A_49 : i32
      %add3A_51 = arith.addi %mul3A_48, %mul3A_50 : i32
      "tpu.region"() ({
        %run_scoped3A = tpu.sem_alloc : memref<!tpu.dma_semaphore, #tpu.memory_space<semaphore_mem>>
        %dma_start3A = tpu.memref_slice %arg11[%add3A_51] : memref<10008xf32, #tpu.memory_space<vmem_shared>> -> memref<48xf32, #tpu.memory_space<vmem_shared>>
        %dma_start3A_52 = tpu.memref_slice %arg11[%add3A_51] : memref<10008xf32, #tpu.memory_space<vmem_shared>> -> memref<48xf32, #tpu.memory_space<vmem_shared>>
        tpu.enqueue_dma source(%arg9 : memref<48xf32, #tpu.memory_space<vmem>>) target(%dma_start3A_52 : memref<48xf32, #tpu.memory_space<vmem_shared>>) target_semaphore(%run_scoped3A : memref<!tpu.dma_semaphore, #tpu.memory_space<semaphore_mem>>)
        %dma_wait3A_53 = tpu.memref_slice %arg11[%add3A_51] : memref<10008xf32, #tpu.memory_space<vmem_shared>> -> memref<48xf32, #tpu.memory_space<vmem_shared>>
        %dma_wait3A_54 = tpu.memref_slice %arg11[%add3A_51] : memref<10008xf32, #tpu.memory_space<vmem_shared>> -> memref<48xf32, #tpu.memory_space<vmem_shared>>
        tpu.wait_dma2 semaphore(%run_scoped3A : memref<!tpu.dma_semaphore, #tpu.memory_space<semaphore_mem>>) src(%arg9 : memref<48xf32, #tpu.memory_space<vmem>>) dst(%dma_wait3A_54 : memref<48xf32, #tpu.memory_space<vmem_shared>>)
        tpu.yield
      }) : () -> ()
    }
    %scan3A_14 = arith.constant 13 : i32
    %eq3A = arith.constant 15 : i32
    %eq3A_15 = arith.cmpi eq, %arg1, %eq3A : i32
    %convert_element_type3A = arith.extui %eq3A_15 : i1 to i32
    %cond3A = arith.constant 0 : i32
    %cond3A_16 = arith.cmpi ne, %convert_element_type3A, %cond3A : i32
    scf.if %cond3A_16 {
      "tpu.region"() ({
        %run_scoped3A = tpu.sem_alloc : memref<!tpu.dma_semaphore, #tpu.memory_space<semaphore_mem>>
        %dma_start3A = arith.constant 0 : i32
        %dma_start3A_42 = tpu.memref_slice %arg9[%dma_start3A] : memref<48xf32, #tpu.memory_space<vmem>> -> memref<16xf32, #tpu.memory_space<vmem>>
        %dma_start3A_43 = arith.constant 9984 : i32
        %dma_start3A_44 = tpu.memref_slice %arg11[%dma_start3A_43] : memref<10008xf32, #tpu.memory_space<vmem_shared>> -> memref<16xf32, #tpu.memory_space<vmem_shared>>
        %dma_start3A_45 = arith.constant 9984 : i32
        %dma_start3A_46 = tpu.memref_slice %arg11[%dma_start3A_45] : memref<10008xf32, #tpu.memory_space<vmem_shared>> -> memref<16xf32, #tpu.memory_space<vmem_shared>>
        %dma_start3A_47 = arith.constant 0 : i32
        %dma_start3A_48 = tpu.memref_slice %arg9[%dma_start3A_47] : memref<48xf32, #tpu.memory_space<vmem>> -> memref<16xf32, #tpu.memory_space<vmem>>
        tpu.enqueue_dma source(%dma_start3A_48 : memref<16xf32, #tpu.memory_space<vmem>>) target(%dma_start3A_46 : memref<16xf32, #tpu.memory_space<vmem_shared>>) target_semaphore(%run_scoped3A : memref<!tpu.dma_semaphore, #tpu.memory_space<semaphore_mem>>)
        %dma_wait3A_49 = arith.constant 0 : i32
        %dma_wait3A_50 = tpu.memref_slice %arg9[%dma_wait3A_49] : memref<48xf32, #tpu.memory_space<vmem>> -> memref<16xf32, #tpu.memory_space<vmem>>
        %dma_wait3A_51 = arith.constant 9984 : i32
        %dma_wait3A_52 = tpu.memref_slice %arg11[%dma_wait3A_51] : memref<10008xf32, #tpu.memory_space<vmem_shared>> -> memref<16xf32, #tpu.memory_space<vmem_shared>>
        %dma_wait3A_53 = arith.constant 9984 : i32
        %dma_wait3A_54 = tpu.memref_slice %arg11[%dma_wait3A_53] : memref<10008xf32, #tpu.memory_space<vmem_shared>> -> memref<16xf32, #tpu.memory_space<vmem_shared>>
        %dma_wait3A_55 = arith.constant 0 : i32
        %dma_wait3A_56 = tpu.memref_slice %arg9[%dma_wait3A_55] : memref<48xf32, #tpu.memory_space<vmem>> -> memref<16xf32, #tpu.memory_space<vmem>>
        tpu.wait_dma2 semaphore(%run_scoped3A : memref<!tpu.dma_semaphore, #tpu.memory_space<semaphore_mem>>) src(%dma_wait3A_56 : memref<16xf32, #tpu.memory_space<vmem>>) dst(%dma_wait3A_54 : memref<16xf32, #tpu.memory_space<vmem_shared>>)
        tpu.yield
      }) : () -> ()
    } else {
    }
    %barrier3A = arith.constant 0 : index
    tpu.barrier barrier_id(%barrier3A)
    %scan3A_17 = arith.constant 0 : i32
    %scan3A_18 = arith.constant 20 : i32
    %scan3A_19 = arith.addi %scan3A_17, %scan3A_18 : i32
    %scan3A_20 = arith.constant 1 : i32
    scf.for %scan3A_42 = %scan3A_17 to %scan3A_19 step %scan3A_20  : i32 {
      %mul3A_43 = arith.constant 1 : i32
      %mul3A_44 = arith.muli %scan3A_42, %mul3A_43 : i32
      %add3A_45 = arith.constant 0 : i32
      %add3A_46 = arith.addi %add3A_45, %mul3A_44 : i32
      %mul3A_47 = arith.constant 4 : i32
      %mul3A_48 = arith.muli %add3A_46, %mul3A_47 : i32
      %gt3A = arith.constant 0 : i32
      %gt3A_49 = arith.cmpi sgt, %add3A_46, %gt3A : i32
      %convert_element_type3A_50 = arith.extui %gt3A_49 : i1 to i32
      %cond3A_51 = arith.constant 0 : i32
      %cond3A_52 = arith.cmpi ne, %convert_element_type3A_50, %cond3A_51 : i32
      scf.if %cond3A_52 {
        %dma_wait3A_104 = arith.constant 0 : i32
        %dma_wait3A_105 = tpu.memref_slice %arg11[%dma_wait3A_104] : memref<10008xf32, #tpu.memory_space<vmem_shared>> -> memref<10008xf32, #tpu.memory_space<vmem_shared>>
        tpu.wait_indirect_dma semaphore(%arg16 : memref<!tpu.dma_semaphore, #tpu.memory_space<semaphore_mem>>) src(%arg8 : memref<128xf32, #tpu.memory_space<vmem>>) dst(%dma_wait3A_105 : memref<10008xf32, #tpu.memory_space<vmem_shared>>)
        %dma_wait3A_106 = arith.constant 0 : i32
        %dma_wait3A_107 = tpu.memref_slice %arg11[%dma_wait3A_106] : memref<10008xf32, #tpu.memory_space<vmem_shared>> -> memref<10008xf32, #tpu.memory_space<vmem_shared>>
        tpu.wait_indirect_dma semaphore(%arg17 : memref<!tpu.dma_semaphore, #tpu.memory_space<semaphore_mem>>) src(%arg8 : memref<128xf32, #tpu.memory_space<vmem>>) dst(%dma_wait3A_107 : memref<10008xf32, #tpu.memory_space<vmem_shared>>)
        %dma_wait3A_108 = arith.constant 0 : i32
        %dma_wait3A_109 = tpu.memref_slice %arg11[%dma_wait3A_108] : memref<10008xf32, #tpu.memory_space<vmem_shared>> -> memref<10008xf32, #tpu.memory_space<vmem_shared>>
        tpu.wait_indirect_dma semaphore(%arg18 : memref<!tpu.dma_semaphore, #tpu.memory_space<semaphore_mem>>) src(%arg8 : memref<128xf32, #tpu.memory_space<vmem>>) dst(%dma_wait3A_109 : memref<10008xf32, #tpu.memory_space<vmem_shared>>)
        %dma_wait3A_110 = arith.constant 0 : i32
        %dma_wait3A_111 = tpu.memref_slice %arg11[%dma_wait3A_110] : memref<10008xf32, #tpu.memory_space<vmem_shared>> -> memref<10008xf32, #tpu.memory_space<vmem_shared>>
        tpu.wait_indirect_dma semaphore(%arg19 : memref<!tpu.dma_semaphore, #tpu.memory_space<semaphore_mem>>) src(%arg8 : memref<128xf32, #tpu.memory_space<vmem>>) dst(%dma_wait3A_111 : memref<10008xf32, #tpu.memory_space<vmem_shared>>)
      } else {
      }
      %mul3A_53 = arith.constant 10240 : i32
      %mul3A_54 = arith.muli %add3A, %mul3A_53 : i32
      %add3A_55 = arith.constant 0 : i32
      %add3A_56 = arith.addi %mul3A_48, %add3A_55 : i32
      %mul3A_57 = arith.constant 128 : i32
      %mul3A_58 = arith.muli %add3A_56, %mul3A_57 : i32
      %add3A_59 = arith.addi %mul3A_54, %mul3A_58 : i32
      %dma_start3A = tpu.memref_slice %arg2[%add3A_59] : memref<327680xi32, #tpu.memory_space<hbm>> -> memref<128xi32, #tpu.memory_space<hbm>>
      %dma_start3A_60 = tpu.memref_slice %arg2[%add3A_59] : memref<327680xi32, #tpu.memory_space<hbm>> -> memref<128xi32, #tpu.memory_space<hbm>>
      tpu.enqueue_dma source(%dma_start3A_60 : memref<128xi32, #tpu.memory_space<hbm>>) target(%arg4 : memref<128xi32, #tpu.memory_space<vmem>>) target_semaphore(%arg12 : memref<!tpu.dma_semaphore, #tpu.memory_space<semaphore_mem>>)
      %mul3A_61 = arith.constant 10240 : i32
      %mul3A_62 = arith.muli %add3A, %mul3A_61 : i32
      %add3A_63 = arith.constant 1 : i32
      %add3A_64 = arith.addi %mul3A_48, %add3A_63 : i32
      %mul3A_65 = arith.constant 128 : i32
      %mul3A_66 = arith.muli %add3A_64, %mul3A_65 : i32
      %add3A_67 = arith.addi %mul3A_62, %mul3A_66 : i32
      %dma_start3A_68 = tpu.memref_slice %arg2[%add3A_67] : memref<327680xi32, #tpu.memory_space<hbm>> -> memref<128xi32, #tpu.memory_space<hbm>>
      %dma_start3A_69 = tpu.memref_slice %arg2[%add3A_67] : memref<327680xi32, #tpu.memory_space<hbm>> -> memref<128xi32, #tpu.memory_space<hbm>>
      tpu.enqueue_dma source(%dma_start3A_69 : memref<128xi32, #tpu.memory_space<hbm>>) target(%arg5 : memref<128xi32, #tpu.memory_space<vmem>>) target_semaphore(%arg13 : memref<!tpu.dma_semaphore, #tpu.memory_space<semaphore_mem>>)
      %mul3A_70 = arith.constant 10240 : i32
      %mul3A_71 = arith.muli %add3A, %mul3A_70 : i32
      %add3A_72 = arith.constant 2 : i32
      %add3A_73 = arith.addi %mul3A_48, %add3A_72 : i32
      %mul3A_74 = arith.constant 128 : i32
      %mul3A_75 = arith.muli %add3A_73, %mul3A_74 : i32
      %add3A_76 = arith.addi %mul3A_71, %mul3A_75 : i32
      %dma_start3A_77 = tpu.memref_slice %arg2[%add3A_76] : memref<327680xi32, #tpu.memory_space<hbm>> -> memref<128xi32, #tpu.memory_space<hbm>>
      %dma_start3A_78 = tpu.memref_slice %arg2[%add3A_76] : memref<327680xi32, #tpu.memory_space<hbm>> -> memref<128xi32, #tpu.memory_space<hbm>>
      tpu.enqueue_dma source(%dma_start3A_78 : memref<128xi32, #tpu.memory_space<hbm>>) target(%arg6 : memref<128xi32, #tpu.memory_space<vmem>>) target_semaphore(%arg14 : memref<!tpu.dma_semaphore, #tpu.memory_space<semaphore_mem>>)
      %mul3A_79 = arith.constant 10240 : i32
      %mul3A_80 = arith.muli %add3A, %mul3A_79 : i32
      %add3A_81 = arith.constant 3 : i32
      %add3A_82 = arith.addi %mul3A_48, %add3A_81 : i32
      %mul3A_83 = arith.constant 128 : i32
      %mul3A_84 = arith.muli %add3A_82, %mul3A_83 : i32
      %add3A_85 = arith.addi %mul3A_80, %mul3A_84 : i32
      %dma_start3A_86 = tpu.memref_slice %arg2[%add3A_85] : memref<327680xi32, #tpu.memory_space<hbm>> -> memref<128xi32, #tpu.memory_space<hbm>>
      %dma_start3A_87 = tpu.memref_slice %arg2[%add3A_85] : memref<327680xi32, #tpu.memory_space<hbm>> -> memref<128xi32, #tpu.memory_space<hbm>>
      tpu.enqueue_dma source(%dma_start3A_87 : memref<128xi32, #tpu.memory_space<hbm>>) target(%arg7 : memref<128xi32, #tpu.memory_space<vmem>>) target_semaphore(%arg15 : memref<!tpu.dma_semaphore, #tpu.memory_space<semaphore_mem>>)
      %dma_wait3A_88 = tpu.memref_slice %arg2[%add3A_59] : memref<327680xi32, #tpu.memory_space<hbm>> -> memref<128xi32, #tpu.memory_space<hbm>>
      %dma_wait3A_89 = tpu.memref_slice %arg2[%add3A_59] : memref<327680xi32, #tpu.memory_space<hbm>> -> memref<128xi32, #tpu.memory_space<hbm>>
      tpu.wait_dma2 semaphore(%arg12 : memref<!tpu.dma_semaphore, #tpu.memory_space<semaphore_mem>>) src(%dma_wait3A_89 : memref<128xi32, #tpu.memory_space<hbm>>) dst(%arg4 : memref<128xi32, #tpu.memory_space<vmem>>)
      %dma_start3A_90 = arith.constant 0 : i32
      %dma_start3A_91 = tpu.memref_slice %arg11[%dma_start3A_90] : memref<10008xf32, #tpu.memory_space<vmem_shared>> -> memref<10008xf32, #tpu.memory_space<vmem_shared>>
      tpu.enqueue_indirect_dma source(%arg8 : memref<128xf32, #tpu.memory_space<vmem>>) target(%dma_start3A_91 : memref<10008xf32, #tpu.memory_space<vmem_shared>>) offsets(%arg4 : memref<128xi32, #tpu.memory_space<vmem>>) semaphore(%arg16 : memref<!tpu.dma_semaphore, #tpu.memory_space<semaphore_mem>>) {add = true}
      %dma_wait3A_92 = tpu.memref_slice %arg2[%add3A_67] : memref<327680xi32, #tpu.memory_space<hbm>> -> memref<128xi32, #tpu.memory_space<hbm>>
      %dma_wait3A_93 = tpu.memref_slice %arg2[%add3A_67] : memref<327680xi32, #tpu.memory_space<hbm>> -> memref<128xi32, #tpu.memory_space<hbm>>
      tpu.wait_dma2 semaphore(%arg13 : memref<!tpu.dma_semaphore, #tpu.memory_space<semaphore_mem>>) src(%dma_wait3A_93 : memref<128xi32, #tpu.memory_space<hbm>>) dst(%arg5 : memref<128xi32, #tpu.memory_space<vmem>>)
      %dma_start3A_94 = arith.constant 0 : i32
      %dma_start3A_95 = tpu.memref_slice %arg11[%dma_start3A_94] : memref<10008xf32, #tpu.memory_space<vmem_shared>> -> memref<10008xf32, #tpu.memory_space<vmem_shared>>
      tpu.enqueue_indirect_dma source(%arg8 : memref<128xf32, #tpu.memory_space<vmem>>) target(%dma_start3A_95 : memref<10008xf32, #tpu.memory_space<vmem_shared>>) offsets(%arg5 : memref<128xi32, #tpu.memory_space<vmem>>) semaphore(%arg17 : memref<!tpu.dma_semaphore, #tpu.memory_space<semaphore_mem>>) {add = true}
      %dma_wait3A_96 = tpu.memref_slice %arg2[%add3A_76] : memref<327680xi32, #tpu.memory_space<hbm>> -> memref<128xi32, #tpu.memory_space<hbm>>
      %dma_wait3A_97 = tpu.memref_slice %arg2[%add3A_76] : memref<327680xi32, #tpu.memory_space<hbm>> -> memref<128xi32, #tpu.memory_space<hbm>>
      tpu.wait_dma2 semaphore(%arg14 : memref<!tpu.dma_semaphore, #tpu.memory_space<semaphore_mem>>) src(%dma_wait3A_97 : memref<128xi32, #tpu.memory_space<hbm>>) dst(%arg6 : memref<128xi32, #tpu.memory_space<vmem>>)
      %dma_start3A_98 = arith.constant 0 : i32
      %dma_start3A_99 = tpu.memref_slice %arg11[%dma_start3A_98] : memref<10008xf32, #tpu.memory_space<vmem_shared>> -> memref<10008xf32, #tpu.memory_space<vmem_shared>>
      tpu.enqueue_indirect_dma source(%arg8 : memref<128xf32, #tpu.memory_space<vmem>>) target(%dma_start3A_99 : memref<10008xf32, #tpu.memory_space<vmem_shared>>) offsets(%arg6 : memref<128xi32, #tpu.memory_space<vmem>>) semaphore(%arg18 : memref<!tpu.dma_semaphore, #tpu.memory_space<semaphore_mem>>) {add = true}
      %dma_wait3A_100 = tpu.memref_slice %arg2[%add3A_85] : memref<327680xi32, #tpu.memory_space<hbm>> -> memref<128xi32, #tpu.memory_space<hbm>>
      %dma_wait3A_101 = tpu.memref_slice %arg2[%add3A_85] : memref<327680xi32, #tpu.memory_space<hbm>> -> memref<128xi32, #tpu.memory_space<hbm>>
      tpu.wait_dma2 semaphore(%arg15 : memref<!tpu.dma_semaphore, #tpu.memory_space<semaphore_mem>>) src(%dma_wait3A_101 : memref<128xi32, #tpu.memory_space<hbm>>) dst(%arg7 : memref<128xi32, #tpu.memory_space<vmem>>)
      %dma_start3A_102 = arith.constant 0 : i32
      %dma_start3A_103 = tpu.memref_slice %arg11[%dma_start3A_102] : memref<10008xf32, #tpu.memory_space<vmem_shared>> -> memref<10008xf32, #tpu.memory_space<vmem_shared>>
      tpu.enqueue_indirect_dma source(%arg8 : memref<128xf32, #tpu.memory_space<vmem>>) target(%dma_start3A_103 : memref<10008xf32, #tpu.memory_space<vmem_shared>>) offsets(%arg7 : memref<128xi32, #tpu.memory_space<vmem>>) semaphore(%arg19 : memref<!tpu.dma_semaphore, #tpu.memory_space<semaphore_mem>>) {add = true}
    }
    %scan3A_21 = arith.constant 20 : i32
    %dma_wait3A = arith.constant 0 : i32
    %dma_wait3A_22 = tpu.memref_slice %arg11[%dma_wait3A] : memref<10008xf32, #tpu.memory_space<vmem_shared>> -> memref<10008xf32, #tpu.memory_space<vmem_shared>>
    tpu.wait_indirect_dma semaphore(%arg16 : memref<!tpu.dma_semaphore, #tpu.memory_space<semaphore_mem>>) src(%arg8 : memref<128xf32, #tpu.memory_space<vmem>>) dst(%dma_wait3A_22 : memref<10008xf32, #tpu.memory_space<vmem_shared>>)
    %dma_wait3A_23 = arith.constant 0 : i32
    %dma_wait3A_24 = tpu.memref_slice %arg11[%dma_wait3A_23] : memref<10008xf32, #tpu.memory_space<vmem_shared>> -> memref<10008xf32, #tpu.memory_space<vmem_shared>>
    tpu.wait_indirect_dma semaphore(%arg17 : memref<!tpu.dma_semaphore, #tpu.memory_space<semaphore_mem>>) src(%arg8 : memref<128xf32, #tpu.memory_space<vmem>>) dst(%dma_wait3A_24 : memref<10008xf32, #tpu.memory_space<vmem_shared>>)
    %dma_wait3A_25 = arith.constant 0 : i32
    %dma_wait3A_26 = tpu.memref_slice %arg11[%dma_wait3A_25] : memref<10008xf32, #tpu.memory_space<vmem_shared>> -> memref<10008xf32, #tpu.memory_space<vmem_shared>>
    tpu.wait_indirect_dma semaphore(%arg18 : memref<!tpu.dma_semaphore, #tpu.memory_space<semaphore_mem>>) src(%arg8 : memref<128xf32, #tpu.memory_space<vmem>>) dst(%dma_wait3A_26 : memref<10008xf32, #tpu.memory_space<vmem_shared>>)
    %dma_wait3A_27 = arith.constant 0 : i32
    %dma_wait3A_28 = tpu.memref_slice %arg11[%dma_wait3A_27] : memref<10008xf32, #tpu.memory_space<vmem_shared>> -> memref<10008xf32, #tpu.memory_space<vmem_shared>>
    tpu.wait_indirect_dma semaphore(%arg19 : memref<!tpu.dma_semaphore, #tpu.memory_space<semaphore_mem>>) src(%arg8 : memref<128xf32, #tpu.memory_space<vmem>>) dst(%dma_wait3A_28 : memref<10008xf32, #tpu.memory_space<vmem_shared>>)
    %barrier3A_29 = arith.constant 0 : index
    tpu.barrier barrier_id(%barrier3A_29)
    %mul3A_30 = arith.constant 624 : i32
    %mul3A_31 = arith.muli %arg1, %mul3A_30 : i32
    "tpu.region"() ({
      %run_scoped3A = tpu.sem_alloc : memref<!tpu.dma_semaphore, #tpu.memory_space<semaphore_mem>>
      %dma_start3A = tpu.memref_slice %arg11[%mul3A_31] : memref<10008xf32, #tpu.memory_space<vmem_shared>> -> memref<624xf32, #tpu.memory_space<vmem_shared>>
      %dma_start3A_42 = tpu.memref_slice %arg11[%mul3A_31] : memref<10008xf32, #tpu.memory_space<vmem_shared>> -> memref<624xf32, #tpu.memory_space<vmem_shared>>
      tpu.enqueue_dma source(%dma_start3A_42 : memref<624xf32, #tpu.memory_space<vmem_shared>>) target(%arg10 : memref<624xf32, #tpu.memory_space<vmem>>) target_semaphore(%run_scoped3A : memref<!tpu.dma_semaphore, #tpu.memory_space<semaphore_mem>>)
      %dma_wait3A_43 = tpu.memref_slice %arg11[%mul3A_31] : memref<10008xf32, #tpu.memory_space<vmem_shared>> -> memref<624xf32, #tpu.memory_space<vmem_shared>>
      %dma_wait3A_44 = tpu.memref_slice %arg11[%mul3A_31] : memref<10008xf32, #tpu.memory_space<vmem_shared>> -> memref<624xf32, #tpu.memory_space<vmem_shared>>
      tpu.wait_dma2 semaphore(%run_scoped3A : memref<!tpu.dma_semaphore, #tpu.memory_space<semaphore_mem>>) src(%dma_wait3A_44 : memref<624xf32, #tpu.memory_space<vmem_shared>>) dst(%arg10 : memref<624xf32, #tpu.memory_space<vmem>>)
      tpu.yield
    }) : () -> ()
    %mul3A_32 = arith.constant 10000 : i32
    %mul3A_33 = arith.muli %arg0, %mul3A_32 : i32
    %mul3A_34 = arith.constant 624 : i32
    %mul3A_35 = arith.muli %arg1, %mul3A_34 : i32
    %add3A_36 = arith.addi %mul3A_33, %mul3A_35 : i32
    "tpu.region"() ({
      %run_scoped3A = tpu.sem_alloc : memref<!tpu.dma_semaphore, #tpu.memory_space<semaphore_mem>>
      %dma_start3A = tpu.memref_slice %arg3[%add3A_36] : memref<20000xf32, #tpu.memory_space<hbm>> -> memref<624xf32, #tpu.memory_space<hbm>>
      %dma_start3A_42 = tpu.memref_slice %arg3[%add3A_36] : memref<20000xf32, #tpu.memory_space<hbm>> -> memref<624xf32, #tpu.memory_space<hbm>>
      tpu.enqueue_dma source(%arg10 : memref<624xf32, #tpu.memory_space<vmem>>) target(%dma_start3A_42 : memref<624xf32, #tpu.memory_space<hbm>>) target_semaphore(%run_scoped3A : memref<!tpu.dma_semaphore, #tpu.memory_space<semaphore_mem>>)
      %dma_wait3A_43 = tpu.memref_slice %arg3[%add3A_36] : memref<20000xf32, #tpu.memory_space<hbm>> -> memref<624xf32, #tpu.memory_space<hbm>>
      %dma_wait3A_44 = tpu.memref_slice %arg3[%add3A_36] : memref<20000xf32, #tpu.memory_space<hbm>> -> memref<624xf32, #tpu.memory_space<hbm>>
      tpu.wait_dma2 semaphore(%run_scoped3A : memref<!tpu.dma_semaphore, #tpu.memory_space<semaphore_mem>>) src(%arg10 : memref<624xf32, #tpu.memory_space<vmem>>) dst(%dma_wait3A_44 : memref<624xf32, #tpu.memory_space<hbm>>)
      tpu.yield
    }) : () -> ()
    %eq3A_37 = arith.constant 15 : i32
    %eq3A_38 = arith.cmpi eq, %arg1, %eq3A_37 : i32
    %convert_element_type3A_39 = arith.extui %eq3A_38 : i1 to i32
    %cond3A_40 = arith.constant 0 : i32
    %cond3A_41 = arith.cmpi ne, %convert_element_type3A_39, %cond3A_40 : i32
    scf.if %cond3A_41 {
      "tpu.region"() ({
        %run_scoped3A = tpu.sem_alloc : memref<!tpu.dma_semaphore, #tpu.memory_space<semaphore_mem>>
        %dma_start3A = arith.constant 0 : i32
        %dma_start3A_46 = tpu.memref_slice %arg10[%dma_start3A] : memref<624xf32, #tpu.memory_space<vmem>> -> memref<16xf32, #tpu.memory_space<vmem>>
        %dma_start3A_47 = arith.constant 9984 : i32
        %dma_start3A_48 = tpu.memref_slice %arg11[%dma_start3A_47] : memref<10008xf32, #tpu.memory_space<vmem_shared>> -> memref<16xf32, #tpu.memory_space<vmem_shared>>
        %dma_start3A_49 = arith.constant 0 : i32
        %dma_start3A_50 = tpu.memref_slice %arg10[%dma_start3A_49] : memref<624xf32, #tpu.memory_space<vmem>> -> memref<16xf32, #tpu.memory_space<vmem>>
        %dma_start3A_51 = arith.constant 9984 : i32
        %dma_start3A_52 = tpu.memref_slice %arg11[%dma_start3A_51] : memref<10008xf32, #tpu.memory_space<vmem_shared>> -> memref<16xf32, #tpu.memory_space<vmem_shared>>
        tpu.enqueue_dma source(%dma_start3A_52 : memref<16xf32, #tpu.memory_space<vmem_shared>>) target(%dma_start3A_50 : memref<16xf32, #tpu.memory_space<vmem>>) target_semaphore(%run_scoped3A : memref<!tpu.dma_semaphore, #tpu.memory_space<semaphore_mem>>)
        %dma_wait3A_53 = arith.constant 0 : i32
        %dma_wait3A_54 = tpu.memref_slice %arg10[%dma_wait3A_53] : memref<624xf32, #tpu.memory_space<vmem>> -> memref<16xf32, #tpu.memory_space<vmem>>
        %dma_wait3A_55 = arith.constant 9984 : i32
        %dma_wait3A_56 = tpu.memref_slice %arg11[%dma_wait3A_55] : memref<10008xf32, #tpu.memory_space<vmem_shared>> -> memref<16xf32, #tpu.memory_space<vmem_shared>>
        %dma_wait3A_57 = arith.constant 0 : i32
        %dma_wait3A_58 = tpu.memref_slice %arg10[%dma_wait3A_57] : memref<624xf32, #tpu.memory_space<vmem>> -> memref<16xf32, #tpu.memory_space<vmem>>
        %dma_wait3A_59 = arith.constant 9984 : i32
        %dma_wait3A_60 = tpu.memref_slice %arg11[%dma_wait3A_59] : memref<10008xf32, #tpu.memory_space<vmem_shared>> -> memref<16xf32, #tpu.memory_space<vmem_shared>>
        tpu.wait_dma2 semaphore(%run_scoped3A : memref<!tpu.dma_semaphore, #tpu.memory_space<semaphore_mem>>) src(%dma_wait3A_60 : memref<16xf32, #tpu.memory_space<vmem_shared>>) dst(%dma_wait3A_58 : memref<16xf32, #tpu.memory_space<vmem>>)
        tpu.yield
      }) : () -> ()
      %mul3A_42 = arith.constant 10000 : i32
      %mul3A_43 = arith.muli %arg0, %mul3A_42 : i32
      %add3A_44 = arith.constant 9984 : i32
      %add3A_45 = arith.addi %mul3A_43, %add3A_44 : i32
      "tpu.region"() ({
        %run_scoped3A = tpu.sem_alloc : memref<!tpu.dma_semaphore, #tpu.memory_space<semaphore_mem>>
        %dma_start3A = arith.constant 0 : i32
        %dma_start3A_46 = tpu.memref_slice %arg10[%dma_start3A] : memref<624xf32, #tpu.memory_space<vmem>> -> memref<16xf32, #tpu.memory_space<vmem>>
        %dma_start3A_47 = tpu.memref_slice %arg3[%add3A_45] : memref<20000xf32, #tpu.memory_space<hbm>> -> memref<16xf32, #tpu.memory_space<hbm>>
        %dma_start3A_48 = tpu.memref_slice %arg3[%add3A_45] : memref<20000xf32, #tpu.memory_space<hbm>> -> memref<16xf32, #tpu.memory_space<hbm>>
        %dma_start3A_49 = arith.constant 0 : i32
        %dma_start3A_50 = tpu.memref_slice %arg10[%dma_start3A_49] : memref<624xf32, #tpu.memory_space<vmem>> -> memref<16xf32, #tpu.memory_space<vmem>>
        tpu.enqueue_dma source(%dma_start3A_50 : memref<16xf32, #tpu.memory_space<vmem>>) target(%dma_start3A_48 : memref<16xf32, #tpu.memory_space<hbm>>) target_semaphore(%run_scoped3A : memref<!tpu.dma_semaphore, #tpu.memory_space<semaphore_mem>>)
        %dma_wait3A_51 = arith.constant 0 : i32
        %dma_wait3A_52 = tpu.memref_slice %arg10[%dma_wait3A_51] : memref<624xf32, #tpu.memory_space<vmem>> -> memref<16xf32, #tpu.memory_space<vmem>>
        %dma_wait3A_53 = tpu.memref_slice %arg3[%add3A_45] : memref<20000xf32, #tpu.memory_space<hbm>> -> memref<16xf32, #tpu.memory_space<hbm>>
        %dma_wait3A_54 = tpu.memref_slice %arg3[%add3A_45] : memref<20000xf32, #tpu.memory_space<hbm>> -> memref<16xf32, #tpu.memory_space<hbm>>
        %dma_wait3A_55 = arith.constant 0 : i32
        %dma_wait3A_56 = tpu.memref_slice %arg10[%dma_wait3A_55] : memref<624xf32, #tpu.memory_space<vmem>> -> memref<16xf32, #tpu.memory_space<vmem>>
        tpu.wait_dma2 semaphore(%run_scoped3A : memref<!tpu.dma_semaphore, #tpu.memory_space<semaphore_mem>>) src(%dma_wait3A_56 : memref<16xf32, #tpu.memory_space<vmem>>) dst(%dma_wait3A_54 : memref<16xf32, #tpu.memory_space<hbm>>)
        tpu.yield
      }) : () -> ()
    } else {
    }
    return
  }
}

#map = affine_map<(d0, d1) -> (0, 0)>
#map1 = affine_map<(d0, d1) -> (0)>
#map2 = affine_map<(d0, d1) -> (0, 0, 0)>
module attributes {stable_mosaic.version = 14 : i64} {
  func.func @scatter_kernel(%arg0: i32, %arg1: i32, %arg2: memref<10000x128xf32, #tpu.memory_space<hbm>>, %arg3: memref<327680xi32, #tpu.memory_space<hbm>>, %arg4: memref<327680xi32, #tpu.memory_space<hbm>>, %arg5: memref<2x10000x128xf32, #tpu.memory_space<hbm>>, %arg6: memref<10240xi32, #tpu.memory_space<vmem>>, %arg7: memref<128xi32, #tpu.memory_space<vmem>>, %arg8: memref<128xi32, #tpu.memory_space<vmem>>, %arg9: memref<128x128xf32, #tpu.memory_space<vmem>>, %arg10: memref<128x128xf32, #tpu.memory_space<vmem>>, %arg11: memref<48x128xf32, #tpu.memory_space<vmem>>, %arg12: memref<10008x128xf32, #tpu.memory_space<vmem_shared>>, %arg13: memref<!tpu.dma_semaphore, #tpu.memory_space<semaphore_mem>>, %arg14: memref<!tpu.dma_semaphore, #tpu.memory_space<semaphore_mem>>, %arg15: memref<!tpu.dma_semaphore, #tpu.memory_space<semaphore_mem>>, %arg16: memref<!tpu.dma_semaphore, #tpu.memory_space<semaphore_mem>>, %arg17: memref<!tpu.dma_semaphore, #tpu.memory_space<semaphore_mem>>, %arg18: memref<!tpu.dma_semaphore, #tpu.memory_space<semaphore_mem>>) attributes {dimension_semantics = [#tpu.dimension_semantics<core_parallel>, #tpu.dimension_semantics<subcore_parallel>], iteration_bounds = array<i64: 2, 16>, scalar_prefetch = 0 : i64, scratch_operands = 13 : i64, tpu.core_type = #tpu.core_type<sc_vector_subcore>, window_params = [{transform_indices = #map}, {transform_indices = #map1}, {transform_indices = #map1}, {transform_indices = #map2}]} {
    %mul3A = arith.constant 2 : i32
    %mul3A_0 = arith.muli %arg1, %mul3A : i32
    %add3A = arith.addi %mul3A_0, %arg0 : i32
    %mul3A_1 = arith.constant 10240 : i32
    %mul3A_2 = arith.muli %add3A, %mul3A_1 : i32
    %dma_start3A = tpu.memref_slice %arg3[%mul3A_2] : memref<327680xi32, #tpu.memory_space<hbm>> -> memref<10240xi32, #tpu.memory_space<hbm>>
    %dma_start3A_3 = tpu.memref_slice %arg3[%mul3A_2] : memref<327680xi32, #tpu.memory_space<hbm>> -> memref<10240xi32, #tpu.memory_space<hbm>>
    tpu.enqueue_dma source(%dma_start3A_3 : memref<10240xi32, #tpu.memory_space<hbm>>) target(%arg6 : memref<10240xi32, #tpu.memory_space<vmem>>) target_semaphore(%arg13 : memref<!tpu.dma_semaphore, #tpu.memory_space<semaphore_mem>>)
    %scan3A = arith.constant 0 : i32
    %scan3A_4 = arith.constant 48 : i32
    %scan3A_5 = arith.addi %scan3A, %scan3A_4 : i32
    %scan3A_6 = arith.constant 1 : i32
    scf.for %scan3A_188 = %scan3A to %scan3A_5 step %scan3A_6  : i32 {
      %mul3A_189 = arith.constant 1 : i32
      %mul3A_190 = arith.muli %scan3A_188, %mul3A_189 : i32
      %add3A_191 = arith.constant 0 : i32
      %add3A_192 = arith.addi %add3A_191, %mul3A_190 : i32
      %scan3A_193 = arith.constant 0 : i32
      %scan3A_194 = arith.constant 8 : i32
      %scan3A_195 = arith.addi %scan3A_193, %scan3A_194 : i32
      %scan3A_196 = arith.constant 1 : i32
      scf.for %scan3A_198 = %scan3A_193 to %scan3A_195 step %scan3A_196  : i32 {
        %mul3A_199 = arith.constant 16 : i32
        %mul3A_200 = arith.muli %scan3A_198, %mul3A_199 : i32
        %add3A_201 = arith.constant 0 : i32
        %add3A_202 = arith.addi %add3A_201, %mul3A_200 : i32
        %broadcast_in_dim3A = arith.constant 0.000000e+00 : f32
        %broadcast_in_dim3A_203 = vector.broadcast %broadcast_in_dim3A : f32 to vector<16xf32>
        %swap3A = arith.index_cast %add3A_192 : i32 to index
        %swap3A_204 = arith.index_cast %add3A_202 : i32 to index
        %swap3A_205 = tpu.vector_load %arg11[%swap3A, %swap3A_204] {strides = array<i32>} : memref<48x128xf32, #tpu.memory_space<vmem>>, vector<1x16xf32>,
        %swap3A_206 = vector.shape_cast %swap3A_205 : vector<1x16xf32> to vector<16xf32>
        %swap3A_207 = vector.shape_cast %broadcast_in_dim3A_203 : vector<16xf32> to vector<1x16xf32>
        tpu.vector_store %arg11[%swap3A, %swap3A_204], %swap3A_207 {strides = array<i32>} : memref<48x128xf32, #tpu.memory_space<vmem>>, vector<1x16xf32>,
      }
      %scan3A_197 = arith.constant 8 : i32
    }
    %scan3A_7 = arith.constant 48 : i32
    %mul3A_8 = arith.constant 624 : i32
    %mul3A_9 = arith.muli %arg1, %mul3A_8 : i32
    %add3A_10 = arith.constant 0 : i32
    %add3A_11 = arith.addi %mul3A_9, %add3A_10 : i32
    %dma_start3A_12 = arith.constant 0 : i32
    %dma_start3A_13 = tpu.memref_slice %arg12[%add3A_11, %dma_start3A_12] : memref<10008x128xf32, #tpu.memory_space<vmem_shared>> -> memref<48x128xf32, #tpu.memory_space<vmem_shared>>
    %dma_start3A_14 = arith.constant 0 : i32
    %dma_start3A_15 = tpu.memref_slice %arg12[%add3A_11, %dma_start3A_14] : memref<10008x128xf32, #tpu.memory_space<vmem_shared>> -> memref<48x128xf32, #tpu.memory_space<vmem_shared>>
    tpu.enqueue_dma source(%arg11 : memref<48x128xf32, #tpu.memory_space<vmem>>) target(%dma_start3A_15 : memref<48x128xf32, #tpu.memory_space<vmem_shared>>) target_semaphore(%arg14 : memref<!tpu.dma_semaphore, #tpu.memory_space<semaphore_mem>>)
    %mul3A_16 = arith.constant 624 : i32
    %mul3A_17 = arith.muli %arg1, %mul3A_16 : i32
    %add3A_18 = arith.constant 48 : i32
    %add3A_19 = arith.addi %mul3A_17, %add3A_18 : i32
    %dma_start3A_20 = arith.constant 0 : i32
    %dma_start3A_21 = tpu.memref_slice %arg12[%add3A_19, %dma_start3A_20] : memref<10008x128xf32, #tpu.memory_space<vmem_shared>> -> memref<48x128xf32, #tpu.memory_space<vmem_shared>>
    %dma_start3A_22 = arith.constant 0 : i32
    %dma_start3A_23 = tpu.memref_slice %arg12[%add3A_19, %dma_start3A_22] : memref<10008x128xf32, #tpu.memory_space<vmem_shared>> -> memref<48x128xf32, #tpu.memory_space<vmem_shared>>
    tpu.enqueue_dma source(%arg11 : memref<48x128xf32, #tpu.memory_space<vmem>>) target(%dma_start3A_23 : memref<48x128xf32, #tpu.memory_space<vmem_shared>>) target_semaphore(%arg14 : memref<!tpu.dma_semaphore, #tpu.memory_space<semaphore_mem>>)
    %mul3A_24 = arith.constant 624 : i32
    %mul3A_25 = arith.muli %arg1, %mul3A_24 : i32
    %add3A_26 = arith.constant 96 : i32
    %add3A_27 = arith.addi %mul3A_25, %add3A_26 : i32
    %dma_start3A_28 = arith.constant 0 : i32
    %dma_start3A_29 = tpu.memref_slice %arg12[%add3A_27, %dma_start3A_28] : memref<10008x128xf32, #tpu.memory_space<vmem_shared>> -> memref<48x128xf32, #tpu.memory_space<vmem_shared>>
    %dma_start3A_30 = arith.constant 0 : i32
    %dma_start3A_31 = tpu.memref_slice %arg12[%add3A_27, %dma_start3A_30] : memref<10008x128xf32, #tpu.memory_space<vmem_shared>> -> memref<48x128xf32, #tpu.memory_space<vmem_shared>>
    tpu.enqueue_dma source(%arg11 : memref<48x128xf32, #tpu.memory_space<vmem>>) target(%dma_start3A_31 : memref<48x128xf32, #tpu.memory_space<vmem_shared>>) target_semaphore(%arg14 : memref<!tpu.dma_semaphore, #tpu.memory_space<semaphore_mem>>)
    %mul3A_32 = arith.constant 624 : i32
    %mul3A_33 = arith.muli %arg1, %mul3A_32 : i32
    %add3A_34 = arith.constant 144 : i32
    %add3A_35 = arith.addi %mul3A_33, %add3A_34 : i32
    %dma_start3A_36 = arith.constant 0 : i32
    %dma_start3A_37 = tpu.memref_slice %arg12[%add3A_35, %dma_start3A_36] : memref<10008x128xf32, #tpu.memory_space<vmem_shared>> -> memref<48x128xf32, #tpu.memory_space<vmem_shared>>
    %dma_start3A_38 = arith.constant 0 : i32
    %dma_start3A_39 = tpu.memref_slice %arg12[%add3A_35, %dma_start3A_38] : memref<10008x128xf32, #tpu.memory_space<vmem_shared>> -> memref<48x128xf32, #tpu.memory_space<vmem_shared>>
    tpu.enqueue_dma source(%arg11 : memref<48x128xf32, #tpu.memory_space<vmem>>) target(%dma_start3A_39 : memref<48x128xf32, #tpu.memory_space<vmem_shared>>) target_semaphore(%arg14 : memref<!tpu.dma_semaphore, #tpu.memory_space<semaphore_mem>>)
    %mul3A_40 = arith.constant 624 : i32
    %mul3A_41 = arith.muli %arg1, %mul3A_40 : i32
    %add3A_42 = arith.constant 192 : i32
    %add3A_43 = arith.addi %mul3A_41, %add3A_42 : i32
    %dma_start3A_44 = arith.constant 0 : i32
    %dma_start3A_45 = tpu.memref_slice %arg12[%add3A_43, %dma_start3A_44] : memref<10008x128xf32, #tpu.memory_space<vmem_shared>> -> memref<48x128xf32, #tpu.memory_space<vmem_shared>>
    %dma_start3A_46 = arith.constant 0 : i32
    %dma_start3A_47 = tpu.memref_slice %arg12[%add3A_43, %dma_start3A_46] : memref<10008x128xf32, #tpu.memory_space<vmem_shared>> -> memref<48x128xf32, #tpu.memory_space<vmem_shared>>
    tpu.enqueue_dma source(%arg11 : memref<48x128xf32, #tpu.memory_space<vmem>>) target(%dma_start3A_47 : memref<48x128xf32, #tpu.memory_space<vmem_shared>>) target_semaphore(%arg14 : memref<!tpu.dma_semaphore, #tpu.memory_space<semaphore_mem>>)
    %mul3A_48 = arith.constant 624 : i32
    %mul3A_49 = arith.muli %arg1, %mul3A_48 : i32
    %add3A_50 = arith.constant 240 : i32
    %add3A_51 = arith.addi %mul3A_49, %add3A_50 : i32
    %dma_start3A_52 = arith.constant 0 : i32
    %dma_start3A_53 = tpu.memref_slice %arg12[%add3A_51, %dma_start3A_52] : memref<10008x128xf32, #tpu.memory_space<vmem_shared>> -> memref<48x128xf32, #tpu.memory_space<vmem_shared>>
    %dma_start3A_54 = arith.constant 0 : i32
    %dma_start3A_55 = tpu.memref_slice %arg12[%add3A_51, %dma_start3A_54] : memref<10008x128xf32, #tpu.memory_space<vmem_shared>> -> memref<48x128xf32, #tpu.memory_space<vmem_shared>>
    tpu.enqueue_dma source(%arg11 : memref<48x128xf32, #tpu.memory_space<vmem>>) target(%dma_start3A_55 : memref<48x128xf32, #tpu.memory_space<vmem_shared>>) target_semaphore(%arg14 : memref<!tpu.dma_semaphore, #tpu.memory_space<semaphore_mem>>)
    %mul3A_56 = arith.constant 624 : i32
    %mul3A_57 = arith.muli %arg1, %mul3A_56 : i32
    %add3A_58 = arith.constant 288 : i32
    %add3A_59 = arith.addi %mul3A_57, %add3A_58 : i32
    %dma_start3A_60 = arith.constant 0 : i32
    %dma_start3A_61 = tpu.memref_slice %arg12[%add3A_59, %dma_start3A_60] : memref<10008x128xf32, #tpu.memory_space<vmem_shared>> -> memref<48x128xf32, #tpu.memory_space<vmem_shared>>
    %dma_start3A_62 = arith.constant 0 : i32
    %dma_start3A_63 = tpu.memref_slice %arg12[%add3A_59, %dma_start3A_62] : memref<10008x128xf32, #tpu.memory_space<vmem_shared>> -> memref<48x128xf32, #tpu.memory_space<vmem_shared>>
    tpu.enqueue_dma source(%arg11 : memref<48x128xf32, #tpu.memory_space<vmem>>) target(%dma_start3A_63 : memref<48x128xf32, #tpu.memory_space<vmem_shared>>) target_semaphore(%arg14 : memref<!tpu.dma_semaphore, #tpu.memory_space<semaphore_mem>>)
    %mul3A_64 = arith.constant 624 : i32
    %mul3A_65 = arith.muli %arg1, %mul3A_64 : i32
    %add3A_66 = arith.constant 336 : i32
    %add3A_67 = arith.addi %mul3A_65, %add3A_66 : i32
    %dma_start3A_68 = arith.constant 0 : i32
    %dma_start3A_69 = tpu.memref_slice %arg12[%add3A_67, %dma_start3A_68] : memref<10008x128xf32, #tpu.memory_space<vmem_shared>> -> memref<48x128xf32, #tpu.memory_space<vmem_shared>>
    %dma_start3A_70 = arith.constant 0 : i32
    %dma_start3A_71 = tpu.memref_slice %arg12[%add3A_67, %dma_start3A_70] : memref<10008x128xf32, #tpu.memory_space<vmem_shared>> -> memref<48x128xf32, #tpu.memory_space<vmem_shared>>
    tpu.enqueue_dma source(%arg11 : memref<48x128xf32, #tpu.memory_space<vmem>>) target(%dma_start3A_71 : memref<48x128xf32, #tpu.memory_space<vmem_shared>>) target_semaphore(%arg14 : memref<!tpu.dma_semaphore, #tpu.memory_space<semaphore_mem>>)
    %mul3A_72 = arith.constant 624 : i32
    %mul3A_73 = arith.muli %arg1, %mul3A_72 : i32
    %add3A_74 = arith.constant 384 : i32
    %add3A_75 = arith.addi %mul3A_73, %add3A_74 : i32
    %dma_start3A_76 = arith.constant 0 : i32
    %dma_start3A_77 = tpu.memref_slice %arg12[%add3A_75, %dma_start3A_76] : memref<10008x128xf32, #tpu.memory_space<vmem_shared>> -> memref<48x128xf32, #tpu.memory_space<vmem_shared>>
    %dma_start3A_78 = arith.constant 0 : i32
    %dma_start3A_79 = tpu.memref_slice %arg12[%add3A_75, %dma_start3A_78] : memref<10008x128xf32, #tpu.memory_space<vmem_shared>> -> memref<48x128xf32, #tpu.memory_space<vmem_shared>>
    tpu.enqueue_dma source(%arg11 : memref<48x128xf32, #tpu.memory_space<vmem>>) target(%dma_start3A_79 : memref<48x128xf32, #tpu.memory_space<vmem_shared>>) target_semaphore(%arg14 : memref<!tpu.dma_semaphore, #tpu.memory_space<semaphore_mem>>)
    %mul3A_80 = arith.constant 624 : i32
    %mul3A_81 = arith.muli %arg1, %mul3A_80 : i32
    %add3A_82 = arith.constant 432 : i32
    %add3A_83 = arith.addi %mul3A_81, %add3A_82 : i32
    %dma_start3A_84 = arith.constant 0 : i32
    %dma_start3A_85 = tpu.memref_slice %arg12[%add3A_83, %dma_start3A_84] : memref<10008x128xf32, #tpu.memory_space<vmem_shared>> -> memref<48x128xf32, #tpu.memory_space<vmem_shared>>
    %dma_start3A_86 = arith.constant 0 : i32
    %dma_start3A_87 = tpu.memref_slice %arg12[%add3A_83, %dma_start3A_86] : memref<10008x128xf32, #tpu.memory_space<vmem_shared>> -> memref<48x128xf32, #tpu.memory_space<vmem_shared>>
    tpu.enqueue_dma source(%arg11 : memref<48x128xf32, #tpu.memory_space<vmem>>) target(%dma_start3A_87 : memref<48x128xf32, #tpu.memory_space<vmem_shared>>) target_semaphore(%arg14 : memref<!tpu.dma_semaphore, #tpu.memory_space<semaphore_mem>>)
    %mul3A_88 = arith.constant 624 : i32
    %mul3A_89 = arith.muli %arg1, %mul3A_88 : i32
    %add3A_90 = arith.constant 480 : i32
    %add3A_91 = arith.addi %mul3A_89, %add3A_90 : i32
    %dma_start3A_92 = arith.constant 0 : i32
    %dma_start3A_93 = tpu.memref_slice %arg12[%add3A_91, %dma_start3A_92] : memref<10008x128xf32, #tpu.memory_space<vmem_shared>> -> memref<48x128xf32, #tpu.memory_space<vmem_shared>>
    %dma_start3A_94 = arith.constant 0 : i32
    %dma_start3A_95 = tpu.memref_slice %arg12[%add3A_91, %dma_start3A_94] : memref<10008x128xf32, #tpu.memory_space<vmem_shared>> -> memref<48x128xf32, #tpu.memory_space<vmem_shared>>
    tpu.enqueue_dma source(%arg11 : memref<48x128xf32, #tpu.memory_space<vmem>>) target(%dma_start3A_95 : memref<48x128xf32, #tpu.memory_space<vmem_shared>>) target_semaphore(%arg14 : memref<!tpu.dma_semaphore, #tpu.memory_space<semaphore_mem>>)
    %mul3A_96 = arith.constant 624 : i32
    %mul3A_97 = arith.muli %arg1, %mul3A_96 : i32
    %add3A_98 = arith.constant 528 : i32
    %add3A_99 = arith.addi %mul3A_97, %add3A_98 : i32
    %dma_start3A_100 = arith.constant 0 : i32
    %dma_start3A_101 = tpu.memref_slice %arg12[%add3A_99, %dma_start3A_100] : memref<10008x128xf32, #tpu.memory_space<vmem_shared>> -> memref<48x128xf32, #tpu.memory_space<vmem_shared>>
    %dma_start3A_102 = arith.constant 0 : i32
    %dma_start3A_103 = tpu.memref_slice %arg12[%add3A_99, %dma_start3A_102] : memref<10008x128xf32, #tpu.memory_space<vmem_shared>> -> memref<48x128xf32, #tpu.memory_space<vmem_shared>>
    tpu.enqueue_dma source(%arg11 : memref<48x128xf32, #tpu.memory_space<vmem>>) target(%dma_start3A_103 : memref<48x128xf32, #tpu.memory_space<vmem_shared>>) target_semaphore(%arg14 : memref<!tpu.dma_semaphore, #tpu.memory_space<semaphore_mem>>)
    %mul3A_104 = arith.constant 624 : i32
    %mul3A_105 = arith.muli %arg1, %mul3A_104 : i32
    %add3A_106 = arith.constant 576 : i32
    %add3A_107 = arith.addi %mul3A_105, %add3A_106 : i32
    %dma_start3A_108 = arith.constant 0 : i32
    %dma_start3A_109 = tpu.memref_slice %arg12[%add3A_107, %dma_start3A_108] : memref<10008x128xf32, #tpu.memory_space<vmem_shared>> -> memref<48x128xf32, #tpu.memory_space<vmem_shared>>
    %dma_start3A_110 = arith.constant 0 : i32
    %dma_start3A_111 = tpu.memref_slice %arg12[%add3A_107, %dma_start3A_110] : memref<10008x128xf32, #tpu.memory_space<vmem_shared>> -> memref<48x128xf32, #tpu.memory_space<vmem_shared>>
    tpu.enqueue_dma source(%arg11 : memref<48x128xf32, #tpu.memory_space<vmem>>) target(%dma_start3A_111 : memref<48x128xf32, #tpu.memory_space<vmem_shared>>) target_semaphore(%arg14 : memref<!tpu.dma_semaphore, #tpu.memory_space<semaphore_mem>>)
    %eq3A = arith.constant 15 : i32
    %eq3A_112 = arith.cmpi eq, %arg1, %eq3A : i32
    %convert_element_type3A = arith.extui %eq3A_112 : i1 to i32
    %cond3A = arith.constant 0 : i32
    %cond3A_113 = arith.cmpi ne, %convert_element_type3A, %cond3A : i32
    scf.if %cond3A_113 {
      "tpu.region"() ({
        %run_scoped3A = tpu.sem_alloc : memref<!tpu.dma_semaphore, #tpu.memory_space<semaphore_mem>>
        %dma_start3A_188 = arith.constant 0 : i32
        %dma_start3A_189 = arith.constant 0 : i32
        %dma_start3A_190 = tpu.memref_slice %arg11[%dma_start3A_188, %dma_start3A_189] : memref<48x128xf32, #tpu.memory_space<vmem>> -> memref<16x128xf32, #tpu.memory_space<vmem>>
        %dma_start3A_191 = arith.constant 9984 : i32
        %dma_start3A_192 = arith.constant 0 : i32
        %dma_start3A_193 = tpu.memref_slice %arg12[%dma_start3A_191, %dma_start3A_192] : memref<10008x128xf32, #tpu.memory_space<vmem_shared>> -> memref<16x128xf32, #tpu.memory_space<vmem_shared>>
        %dma_start3A_194 = arith.constant 9984 : i32
        %dma_start3A_195 = arith.constant 0 : i32
        %dma_start3A_196 = tpu.memref_slice %arg12[%dma_start3A_194, %dma_start3A_195] : memref<10008x128xf32, #tpu.memory_space<vmem_shared>> -> memref<16x128xf32, #tpu.memory_space<vmem_shared>>
        %dma_start3A_197 = arith.constant 0 : i32
        %dma_start3A_198 = arith.constant 0 : i32
        %dma_start3A_199 = tpu.memref_slice %arg11[%dma_start3A_197, %dma_start3A_198] : memref<48x128xf32, #tpu.memory_space<vmem>> -> memref<16x128xf32, #tpu.memory_space<vmem>>
        tpu.enqueue_dma source(%dma_start3A_199 : memref<16x128xf32, #tpu.memory_space<vmem>>) target(%dma_start3A_196 : memref<16x128xf32, #tpu.memory_space<vmem_shared>>) target_semaphore(%run_scoped3A : memref<!tpu.dma_semaphore, #tpu.memory_space<semaphore_mem>>)
        %dma_wait3A_200 = arith.constant 0 : i32
        %dma_wait3A_201 = arith.constant 0 : i32
        %dma_wait3A_202 = tpu.memref_slice %arg11[%dma_wait3A_200, %dma_wait3A_201] : memref<48x128xf32, #tpu.memory_space<vmem>> -> memref<16x128xf32, #tpu.memory_space<vmem>>
        %dma_wait3A_203 = arith.constant 9984 : i32
        %dma_wait3A_204 = arith.constant 0 : i32
        %dma_wait3A_205 = tpu.memref_slice %arg12[%dma_wait3A_203, %dma_wait3A_204] : memref<10008x128xf32, #tpu.memory_space<vmem_shared>> -> memref<16x128xf32, #tpu.memory_space<vmem_shared>>
        %dma_wait3A_206 = arith.constant 9984 : i32
        %dma_wait3A_207 = arith.constant 0 : i32
        %dma_wait3A_208 = tpu.memref_slice %arg12[%dma_wait3A_206, %dma_wait3A_207] : memref<10008x128xf32, #tpu.memory_space<vmem_shared>> -> memref<16x128xf32, #tpu.memory_space<vmem_shared>>
        %dma_wait3A_209 = arith.constant 0 : i32
        %dma_wait3A_210 = arith.constant 0 : i32
        %dma_wait3A_211 = tpu.memref_slice %arg11[%dma_wait3A_209, %dma_wait3A_210] : memref<48x128xf32, #tpu.memory_space<vmem>> -> memref<16x128xf32, #tpu.memory_space<vmem>>
        tpu.wait_dma2 semaphore(%run_scoped3A : memref<!tpu.dma_semaphore, #tpu.memory_space<semaphore_mem>>) src(%dma_wait3A_211 : memref<16x128xf32, #tpu.memory_space<vmem>>) dst(%dma_wait3A_208 : memref<16x128xf32, #tpu.memory_space<vmem_shared>>)
        tpu.yield
      }) : () -> ()
    } else {
    }
    %dma_wait3A = arith.constant 0 : i32
    %dma_wait3A_114 = tpu.memref_slice %arg12[%add3A_11, %dma_wait3A] : memref<10008x128xf32, #tpu.memory_space<vmem_shared>> -> memref<48x128xf32, #tpu.memory_space<vmem_shared>>
    %dma_wait3A_115 = arith.constant 0 : i32
    %dma_wait3A_116 = tpu.memref_slice %arg12[%add3A_11, %dma_wait3A_115] : memref<10008x128xf32, #tpu.memory_space<vmem_shared>> -> memref<48x128xf32, #tpu.memory_space<vmem_shared>>
    tpu.wait_dma2 semaphore(%arg14 : memref<!tpu.dma_semaphore, #tpu.memory_space<semaphore_mem>>) src(%arg11 : memref<48x128xf32, #tpu.memory_space<vmem>>) dst(%dma_wait3A_116 : memref<48x128xf32, #tpu.memory_space<vmem_shared>>)
    %dma_wait3A_117 = arith.constant 0 : i32
    %dma_wait3A_118 = tpu.memref_slice %arg12[%add3A_19, %dma_wait3A_117] : memref<10008x128xf32, #tpu.memory_space<vmem_shared>> -> memref<48x128xf32, #tpu.memory_space<vmem_shared>>
    %dma_wait3A_119 = arith.constant 0 : i32
    %dma_wait3A_120 = tpu.memref_slice %arg12[%add3A_19, %dma_wait3A_119] : memref<10008x128xf32, #tpu.memory_space<vmem_shared>> -> memref<48x128xf32, #tpu.memory_space<vmem_shared>>
    tpu.wait_dma2 semaphore(%arg14 : memref<!tpu.dma_semaphore, #tpu.memory_space<semaphore_mem>>) src(%arg11 : memref<48x128xf32, #tpu.memory_space<vmem>>) dst(%dma_wait3A_120 : memref<48x128xf32, #tpu.memory_space<vmem_shared>>)
    %dma_wait3A_121 = arith.constant 0 : i32
    %dma_wait3A_122 = tpu.memref_slice %arg12[%add3A_27, %dma_wait3A_121] : memref<10008x128xf32, #tpu.memory_space<vmem_shared>> -> memref<48x128xf32, #tpu.memory_space<vmem_shared>>
    %dma_wait3A_123 = arith.constant 0 : i32
    %dma_wait3A_124 = tpu.memref_slice %arg12[%add3A_27, %dma_wait3A_123] : memref<10008x128xf32, #tpu.memory_space<vmem_shared>> -> memref<48x128xf32, #tpu.memory_space<vmem_shared>>
    tpu.wait_dma2 semaphore(%arg14 : memref<!tpu.dma_semaphore, #tpu.memory_space<semaphore_mem>>) src(%arg11 : memref<48x128xf32, #tpu.memory_space<vmem>>) dst(%dma_wait3A_124 : memref<48x128xf32, #tpu.memory_space<vmem_shared>>)
    %dma_wait3A_125 = arith.constant 0 : i32
    %dma_wait3A_126 = tpu.memref_slice %arg12[%add3A_35, %dma_wait3A_125] : memref<10008x128xf32, #tpu.memory_space<vmem_shared>> -> memref<48x128xf32, #tpu.memory_space<vmem_shared>>
    %dma_wait3A_127 = arith.constant 0 : i32
    %dma_wait3A_128 = tpu.memref_slice %arg12[%add3A_35, %dma_wait3A_127] : memref<10008x128xf32, #tpu.memory_space<vmem_shared>> -> memref<48x128xf32, #tpu.memory_space<vmem_shared>>
    tpu.wait_dma2 semaphore(%arg14 : memref<!tpu.dma_semaphore, #tpu.memory_space<semaphore_mem>>) src(%arg11 : memref<48x128xf32, #tpu.memory_space<vmem>>) dst(%dma_wait3A_128 : memref<48x128xf32, #tpu.memory_space<vmem_shared>>)
    %dma_wait3A_129 = arith.constant 0 : i32
    %dma_wait3A_130 = tpu.memref_slice %arg12[%add3A_43, %dma_wait3A_129] : memref<10008x128xf32, #tpu.memory_space<vmem_shared>> -> memref<48x128xf32, #tpu.memory_space<vmem_shared>>
    %dma_wait3A_131 = arith.constant 0 : i32
    %dma_wait3A_132 = tpu.memref_slice %arg12[%add3A_43, %dma_wait3A_131] : memref<10008x128xf32, #tpu.memory_space<vmem_shared>> -> memref<48x128xf32, #tpu.memory_space<vmem_shared>>
    tpu.wait_dma2 semaphore(%arg14 : memref<!tpu.dma_semaphore, #tpu.memory_space<semaphore_mem>>) src(%arg11 : memref<48x128xf32, #tpu.memory_space<vmem>>) dst(%dma_wait3A_132 : memref<48x128xf32, #tpu.memory_space<vmem_shared>>)
    %dma_wait3A_133 = arith.constant 0 : i32
    %dma_wait3A_134 = tpu.memref_slice %arg12[%add3A_51, %dma_wait3A_133] : memref<10008x128xf32, #tpu.memory_space<vmem_shared>> -> memref<48x128xf32, #tpu.memory_space<vmem_shared>>
    %dma_wait3A_135 = arith.constant 0 : i32
    %dma_wait3A_136 = tpu.memref_slice %arg12[%add3A_51, %dma_wait3A_135] : memref<10008x128xf32, #tpu.memory_space<vmem_shared>> -> memref<48x128xf32, #tpu.memory_space<vmem_shared>>
    tpu.wait_dma2 semaphore(%arg14 : memref<!tpu.dma_semaphore, #tpu.memory_space<semaphore_mem>>) src(%arg11 : memref<48x128xf32, #tpu.memory_space<vmem>>) dst(%dma_wait3A_136 : memref<48x128xf32, #tpu.memory_space<vmem_shared>>)
    %dma_wait3A_137 = arith.constant 0 : i32
    %dma_wait3A_138 = tpu.memref_slice %arg12[%add3A_59, %dma_wait3A_137] : memref<10008x128xf32, #tpu.memory_space<vmem_shared>> -> memref<48x128xf32, #tpu.memory_space<vmem_shared>>
    %dma_wait3A_139 = arith.constant 0 : i32
    %dma_wait3A_140 = tpu.memref_slice %arg12[%add3A_59, %dma_wait3A_139] : memref<10008x128xf32, #tpu.memory_space<vmem_shared>> -> memref<48x128xf32, #tpu.memory_space<vmem_shared>>
    tpu.wait_dma2 semaphore(%arg14 : memref<!tpu.dma_semaphore, #tpu.memory_space<semaphore_mem>>) src(%arg11 : memref<48x128xf32, #tpu.memory_space<vmem>>) dst(%dma_wait3A_140 : memref<48x128xf32, #tpu.memory_space<vmem_shared>>)
    %dma_wait3A_141 = arith.constant 0 : i32
    %dma_wait3A_142 = tpu.memref_slice %arg12[%add3A_67, %dma_wait3A_141] : memref<10008x128xf32, #tpu.memory_space<vmem_shared>> -> memref<48x128xf32, #tpu.memory_space<vmem_shared>>
    %dma_wait3A_143 = arith.constant 0 : i32
    %dma_wait3A_144 = tpu.memref_slice %arg12[%add3A_67, %dma_wait3A_143] : memref<10008x128xf32, #tpu.memory_space<vmem_shared>> -> memref<48x128xf32, #tpu.memory_space<vmem_shared>>
    tpu.wait_dma2 semaphore(%arg14 : memref<!tpu.dma_semaphore, #tpu.memory_space<semaphore_mem>>) src(%arg11 : memref<48x128xf32, #tpu.memory_space<vmem>>) dst(%dma_wait3A_144 : memref<48x128xf32, #tpu.memory_space<vmem_shared>>)
    %dma_wait3A_145 = arith.constant 0 : i32
    %dma_wait3A_146 = tpu.memref_slice %arg12[%add3A_75, %dma_wait3A_145] : memref<10008x128xf32, #tpu.memory_space<vmem_shared>> -> memref<48x128xf32, #tpu.memory_space<vmem_shared>>
    %dma_wait3A_147 = arith.constant 0 : i32
    %dma_wait3A_148 = tpu.memref_slice %arg12[%add3A_75, %dma_wait3A_147] : memref<10008x128xf32, #tpu.memory_space<vmem_shared>> -> memref<48x128xf32, #tpu.memory_space<vmem_shared>>
    tpu.wait_dma2 semaphore(%arg14 : memref<!tpu.dma_semaphore, #tpu.memory_space<semaphore_mem>>) src(%arg11 : memref<48x128xf32, #tpu.memory_space<vmem>>) dst(%dma_wait3A_148 : memref<48x128xf32, #tpu.memory_space<vmem_shared>>)
    %dma_wait3A_149 = arith.constant 0 : i32
    %dma_wait3A_150 = tpu.memref_slice %arg12[%add3A_83, %dma_wait3A_149] : memref<10008x128xf32, #tpu.memory_space<vmem_shared>> -> memref<48x128xf32, #tpu.memory_space<vmem_shared>>
    %dma_wait3A_151 = arith.constant 0 : i32
    %dma_wait3A_152 = tpu.memref_slice %arg12[%add3A_83, %dma_wait3A_151] : memref<10008x128xf32, #tpu.memory_space<vmem_shared>> -> memref<48x128xf32, #tpu.memory_space<vmem_shared>>
    tpu.wait_dma2 semaphore(%arg14 : memref<!tpu.dma_semaphore, #tpu.memory_space<semaphore_mem>>) src(%arg11 : memref<48x128xf32, #tpu.memory_space<vmem>>) dst(%dma_wait3A_152 : memref<48x128xf32, #tpu.memory_space<vmem_shared>>)
    %dma_wait3A_153 = arith.constant 0 : i32
    %dma_wait3A_154 = tpu.memref_slice %arg12[%add3A_91, %dma_wait3A_153] : memref<10008x128xf32, #tpu.memory_space<vmem_shared>> -> memref<48x128xf32, #tpu.memory_space<vmem_shared>>
    %dma_wait3A_155 = arith.constant 0 : i32
    %dma_wait3A_156 = tpu.memref_slice %arg12[%add3A_91, %dma_wait3A_155] : memref<10008x128xf32, #tpu.memory_space<vmem_shared>> -> memref<48x128xf32, #tpu.memory_space<vmem_shared>>
    tpu.wait_dma2 semaphore(%arg14 : memref<!tpu.dma_semaphore, #tpu.memory_space<semaphore_mem>>) src(%arg11 : memref<48x128xf32, #tpu.memory_space<vmem>>) dst(%dma_wait3A_156 : memref<48x128xf32, #tpu.memory_space<vmem_shared>>)
    %dma_wait3A_157 = arith.constant 0 : i32
    %dma_wait3A_158 = tpu.memref_slice %arg12[%add3A_99, %dma_wait3A_157] : memref<10008x128xf32, #tpu.memory_space<vmem_shared>> -> memref<48x128xf32, #tpu.memory_space<vmem_shared>>
    %dma_wait3A_159 = arith.constant 0 : i32
    %dma_wait3A_160 = tpu.memref_slice %arg12[%add3A_99, %dma_wait3A_159] : memref<10008x128xf32, #tpu.memory_space<vmem_shared>> -> memref<48x128xf32, #tpu.memory_space<vmem_shared>>
    tpu.wait_dma2 semaphore(%arg14 : memref<!tpu.dma_semaphore, #tpu.memory_space<semaphore_mem>>) src(%arg11 : memref<48x128xf32, #tpu.memory_space<vmem>>) dst(%dma_wait3A_160 : memref<48x128xf32, #tpu.memory_space<vmem_shared>>)
    %dma_wait3A_161 = arith.constant 0 : i32
    %dma_wait3A_162 = tpu.memref_slice %arg12[%add3A_107, %dma_wait3A_161] : memref<10008x128xf32, #tpu.memory_space<vmem_shared>> -> memref<48x128xf32, #tpu.memory_space<vmem_shared>>
    %dma_wait3A_163 = arith.constant 0 : i32
    %dma_wait3A_164 = tpu.memref_slice %arg12[%add3A_107, %dma_wait3A_163] : memref<10008x128xf32, #tpu.memory_space<vmem_shared>> -> memref<48x128xf32, #tpu.memory_space<vmem_shared>>
    tpu.wait_dma2 semaphore(%arg14 : memref<!tpu.dma_semaphore, #tpu.memory_space<semaphore_mem>>) src(%arg11 : memref<48x128xf32, #tpu.memory_space<vmem>>) dst(%dma_wait3A_164 : memref<48x128xf32, #tpu.memory_space<vmem_shared>>)
    %dma_wait3A_165 = tpu.memref_slice %arg3[%mul3A_2] : memref<327680xi32, #tpu.memory_space<hbm>> -> memref<10240xi32, #tpu.memory_space<hbm>>
    %dma_wait3A_166 = tpu.memref_slice %arg3[%mul3A_2] : memref<327680xi32, #tpu.memory_space<hbm>> -> memref<10240xi32, #tpu.memory_space<hbm>>
    tpu.wait_dma2 semaphore(%arg13 : memref<!tpu.dma_semaphore, #tpu.memory_space<semaphore_mem>>) src(%dma_wait3A_166 : memref<10240xi32, #tpu.memory_space<hbm>>) dst(%arg6 : memref<10240xi32, #tpu.memory_space<vmem>>)
    %barrier3A = arith.constant 0 : index
    tpu.barrier barrier_id(%barrier3A)
    %scan3A_167 = arith.constant 0 : i32
    %scan3A_168 = arith.constant 40 : i32
    %scan3A_169 = arith.addi %scan3A_167, %scan3A_168 : i32
    %scan3A_170 = arith.constant 1 : i32
    scf.for %scan3A_188 = %scan3A_167 to %scan3A_169 step %scan3A_170  : i32 {
      %mul3A_189 = arith.constant 1 : i32
      %mul3A_190 = arith.muli %scan3A_188, %mul3A_189 : i32
      %add3A_191 = arith.constant 0 : i32
      %add3A_192 = arith.addi %add3A_191, %mul3A_190 : i32
      %mul3A_193 = arith.constant 2 : i32
      %mul3A_194 = arith.muli %add3A_192, %mul3A_193 : i32
      %gt3A = arith.constant 0 : i32
      %gt3A_195 = arith.cmpi sgt, %add3A_192, %gt3A : i32
      %convert_element_type3A_196 = arith.extui %gt3A_195 : i1 to i32
      %cond3A_197 = arith.constant 0 : i32
      %cond3A_198 = arith.cmpi ne, %convert_element_type3A_196, %cond3A_197 : i32
      scf.if %cond3A_198 {
        %dma_wait3A_251 = arith.constant 0 : i32
        %dma_wait3A_252 = arith.constant 0 : i32
        %dma_wait3A_253 = tpu.memref_slice %arg12[%dma_wait3A_251, %dma_wait3A_252] : memref<10008x128xf32, #tpu.memory_space<vmem_shared>> -> memref<10008x128xf32, #tpu.memory_space<vmem_shared>>
        tpu.wait_indirect_dma semaphore(%arg17 : memref<!tpu.dma_semaphore, #tpu.memory_space<semaphore_mem>>) src(%arg9 : memref<128x128xf32, #tpu.memory_space<vmem>>) dst(%dma_wait3A_253 : memref<10008x128xf32, #tpu.memory_space<vmem_shared>>)
        %dma_wait3A_254 = arith.constant 0 : i32
        %dma_wait3A_255 = arith.constant 0 : i32
        %dma_wait3A_256 = tpu.memref_slice %arg12[%dma_wait3A_254, %dma_wait3A_255] : memref<10008x128xf32, #tpu.memory_space<vmem_shared>> -> memref<10008x128xf32, #tpu.memory_space<vmem_shared>>
        tpu.wait_indirect_dma semaphore(%arg18 : memref<!tpu.dma_semaphore, #tpu.memory_space<semaphore_mem>>) src(%arg10 : memref<128x128xf32, #tpu.memory_space<vmem>>) dst(%dma_wait3A_256 : memref<10008x128xf32, #tpu.memory_space<vmem_shared>>)
      } else {
      }
      %mul3A_199 = arith.constant 10240 : i32
      %mul3A_200 = arith.muli %add3A, %mul3A_199 : i32
      %add3A_201 = arith.constant 0 : i32
      %add3A_202 = arith.addi %mul3A_194, %add3A_201 : i32
      %mul3A_203 = arith.constant 128 : i32
      %mul3A_204 = arith.muli %add3A_202, %mul3A_203 : i32
      %add3A_205 = arith.addi %mul3A_200, %mul3A_204 : i32
      %dma_start3A_206 = tpu.memref_slice %arg4[%add3A_205] : memref<327680xi32, #tpu.memory_space<hbm>> -> memref<128xi32, #tpu.memory_space<hbm>>
      %dma_start3A_207 = tpu.memref_slice %arg4[%add3A_205] : memref<327680xi32, #tpu.memory_space<hbm>> -> memref<128xi32, #tpu.memory_space<hbm>>
      tpu.enqueue_dma source(%dma_start3A_207 : memref<128xi32, #tpu.memory_space<hbm>>) target(%arg7 : memref<128xi32, #tpu.memory_space<vmem>>) target_semaphore(%arg15 : memref<!tpu.dma_semaphore, #tpu.memory_space<semaphore_mem>>)
      %mul3A_208 = arith.constant 10240 : i32
      %mul3A_209 = arith.muli %add3A, %mul3A_208 : i32
      %add3A_210 = arith.constant 1 : i32
      %add3A_211 = arith.addi %mul3A_194, %add3A_210 : i32
      %mul3A_212 = arith.constant 128 : i32
      %mul3A_213 = arith.muli %add3A_211, %mul3A_212 : i32
      %add3A_214 = arith.addi %mul3A_209, %mul3A_213 : i32
      %dma_start3A_215 = tpu.memref_slice %arg4[%add3A_214] : memref<327680xi32, #tpu.memory_space<hbm>> -> memref<128xi32, #tpu.memory_space<hbm>>
      %dma_start3A_216 = tpu.memref_slice %arg4[%add3A_214] : memref<327680xi32, #tpu.memory_space<hbm>> -> memref<128xi32, #tpu.memory_space<hbm>>
      tpu.enqueue_dma source(%dma_start3A_216 : memref<128xi32, #tpu.memory_space<hbm>>) target(%arg8 : memref<128xi32, #tpu.memory_space<vmem>>) target_semaphore(%arg16 : memref<!tpu.dma_semaphore, #tpu.memory_space<semaphore_mem>>)
      %add3A_217 = arith.constant 0 : i32
      %add3A_218 = arith.addi %mul3A_194, %add3A_217 : i32
      %mul3A_219 = arith.constant 128 : i32
      %mul3A_220 = arith.muli %add3A_218, %mul3A_219 : i32
      %dma_start3A_221 = tpu.memref_slice %arg6[%mul3A_220] : memref<10240xi32, #tpu.memory_space<vmem>> -> memref<128xi32, #tpu.memory_space<vmem>>
      %dma_start3A_222 = arith.constant 0 : i32
      %dma_start3A_223 = arith.constant 0 : i32
      %dma_start3A_224 = tpu.memref_slice %arg2[%dma_start3A_222, %dma_start3A_223] : memref<10000x128xf32, #tpu.memory_space<hbm>> -> memref<10000x128xf32, #tpu.memory_space<hbm>>
      tpu.enqueue_indirect_dma source(%dma_start3A_224 : memref<10000x128xf32, #tpu.memory_space<hbm>>) target(%arg9 : memref<128x128xf32, #tpu.memory_space<vmem>>) offsets(%dma_start3A_221 : memref<128xi32, #tpu.memory_space<vmem>>) semaphore(%arg13 : memref<!tpu.dma_semaphore, #tpu.memory_space<semaphore_mem>>)
      %add3A_225 = arith.constant 1 : i32
      %add3A_226 = arith.addi %mul3A_194, %add3A_225 : i32
      %mul3A_227 = arith.constant 128 : i32
      %mul3A_228 = arith.muli %add3A_226, %mul3A_227 : i32
      %dma_start3A_229 = tpu.memref_slice %arg6[%mul3A_228] : memref<10240xi32, #tpu.memory_space<vmem>> -> memref<128xi32, #tpu.memory_space<vmem>>
      %dma_start3A_230 = arith.constant 0 : i32
      %dma_start3A_231 = arith.constant 0 : i32
      %dma_start3A_232 = tpu.memref_slice %arg2[%dma_start3A_230, %dma_start3A_231] : memref<10000x128xf32, #tpu.memory_space<hbm>> -> memref<10000x128xf32, #tpu.memory_space<hbm>>
      tpu.enqueue_indirect_dma source(%dma_start3A_232 : memref<10000x128xf32, #tpu.memory_space<hbm>>) target(%arg10 : memref<128x128xf32, #tpu.memory_space<vmem>>) offsets(%dma_start3A_229 : memref<128xi32, #tpu.memory_space<vmem>>) semaphore(%arg14 : memref<!tpu.dma_semaphore, #tpu.memory_space<semaphore_mem>>)
      %dma_wait3A_233 = tpu.memref_slice %arg4[%add3A_205] : memref<327680xi32, #tpu.memory_space<hbm>> -> memref<128xi32, #tpu.memory_space<hbm>>
      %dma_wait3A_234 = tpu.memref_slice %arg4[%add3A_205] : memref<327680xi32, #tpu.memory_space<hbm>> -> memref<128xi32, #tpu.memory_space<hbm>>
      tpu.wait_dma2 semaphore(%arg15 : memref<!tpu.dma_semaphore, #tpu.memory_space<semaphore_mem>>) src(%dma_wait3A_234 : memref<128xi32, #tpu.memory_space<hbm>>) dst(%arg7 : memref<128xi32, #tpu.memory_space<vmem>>)
      %dma_wait3A_235 = tpu.memref_slice %arg6[%mul3A_220] : memref<10240xi32, #tpu.memory_space<vmem>> -> memref<128xi32, #tpu.memory_space<vmem>>
      %dma_wait3A_236 = arith.constant 0 : i32
      %dma_wait3A_237 = arith.constant 0 : i32
      %dma_wait3A_238 = tpu.memref_slice %arg2[%dma_wait3A_236, %dma_wait3A_237] : memref<10000x128xf32, #tpu.memory_space<hbm>> -> memref<10000x128xf32, #tpu.memory_space<hbm>>
      tpu.wait_indirect_dma semaphore(%arg13 : memref<!tpu.dma_semaphore, #tpu.memory_space<semaphore_mem>>) src(%dma_wait3A_238 : memref<10000x128xf32, #tpu.memory_space<hbm>>) dst(%arg9 : memref<128x128xf32, #tpu.memory_space<vmem>>)
      %dma_start3A_239 = arith.constant 0 : i32
      %dma_start3A_240 = arith.constant 0 : i32
      %dma_start3A_241 = tpu.memref_slice %arg12[%dma_start3A_239, %dma_start3A_240] : memref<10008x128xf32, #tpu.memory_space<vmem_shared>> -> memref<10008x128xf32, #tpu.memory_space<vmem_shared>>
      tpu.enqueue_indirect_dma source(%arg9 : memref<128x128xf32, #tpu.memory_space<vmem>>) target(%dma_start3A_241 : memref<10008x128xf32, #tpu.memory_space<vmem_shared>>) offsets(%arg7 : memref<128xi32, #tpu.memory_space<vmem>>) semaphore(%arg17 : memref<!tpu.dma_semaphore, #tpu.memory_space<semaphore_mem>>) {add = true}
      %dma_wait3A_242 = tpu.memref_slice %arg4[%add3A_214] : memref<327680xi32, #tpu.memory_space<hbm>> -> memref<128xi32, #tpu.memory_space<hbm>>
      %dma_wait3A_243 = tpu.memref_slice %arg4[%add3A_214] : memref<327680xi32, #tpu.memory_space<hbm>> -> memref<128xi32, #tpu.memory_space<hbm>>
      tpu.wait_dma2 semaphore(%arg16 : memref<!tpu.dma_semaphore, #tpu.memory_space<semaphore_mem>>) src(%dma_wait3A_243 : memref<128xi32, #tpu.memory_space<hbm>>) dst(%arg8 : memref<128xi32, #tpu.memory_space<vmem>>)
      %dma_wait3A_244 = tpu.memref_slice %arg6[%mul3A_228] : memref<10240xi32, #tpu.memory_space<vmem>> -> memref<128xi32, #tpu.memory_space<vmem>>
      %dma_wait3A_245 = arith.constant 0 : i32
      %dma_wait3A_246 = arith.constant 0 : i32
      %dma_wait3A_247 = tpu.memref_slice %arg2[%dma_wait3A_245, %dma_wait3A_246] : memref<10000x128xf32, #tpu.memory_space<hbm>> -> memref<10000x128xf32, #tpu.memory_space<hbm>>
      tpu.wait_indirect_dma semaphore(%arg14 : memref<!tpu.dma_semaphore, #tpu.memory_space<semaphore_mem>>) src(%dma_wait3A_247 : memref<10000x128xf32, #tpu.memory_space<hbm>>) dst(%arg10 : memref<128x128xf32, #tpu.memory_space<vmem>>)
      %dma_start3A_248 = arith.constant 0 : i32
      %dma_start3A_249 = arith.constant 0 : i32
      %dma_start3A_250 = tpu.memref_slice %arg12[%dma_start3A_248, %dma_start3A_249] : memref<10008x128xf32, #tpu.memory_space<vmem_shared>> -> memref<10008x128xf32, #tpu.memory_space<vmem_shared>>
      tpu.enqueue_indirect_dma source(%arg10 : memref<128x128xf32, #tpu.memory_space<vmem>>) target(%dma_start3A_250 : memref<10008x128xf32, #tpu.memory_space<vmem_shared>>) offsets(%arg8 : memref<128xi32, #tpu.memory_space<vmem>>) semaphore(%arg18 : memref<!tpu.dma_semaphore, #tpu.memory_space<semaphore_mem>>) {add = true}
    }
    %scan3A_171 = arith.constant 40 : i32
    %dma_wait3A_172 = arith.constant 0 : i32
    %dma_wait3A_173 = arith.constant 0 : i32
    %dma_wait3A_174 = tpu.memref_slice %arg12[%dma_wait3A_172, %dma_wait3A_173] : memref<10008x128xf32, #tpu.memory_space<vmem_shared>> -> memref<10008x128xf32, #tpu.memory_space<vmem_shared>>
    tpu.wait_indirect_dma semaphore(%arg17 : memref<!tpu.dma_semaphore, #tpu.memory_space<semaphore_mem>>) src(%arg9 : memref<128x128xf32, #tpu.memory_space<vmem>>) dst(%dma_wait3A_174 : memref<10008x128xf32, #tpu.memory_space<vmem_shared>>)
    %dma_wait3A_175 = arith.constant 0 : i32
    %dma_wait3A_176 = arith.constant 0 : i32
    %dma_wait3A_177 = tpu.memref_slice %arg12[%dma_wait3A_175, %dma_wait3A_176] : memref<10008x128xf32, #tpu.memory_space<vmem_shared>> -> memref<10008x128xf32, #tpu.memory_space<vmem_shared>>
    tpu.wait_indirect_dma semaphore(%arg18 : memref<!tpu.dma_semaphore, #tpu.memory_space<semaphore_mem>>) src(%arg10 : memref<128x128xf32, #tpu.memory_space<vmem>>) dst(%dma_wait3A_177 : memref<10008x128xf32, #tpu.memory_space<vmem_shared>>)
    %barrier3A_178 = arith.constant 0 : index
    tpu.barrier barrier_id(%barrier3A_178)
    %mul3A_179 = arith.constant 624 : i32
    %mul3A_180 = arith.muli %arg1, %mul3A_179 : i32
    %mul3A_181 = arith.constant 624 : i32
    %mul3A_182 = arith.muli %arg1, %mul3A_181 : i32
    "tpu.region"() ({
      %run_scoped3A = tpu.sem_alloc : memref<!tpu.dma_semaphore, #tpu.memory_space<semaphore_mem>>
      %dma_start3A_188 = arith.constant 0 : i32
      %dma_start3A_189 = tpu.memref_slice %arg5[%arg0, %mul3A_182, %dma_start3A_188] : memref<2x10000x128xf32, #tpu.memory_space<hbm>> -> memref<1x624x128xf32, #tpu.memory_space<hbm>>
      %dma_start3A_190 = tpu.memref_squeeze %dma_start3A_189 : memref<1x624x128xf32, #tpu.memory_space<hbm>> -> memref<624x128xf32, #tpu.memory_space<hbm>>
      %dma_start3A_191 = arith.constant 0 : i32
      %dma_start3A_192 = tpu.memref_slice %arg12[%mul3A_180, %dma_start3A_191] : memref<10008x128xf32, #tpu.memory_space<vmem_shared>> -> memref<624x128xf32, #tpu.memory_space<vmem_shared>>
      tpu.enqueue_dma source(%dma_start3A_192 : memref<624x128xf32, #tpu.memory_space<vmem_shared>>) target(%dma_start3A_190 : memref<624x128xf32, #tpu.memory_space<hbm>>) target_semaphore(%run_scoped3A : memref<!tpu.dma_semaphore, #tpu.memory_space<semaphore_mem>>)
      %dma_wait3A_193 = arith.constant 0 : i32
      %dma_wait3A_194 = tpu.memref_slice %arg5[%arg0, %mul3A_182, %dma_wait3A_193] : memref<2x10000x128xf32, #tpu.memory_space<hbm>> -> memref<1x624x128xf32, #tpu.memory_space<hbm>>
      %dma_wait3A_195 = tpu.memref_squeeze %dma_wait3A_194 : memref<1x624x128xf32, #tpu.memory_space<hbm>> -> memref<624x128xf32, #tpu.memory_space<hbm>>
      %dma_wait3A_196 = arith.constant 0 : i32
      %dma_wait3A_197 = tpu.memref_slice %arg12[%mul3A_180, %dma_wait3A_196] : memref<10008x128xf32, #tpu.memory_space<vmem_shared>> -> memref<624x128xf32, #tpu.memory_space<vmem_shared>>
      tpu.wait_dma2 semaphore(%run_scoped3A : memref<!tpu.dma_semaphore, #tpu.memory_space<semaphore_mem>>) src(%dma_wait3A_197 : memref<624x128xf32, #tpu.memory_space<vmem_shared>>) dst(%dma_wait3A_195 : memref<624x128xf32, #tpu.memory_space<hbm>>)
      tpu.yield
    }) : () -> ()
    %eq3A_183 = arith.constant 15 : i32
    %eq3A_184 = arith.cmpi eq, %arg1, %eq3A_183 : i32
    %convert_element_type3A_185 = arith.extui %eq3A_184 : i1 to i32
    %cond3A_186 = arith.constant 0 : i32
    %cond3A_187 = arith.cmpi ne, %convert_element_type3A_185, %cond3A_186 : i32
    scf.if %cond3A_187 {
      "tpu.region"() ({
        %run_scoped3A = tpu.sem_alloc : memref<!tpu.dma_semaphore, #tpu.memory_space<semaphore_mem>>
        %dma_start3A_188 = arith.constant 9984 : i32
        %dma_start3A_189 = arith.constant 0 : i32
        %dma_start3A_190 = tpu.memref_slice %arg5[%arg0, %dma_start3A_188, %dma_start3A_189] : memref<2x10000x128xf32, #tpu.memory_space<hbm>> -> memref<1x16x128xf32, #tpu.memory_space<hbm>>
        %dma_start3A_191 = tpu.memref_squeeze %dma_start3A_190 : memref<1x16x128xf32, #tpu.memory_space<hbm>> -> memref<16x128xf32, #tpu.memory_space<hbm>>
        %dma_start3A_192 = arith.constant 9984 : i32
        %dma_start3A_193 = arith.constant 0 : i32
        %dma_start3A_194 = tpu.memref_slice %arg12[%dma_start3A_192, %dma_start3A_193] : memref<10008x128xf32, #tpu.memory_space<vmem_shared>> -> memref<16x128xf32, #tpu.memory_space<vmem_shared>>
        tpu.enqueue_dma source(%dma_start3A_194 : memref<16x128xf32, #tpu.memory_space<vmem_shared>>) target(%dma_start3A_191 : memref<16x128xf32, #tpu.memory_space<hbm>>) target_semaphore(%run_scoped3A : memref<!tpu.dma_semaphore, #tpu.memory_space<semaphore_mem>>)
        %dma_wait3A_195 = arith.constant 9984 : i32
        %dma_wait3A_196 = arith.constant 0 : i32
        %dma_wait3A_197 = tpu.memref_slice %arg5[%arg0, %dma_wait3A_195, %dma_wait3A_196] : memref<2x10000x128xf32, #tpu.memory_space<hbm>> -> memref<1x16x128xf32, #tpu.memory_space<hbm>>
        %dma_wait3A_198 = tpu.memref_squeeze %dma_wait3A_197 : memref<1x16x128xf32, #tpu.memory_space<hbm>> -> memref<16x128xf32, #tpu.memory_space<hbm>>
        %dma_wait3A_199 = arith.constant 9984 : i32
        %dma_wait3A_200 = arith.constant 0 : i32
        %dma_wait3A_201 = tpu.memref_slice %arg12[%dma_wait3A_199, %dma_wait3A_200] : memref<10008x128xf32, #tpu.memory_space<vmem_shared>> -> memref<16x128xf32, #tpu.memory_space<vmem_shared>>
        tpu.wait_dma2 semaphore(%run_scoped3A : memref<!tpu.dma_semaphore, #tpu.memory_space<semaphore_mem>>) src(%dma_wait3A_201 : memref<16x128xf32, #tpu.memory_space<vmem_shared>>) dst(%dma_wait3A_198 : memref<16x128xf32, #tpu.memory_space<hbm>>)
        tpu.yield
      }) : () -> ()
    } else {
    }
    return
  }
}

#map = affine_map<(d0, d1) -> (0, 0)>
#map1 = affine_map<(d0, d1) -> (0)>
#map2 = affine_map<(d0, d1) -> (0, 0, 0)>
module attributes {stable_mosaic.version = 14 : i64} {
  func.func @scatter_kernel(%arg0: i32, %arg1: i32, %arg2: memref<10000x128xf32, #tpu.memory_space<hbm>>, %arg3: memref<327680xi32, #tpu.memory_space<hbm>>, %arg4: memref<327680xi32, #tpu.memory_space<hbm>>, %arg5: memref<2x10000x128xf32, #tpu.memory_space<hbm>>, %arg6: memref<10240xi32, #tpu.memory_space<vmem>>, %arg7: memref<128xi32, #tpu.memory_space<vmem>>, %arg8: memref<128xi32, #tpu.memory_space<vmem>>, %arg9: memref<128x128xf32, #tpu.memory_space<vmem>>, %arg10: memref<128x128xf32, #tpu.memory_space<vmem>>, %arg11: memref<48x128xf32, #tpu.memory_space<vmem>>, %arg12: memref<10008x128xf32, #tpu.memory_space<vmem_shared>>, %arg13: memref<!tpu.dma_semaphore, #tpu.memory_space<semaphore_mem>>, %arg14: memref<!tpu.dma_semaphore, #tpu.memory_space<semaphore_mem>>, %arg15: memref<!tpu.dma_semaphore, #tpu.memory_space<semaphore_mem>>, %arg16: memref<!tpu.dma_semaphore, #tpu.memory_space<semaphore_mem>>, %arg17: memref<!tpu.dma_semaphore, #tpu.memory_space<semaphore_mem>>, %arg18: memref<!tpu.dma_semaphore, #tpu.memory_space<semaphore_mem>>) attributes {dimension_semantics = [#tpu.dimension_semantics<core_parallel>, #tpu.dimension_semantics<subcore_parallel>], iteration_bounds = array<i64: 2, 16>, scalar_prefetch = 0 : i64, scratch_operands = 13 : i64, tpu.core_type = #tpu.core_type<sc_vector_subcore>, window_params = [{transform_indices = #map}, {transform_indices = #map1}, {transform_indices = #map1}, {transform_indices = #map2}]} {
    %mul3A = arith.constant 2 : i32
    %mul3A_0 = arith.muli %arg1, %mul3A : i32
    %add3A = arith.addi %mul3A_0, %arg0 : i32
    %mul3A_1 = arith.constant 10240 : i32
    %mul3A_2 = arith.muli %add3A, %mul3A_1 : i32
    %dma_start3A = tpu.memref_slice %arg3[%mul3A_2] : memref<327680xi32, #tpu.memory_space<hbm>> -> memref<10240xi32, #tpu.memory_space<hbm>>
    %dma_start3A_3 = tpu.memref_slice %arg3[%mul3A_2] : memref<327680xi32, #tpu.memory_space<hbm>> -> memref<10240xi32, #tpu.memory_space<hbm>>
    tpu.enqueue_dma source(%dma_start3A_3 : memref<10240xi32, #tpu.memory_space<hbm>>) target(%arg6 : memref<10240xi32, #tpu.memory_space<vmem>>) target_semaphore(%arg13 : memref<!tpu.dma_semaphore, #tpu.memory_space<semaphore_mem>>)
    %scan3A = arith.constant 0 : i32
    %scan3A_4 = arith.constant 48 : i32
    %scan3A_5 = arith.addi %scan3A, %scan3A_4 : i32
    %scan3A_6 = arith.constant 1 : i32
    scf.for %scan3A_188 = %scan3A to %scan3A_5 step %scan3A_6  : i32 {
      %mul3A_189 = arith.constant 1 : i32
      %mul3A_190 = arith.muli %scan3A_188, %mul3A_189 : i32
      %add3A_191 = arith.constant 0 : i32
      %add3A_192 = arith.addi %add3A_191, %mul3A_190 : i32
      %scan3A_193 = arith.constant 0 : i32
      %scan3A_194 = arith.constant 8 : i32
      %scan3A_195 = arith.addi %scan3A_193, %scan3A_194 : i32
      %scan3A_196 = arith.constant 1 : i32
      scf.for %scan3A_198 = %scan3A_193 to %scan3A_195 step %scan3A_196  : i32 {
        %mul3A_199 = arith.constant 16 : i32
        %mul3A_200 = arith.muli %scan3A_198, %mul3A_199 : i32
        %add3A_201 = arith.constant 0 : i32
        %add3A_202 = arith.addi %add3A_201, %mul3A_200 : i32
        %broadcast_in_dim3A = arith.constant 0.000000e+00 : f32
        %broadcast_in_dim3A_203 = vector.broadcast %broadcast_in_dim3A : f32 to vector<16xf32>
        %swap3A = arith.index_cast %add3A_192 : i32 to index
        %swap3A_204 = arith.index_cast %add3A_202 : i32 to index
        %swap3A_205 = tpu.vector_load %arg11[%swap3A, %swap3A_204] {strides = array<i32>} : memref<48x128xf32, #tpu.memory_space<vmem>>, vector<1x16xf32>,
        %swap3A_206 = vector.shape_cast %swap3A_205 : vector<1x16xf32> to vector<16xf32>
        %swap3A_207 = vector.shape_cast %broadcast_in_dim3A_203 : vector<16xf32> to vector<1x16xf32>
        tpu.vector_store %arg11[%swap3A, %swap3A_204], %swap3A_207 {strides = array<i32>} : memref<48x128xf32, #tpu.memory_space<vmem>>, vector<1x16xf32>,
      }
      %scan3A_197 = arith.constant 8 : i32
    }
    %scan3A_7 = arith.constant 48 : i32
    %mul3A_8 = arith.constant 624 : i32
    %mul3A_9 = arith.muli %arg1, %mul3A_8 : i32
    %add3A_10 = arith.constant 0 : i32
    %add3A_11 = arith.addi %mul3A_9, %add3A_10 : i32
    %dma_start3A_12 = arith.constant 0 : i32
    %dma_start3A_13 = tpu.memref_slice %arg12[%add3A_11, %dma_start3A_12] : memref<10008x128xf32, #tpu.memory_space<vmem_shared>> -> memref<48x128xf32, #tpu.memory_space<vmem_shared>>
    %dma_start3A_14 = arith.constant 0 : i32
    %dma_start3A_15 = tpu.memref_slice %arg12[%add3A_11, %dma_start3A_14] : memref<10008x128xf32, #tpu.memory_space<vmem_shared>> -> memref<48x128xf32, #tpu.memory_space<vmem_shared>>
    tpu.enqueue_dma source(%arg11 : memref<48x128xf32, #tpu.memory_space<vmem>>) target(%dma_start3A_15 : memref<48x128xf32, #tpu.memory_space<vmem_shared>>) target_semaphore(%arg14 : memref<!tpu.dma_semaphore, #tpu.memory_space<semaphore_mem>>)
    %mul3A_16 = arith.constant 624 : i32
    %mul3A_17 = arith.muli %arg1, %mul3A_16 : i32
    %add3A_18 = arith.constant 48 : i32
    %add3A_19 = arith.addi %mul3A_17, %add3A_18 : i32
    %dma_start3A_20 = arith.constant 0 : i32
    %dma_start3A_21 = tpu.memref_slice %arg12[%add3A_19, %dma_start3A_20] : memref<10008x128xf32, #tpu.memory_space<vmem_shared>> -> memref<48x128xf32, #tpu.memory_space<vmem_shared>>
    %dma_start3A_22 = arith.constant 0 : i32
    %dma_start3A_23 = tpu.memref_slice %arg12[%add3A_19, %dma_start3A_22] : memref<10008x128xf32, #tpu.memory_space<vmem_shared>> -> memref<48x128xf32, #tpu.memory_space<vmem_shared>>
    tpu.enqueue_dma source(%arg11 : memref<48x128xf32, #tpu.memory_space<vmem>>) target(%dma_start3A_23 : memref<48x128xf32, #tpu.memory_space<vmem_shared>>) target_semaphore(%arg14 : memref<!tpu.dma_semaphore, #tpu.memory_space<semaphore_mem>>)
    %mul3A_24 = arith.constant 624 : i32
    %mul3A_25 = arith.muli %arg1, %mul3A_24 : i32
    %add3A_26 = arith.constant 96 : i32
    %add3A_27 = arith.addi %mul3A_25, %add3A_26 : i32
    %dma_start3A_28 = arith.constant 0 : i32
    %dma_start3A_29 = tpu.memref_slice %arg12[%add3A_27, %dma_start3A_28] : memref<10008x128xf32, #tpu.memory_space<vmem_shared>> -> memref<48x128xf32, #tpu.memory_space<vmem_shared>>
    %dma_start3A_30 = arith.constant 0 : i32
    %dma_start3A_31 = tpu.memref_slice %arg12[%add3A_27, %dma_start3A_30] : memref<10008x128xf32, #tpu.memory_space<vmem_shared>> -> memref<48x128xf32, #tpu.memory_space<vmem_shared>>
    tpu.enqueue_dma source(%arg11 : memref<48x128xf32, #tpu.memory_space<vmem>>) target(%dma_start3A_31 : memref<48x128xf32, #tpu.memory_space<vmem_shared>>) target_semaphore(%arg14 : memref<!tpu.dma_semaphore, #tpu.memory_space<semaphore_mem>>)
    %mul3A_32 = arith.constant 624 : i32
    %mul3A_33 = arith.muli %arg1, %mul3A_32 : i32
    %add3A_34 = arith.constant 144 : i32
    %add3A_35 = arith.addi %mul3A_33, %add3A_34 : i32
    %dma_start3A_36 = arith.constant 0 : i32
    %dma_start3A_37 = tpu.memref_slice %arg12[%add3A_35, %dma_start3A_36] : memref<10008x128xf32, #tpu.memory_space<vmem_shared>> -> memref<48x128xf32, #tpu.memory_space<vmem_shared>>
    %dma_start3A_38 = arith.constant 0 : i32
    %dma_start3A_39 = tpu.memref_slice %arg12[%add3A_35, %dma_start3A_38] : memref<10008x128xf32, #tpu.memory_space<vmem_shared>> -> memref<48x128xf32, #tpu.memory_space<vmem_shared>>
    tpu.enqueue_dma source(%arg11 : memref<48x128xf32, #tpu.memory_space<vmem>>) target(%dma_start3A_39 : memref<48x128xf32, #tpu.memory_space<vmem_shared>>) target_semaphore(%arg14 : memref<!tpu.dma_semaphore, #tpu.memory_space<semaphore_mem>>)
    %mul3A_40 = arith.constant 624 : i32
    %mul3A_41 = arith.muli %arg1, %mul3A_40 : i32
    %add3A_42 = arith.constant 192 : i32
    %add3A_43 = arith.addi %mul3A_41, %add3A_42 : i32
    %dma_start3A_44 = arith.constant 0 : i32
    %dma_start3A_45 = tpu.memref_slice %arg12[%add3A_43, %dma_start3A_44] : memref<10008x128xf32, #tpu.memory_space<vmem_shared>> -> memref<48x128xf32, #tpu.memory_space<vmem_shared>>
    %dma_start3A_46 = arith.constant 0 : i32
    %dma_start3A_47 = tpu.memref_slice %arg12[%add3A_43, %dma_start3A_46] : memref<10008x128xf32, #tpu.memory_space<vmem_shared>> -> memref<48x128xf32, #tpu.memory_space<vmem_shared>>
    tpu.enqueue_dma source(%arg11 : memref<48x128xf32, #tpu.memory_space<vmem>>) target(%dma_start3A_47 : memref<48x128xf32, #tpu.memory_space<vmem_shared>>) target_semaphore(%arg14 : memref<!tpu.dma_semaphore, #tpu.memory_space<semaphore_mem>>)
    %mul3A_48 = arith.constant 624 : i32
    %mul3A_49 = arith.muli %arg1, %mul3A_48 : i32
    %add3A_50 = arith.constant 240 : i32
    %add3A_51 = arith.addi %mul3A_49, %add3A_50 : i32
    %dma_start3A_52 = arith.constant 0 : i32
    %dma_start3A_53 = tpu.memref_slice %arg12[%add3A_51, %dma_start3A_52] : memref<10008x128xf32, #tpu.memory_space<vmem_shared>> -> memref<48x128xf32, #tpu.memory_space<vmem_shared>>
    %dma_start3A_54 = arith.constant 0 : i32
    %dma_start3A_55 = tpu.memref_slice %arg12[%add3A_51, %dma_start3A_54] : memref<10008x128xf32, #tpu.memory_space<vmem_shared>> -> memref<48x128xf32, #tpu.memory_space<vmem_shared>>
    tpu.enqueue_dma source(%arg11 : memref<48x128xf32, #tpu.memory_space<vmem>>) target(%dma_start3A_55 : memref<48x128xf32, #tpu.memory_space<vmem_shared>>) target_semaphore(%arg14 : memref<!tpu.dma_semaphore, #tpu.memory_space<semaphore_mem>>)
    %mul3A_56 = arith.constant 624 : i32
    %mul3A_57 = arith.muli %arg1, %mul3A_56 : i32
    %add3A_58 = arith.constant 288 : i32
    %add3A_59 = arith.addi %mul3A_57, %add3A_58 : i32
    %dma_start3A_60 = arith.constant 0 : i32
    %dma_start3A_61 = tpu.memref_slice %arg12[%add3A_59, %dma_start3A_60] : memref<10008x128xf32, #tpu.memory_space<vmem_shared>> -> memref<48x128xf32, #tpu.memory_space<vmem_shared>>
    %dma_start3A_62 = arith.constant 0 : i32
    %dma_start3A_63 = tpu.memref_slice %arg12[%add3A_59, %dma_start3A_62] : memref<10008x128xf32, #tpu.memory_space<vmem_shared>> -> memref<48x128xf32, #tpu.memory_space<vmem_shared>>
    tpu.enqueue_dma source(%arg11 : memref<48x128xf32, #tpu.memory_space<vmem>>) target(%dma_start3A_63 : memref<48x128xf32, #tpu.memory_space<vmem_shared>>) target_semaphore(%arg14 : memref<!tpu.dma_semaphore, #tpu.memory_space<semaphore_mem>>)
    %mul3A_64 = arith.constant 624 : i32
    %mul3A_65 = arith.muli %arg1, %mul3A_64 : i32
    %add3A_66 = arith.constant 336 : i32
    %add3A_67 = arith.addi %mul3A_65, %add3A_66 : i32
    %dma_start3A_68 = arith.constant 0 : i32
    %dma_start3A_69 = tpu.memref_slice %arg12[%add3A_67, %dma_start3A_68] : memref<10008x128xf32, #tpu.memory_space<vmem_shared>> -> memref<48x128xf32, #tpu.memory_space<vmem_shared>>
    %dma_start3A_70 = arith.constant 0 : i32
    %dma_start3A_71 = tpu.memref_slice %arg12[%add3A_67, %dma_start3A_70] : memref<10008x128xf32, #tpu.memory_space<vmem_shared>> -> memref<48x128xf32, #tpu.memory_space<vmem_shared>>
    tpu.enqueue_dma source(%arg11 : memref<48x128xf32, #tpu.memory_space<vmem>>) target(%dma_start3A_71 : memref<48x128xf32, #tpu.memory_space<vmem_shared>>) target_semaphore(%arg14 : memref<!tpu.dma_semaphore, #tpu.memory_space<semaphore_mem>>)
    %mul3A_72 = arith.constant 624 : i32
    %mul3A_73 = arith.muli %arg1, %mul3A_72 : i32
    %add3A_74 = arith.constant 384 : i32
    %add3A_75 = arith.addi %mul3A_73, %add3A_74 : i32
    %dma_start3A_76 = arith.constant 0 : i32
    %dma_start3A_77 = tpu.memref_slice %arg12[%add3A_75, %dma_start3A_76] : memref<10008x128xf32, #tpu.memory_space<vmem_shared>> -> memref<48x128xf32, #tpu.memory_space<vmem_shared>>
    %dma_start3A_78 = arith.constant 0 : i32
    %dma_start3A_79 = tpu.memref_slice %arg12[%add3A_75, %dma_start3A_78] : memref<10008x128xf32, #tpu.memory_space<vmem_shared>> -> memref<48x128xf32, #tpu.memory_space<vmem_shared>>
    tpu.enqueue_dma source(%arg11 : memref<48x128xf32, #tpu.memory_space<vmem>>) target(%dma_start3A_79 : memref<48x128xf32, #tpu.memory_space<vmem_shared>>) target_semaphore(%arg14 : memref<!tpu.dma_semaphore, #tpu.memory_space<semaphore_mem>>)
    %mul3A_80 = arith.constant 624 : i32
    %mul3A_81 = arith.muli %arg1, %mul3A_80 : i32
    %add3A_82 = arith.constant 432 : i32
    %add3A_83 = arith.addi %mul3A_81, %add3A_82 : i32
    %dma_start3A_84 = arith.constant 0 : i32
    %dma_start3A_85 = tpu.memref_slice %arg12[%add3A_83, %dma_start3A_84] : memref<10008x128xf32, #tpu.memory_space<vmem_shared>> -> memref<48x128xf32, #tpu.memory_space<vmem_shared>>
    %dma_start3A_86 = arith.constant 0 : i32
    %dma_start3A_87 = tpu.memref_slice %arg12[%add3A_83, %dma_start3A_86] : memref<10008x128xf32, #tpu.memory_space<vmem_shared>> -> memref<48x128xf32, #tpu.memory_space<vmem_shared>>
    tpu.enqueue_dma source(%arg11 : memref<48x128xf32, #tpu.memory_space<vmem>>) target(%dma_start3A_87 : memref<48x128xf32, #tpu.memory_space<vmem_shared>>) target_semaphore(%arg14 : memref<!tpu.dma_semaphore, #tpu.memory_space<semaphore_mem>>)
    %mul3A_88 = arith.constant 624 : i32
    %mul3A_89 = arith.muli %arg1, %mul3A_88 : i32
    %add3A_90 = arith.constant 480 : i32
    %add3A_91 = arith.addi %mul3A_89, %add3A_90 : i32
    %dma_start3A_92 = arith.constant 0 : i32
    %dma_start3A_93 = tpu.memref_slice %arg12[%add3A_91, %dma_start3A_92] : memref<10008x128xf32, #tpu.memory_space<vmem_shared>> -> memref<48x128xf32, #tpu.memory_space<vmem_shared>>
    %dma_start3A_94 = arith.constant 0 : i32
    %dma_start3A_95 = tpu.memref_slice %arg12[%add3A_91, %dma_start3A_94] : memref<10008x128xf32, #tpu.memory_space<vmem_shared>> -> memref<48x128xf32, #tpu.memory_space<vmem_shared>>
    tpu.enqueue_dma source(%arg11 : memref<48x128xf32, #tpu.memory_space<vmem>>) target(%dma_start3A_95 : memref<48x128xf32, #tpu.memory_space<vmem_shared>>) target_semaphore(%arg14 : memref<!tpu.dma_semaphore, #tpu.memory_space<semaphore_mem>>)
    %mul3A_96 = arith.constant 624 : i32
    %mul3A_97 = arith.muli %arg1, %mul3A_96 : i32
    %add3A_98 = arith.constant 528 : i32
    %add3A_99 = arith.addi %mul3A_97, %add3A_98 : i32
    %dma_start3A_100 = arith.constant 0 : i32
    %dma_start3A_101 = tpu.memref_slice %arg12[%add3A_99, %dma_start3A_100] : memref<10008x128xf32, #tpu.memory_space<vmem_shared>> -> memref<48x128xf32, #tpu.memory_space<vmem_shared>>
    %dma_start3A_102 = arith.constant 0 : i32
    %dma_start3A_103 = tpu.memref_slice %arg12[%add3A_99, %dma_start3A_102] : memref<10008x128xf32, #tpu.memory_space<vmem_shared>> -> memref<48x128xf32, #tpu.memory_space<vmem_shared>>
    tpu.enqueue_dma source(%arg11 : memref<48x128xf32, #tpu.memory_space<vmem>>) target(%dma_start3A_103 : memref<48x128xf32, #tpu.memory_space<vmem_shared>>) target_semaphore(%arg14 : memref<!tpu.dma_semaphore, #tpu.memory_space<semaphore_mem>>)
    %mul3A_104 = arith.constant 624 : i32
    %mul3A_105 = arith.muli %arg1, %mul3A_104 : i32
    %add3A_106 = arith.constant 576 : i32
    %add3A_107 = arith.addi %mul3A_105, %add3A_106 : i32
    %dma_start3A_108 = arith.constant 0 : i32
    %dma_start3A_109 = tpu.memref_slice %arg12[%add3A_107, %dma_start3A_108] : memref<10008x128xf32, #tpu.memory_space<vmem_shared>> -> memref<48x128xf32, #tpu.memory_space<vmem_shared>>
    %dma_start3A_110 = arith.constant 0 : i32
    %dma_start3A_111 = tpu.memref_slice %arg12[%add3A_107, %dma_start3A_110] : memref<10008x128xf32, #tpu.memory_space<vmem_shared>> -> memref<48x128xf32, #tpu.memory_space<vmem_shared>>
    tpu.enqueue_dma source(%arg11 : memref<48x128xf32, #tpu.memory_space<vmem>>) target(%dma_start3A_111 : memref<48x128xf32, #tpu.memory_space<vmem_shared>>) target_semaphore(%arg14 : memref<!tpu.dma_semaphore, #tpu.memory_space<semaphore_mem>>)
    %eq3A = arith.constant 15 : i32
    %eq3A_112 = arith.cmpi eq, %arg1, %eq3A : i32
    %convert_element_type3A = arith.extui %eq3A_112 : i1 to i32
    %cond3A = arith.constant 0 : i32
    %cond3A_113 = arith.cmpi ne, %convert_element_type3A, %cond3A : i32
    scf.if %cond3A_113 {
      "tpu.region"() ({
        %run_scoped3A = tpu.sem_alloc : memref<!tpu.dma_semaphore, #tpu.memory_space<semaphore_mem>>
        %dma_start3A_188 = arith.constant 0 : i32
        %dma_start3A_189 = arith.constant 0 : i32
        %dma_start3A_190 = tpu.memref_slice %arg11[%dma_start3A_188, %dma_start3A_189] : memref<48x128xf32, #tpu.memory_space<vmem>> -> memref<16x128xf32, #tpu.memory_space<vmem>>
        %dma_start3A_191 = arith.constant 9984 : i32
        %dma_start3A_192 = arith.constant 0 : i32
        %dma_start3A_193 = tpu.memref_slice %arg12[%dma_start3A_191, %dma_start3A_192] : memref<10008x128xf32, #tpu.memory_space<vmem_shared>> -> memref<16x128xf32, #tpu.memory_space<vmem_shared>>
        %dma_start3A_194 = arith.constant 9984 : i32
        %dma_start3A_195 = arith.constant 0 : i32
        %dma_start3A_196 = tpu.memref_slice %arg12[%dma_start3A_194, %dma_start3A_195] : memref<10008x128xf32, #tpu.memory_space<vmem_shared>> -> memref<16x128xf32, #tpu.memory_space<vmem_shared>>
        %dma_start3A_197 = arith.constant 0 : i32
        %dma_start3A_198 = arith.constant 0 : i32
        %dma_start3A_199 = tpu.memref_slice %arg11[%dma_start3A_197, %dma_start3A_198] : memref<48x128xf32, #tpu.memory_space<vmem>> -> memref<16x128xf32, #tpu.memory_space<vmem>>
        tpu.enqueue_dma source(%dma_start3A_199 : memref<16x128xf32, #tpu.memory_space<vmem>>) target(%dma_start3A_196 : memref<16x128xf32, #tpu.memory_space<vmem_shared>>) target_semaphore(%run_scoped3A : memref<!tpu.dma_semaphore, #tpu.memory_space<semaphore_mem>>)
        %dma_wait3A_200 = arith.constant 0 : i32
        %dma_wait3A_201 = arith.constant 0 : i32
        %dma_wait3A_202 = tpu.memref_slice %arg11[%dma_wait3A_200, %dma_wait3A_201] : memref<48x128xf32, #tpu.memory_space<vmem>> -> memref<16x128xf32, #tpu.memory_space<vmem>>
        %dma_wait3A_203 = arith.constant 9984 : i32
        %dma_wait3A_204 = arith.constant 0 : i32
        %dma_wait3A_205 = tpu.memref_slice %arg12[%dma_wait3A_203, %dma_wait3A_204] : memref<10008x128xf32, #tpu.memory_space<vmem_shared>> -> memref<16x128xf32, #tpu.memory_space<vmem_shared>>
        %dma_wait3A_206 = arith.constant 9984 : i32
        %dma_wait3A_207 = arith.constant 0 : i32
        %dma_wait3A_208 = tpu.memref_slice %arg12[%dma_wait3A_206, %dma_wait3A_207] : memref<10008x128xf32, #tpu.memory_space<vmem_shared>> -> memref<16x128xf32, #tpu.memory_space<vmem_shared>>
        %dma_wait3A_209 = arith.constant 0 : i32
        %dma_wait3A_210 = arith.constant 0 : i32
        %dma_wait3A_211 = tpu.memref_slice %arg11[%dma_wait3A_209, %dma_wait3A_210] : memref<48x128xf32, #tpu.memory_space<vmem>> -> memref<16x128xf32, #tpu.memory_space<vmem>>
        tpu.wait_dma2 semaphore(%run_scoped3A : memref<!tpu.dma_semaphore, #tpu.memory_space<semaphore_mem>>) src(%dma_wait3A_211 : memref<16x128xf32, #tpu.memory_space<vmem>>) dst(%dma_wait3A_208 : memref<16x128xf32, #tpu.memory_space<vmem_shared>>)
        tpu.yield
      }) : () -> ()
    } else {
    }
    %dma_wait3A = arith.constant 0 : i32
    %dma_wait3A_114 = tpu.memref_slice %arg12[%add3A_11, %dma_wait3A] : memref<10008x128xf32, #tpu.memory_space<vmem_shared>> -> memref<48x128xf32, #tpu.memory_space<vmem_shared>>
    %dma_wait3A_115 = arith.constant 0 : i32
    %dma_wait3A_116 = tpu.memref_slice %arg12[%add3A_11, %dma_wait3A_115] : memref<10008x128xf32, #tpu.memory_space<vmem_shared>> -> memref<48x128xf32, #tpu.memory_space<vmem_shared>>
    tpu.wait_dma2 semaphore(%arg14 : memref<!tpu.dma_semaphore, #tpu.memory_space<semaphore_mem>>) src(%arg11 : memref<48x128xf32, #tpu.memory_space<vmem>>) dst(%dma_wait3A_116 : memref<48x128xf32, #tpu.memory_space<vmem_shared>>)
    %dma_wait3A_117 = arith.constant 0 : i32
    %dma_wait3A_118 = tpu.memref_slice %arg12[%add3A_19, %dma_wait3A_117] : memref<10008x128xf32, #tpu.memory_space<vmem_shared>> -> memref<48x128xf32, #tpu.memory_space<vmem_shared>>
    %dma_wait3A_119 = arith.constant 0 : i32
    %dma_wait3A_120 = tpu.memref_slice %arg12[%add3A_19, %dma_wait3A_119] : memref<10008x128xf32, #tpu.memory_space<vmem_shared>> -> memref<48x128xf32, #tpu.memory_space<vmem_shared>>
    tpu.wait_dma2 semaphore(%arg14 : memref<!tpu.dma_semaphore, #tpu.memory_space<semaphore_mem>>) src(%arg11 : memref<48x128xf32, #tpu.memory_space<vmem>>) dst(%dma_wait3A_120 : memref<48x128xf32, #tpu.memory_space<vmem_shared>>)
    %dma_wait3A_121 = arith.constant 0 : i32
    %dma_wait3A_122 = tpu.memref_slice %arg12[%add3A_27, %dma_wait3A_121] : memref<10008x128xf32, #tpu.memory_space<vmem_shared>> -> memref<48x128xf32, #tpu.memory_space<vmem_shared>>
    %dma_wait3A_123 = arith.constant 0 : i32
    %dma_wait3A_124 = tpu.memref_slice %arg12[%add3A_27, %dma_wait3A_123] : memref<10008x128xf32, #tpu.memory_space<vmem_shared>> -> memref<48x128xf32, #tpu.memory_space<vmem_shared>>
    tpu.wait_dma2 semaphore(%arg14 : memref<!tpu.dma_semaphore, #tpu.memory_space<semaphore_mem>>) src(%arg11 : memref<48x128xf32, #tpu.memory_space<vmem>>) dst(%dma_wait3A_124 : memref<48x128xf32, #tpu.memory_space<vmem_shared>>)
    %dma_wait3A_125 = arith.constant 0 : i32
    %dma_wait3A_126 = tpu.memref_slice %arg12[%add3A_35, %dma_wait3A_125] : memref<10008x128xf32, #tpu.memory_space<vmem_shared>> -> memref<48x128xf32, #tpu.memory_space<vmem_shared>>
    %dma_wait3A_127 = arith.constant 0 : i32
    %dma_wait3A_128 = tpu.memref_slice %arg12[%add3A_35, %dma_wait3A_127] : memref<10008x128xf32, #tpu.memory_space<vmem_shared>> -> memref<48x128xf32, #tpu.memory_space<vmem_shared>>
    tpu.wait_dma2 semaphore(%arg14 : memref<!tpu.dma_semaphore, #tpu.memory_space<semaphore_mem>>) src(%arg11 : memref<48x128xf32, #tpu.memory_space<vmem>>) dst(%dma_wait3A_128 : memref<48x128xf32, #tpu.memory_space<vmem_shared>>)
    %dma_wait3A_129 = arith.constant 0 : i32
    %dma_wait3A_130 = tpu.memref_slice %arg12[%add3A_43, %dma_wait3A_129] : memref<10008x128xf32, #tpu.memory_space<vmem_shared>> -> memref<48x128xf32, #tpu.memory_space<vmem_shared>>
    %dma_wait3A_131 = arith.constant 0 : i32
    %dma_wait3A_132 = tpu.memref_slice %arg12[%add3A_43, %dma_wait3A_131] : memref<10008x128xf32, #tpu.memory_space<vmem_shared>> -> memref<48x128xf32, #tpu.memory_space<vmem_shared>>
    tpu.wait_dma2 semaphore(%arg14 : memref<!tpu.dma_semaphore, #tpu.memory_space<semaphore_mem>>) src(%arg11 : memref<48x128xf32, #tpu.memory_space<vmem>>) dst(%dma_wait3A_132 : memref<48x128xf32, #tpu.memory_space<vmem_shared>>)
    %dma_wait3A_133 = arith.constant 0 : i32
    %dma_wait3A_134 = tpu.memref_slice %arg12[%add3A_51, %dma_wait3A_133] : memref<10008x128xf32, #tpu.memory_space<vmem_shared>> -> memref<48x128xf32, #tpu.memory_space<vmem_shared>>
    %dma_wait3A_135 = arith.constant 0 : i32
    %dma_wait3A_136 = tpu.memref_slice %arg12[%add3A_51, %dma_wait3A_135] : memref<10008x128xf32, #tpu.memory_space<vmem_shared>> -> memref<48x128xf32, #tpu.memory_space<vmem_shared>>
    tpu.wait_dma2 semaphore(%arg14 : memref<!tpu.dma_semaphore, #tpu.memory_space<semaphore_mem>>) src(%arg11 : memref<48x128xf32, #tpu.memory_space<vmem>>) dst(%dma_wait3A_136 : memref<48x128xf32, #tpu.memory_space<vmem_shared>>)
    %dma_wait3A_137 = arith.constant 0 : i32
    %dma_wait3A_138 = tpu.memref_slice %arg12[%add3A_59, %dma_wait3A_137] : memref<10008x128xf32, #tpu.memory_space<vmem_shared>> -> memref<48x128xf32, #tpu.memory_space<vmem_shared>>
    %dma_wait3A_139 = arith.constant 0 : i32
    %dma_wait3A_140 = tpu.memref_slice %arg12[%add3A_59, %dma_wait3A_139] : memref<10008x128xf32, #tpu.memory_space<vmem_shared>> -> memref<48x128xf32, #tpu.memory_space<vmem_shared>>
    tpu.wait_dma2 semaphore(%arg14 : memref<!tpu.dma_semaphore, #tpu.memory_space<semaphore_mem>>) src(%arg11 : memref<48x128xf32, #tpu.memory_space<vmem>>) dst(%dma_wait3A_140 : memref<48x128xf32, #tpu.memory_space<vmem_shared>>)
    %dma_wait3A_141 = arith.constant 0 : i32
    %dma_wait3A_142 = tpu.memref_slice %arg12[%add3A_67, %dma_wait3A_141] : memref<10008x128xf32, #tpu.memory_space<vmem_shared>> -> memref<48x128xf32, #tpu.memory_space<vmem_shared>>
    %dma_wait3A_143 = arith.constant 0 : i32
    %dma_wait3A_144 = tpu.memref_slice %arg12[%add3A_67, %dma_wait3A_143] : memref<10008x128xf32, #tpu.memory_space<vmem_shared>> -> memref<48x128xf32, #tpu.memory_space<vmem_shared>>
    tpu.wait_dma2 semaphore(%arg14 : memref<!tpu.dma_semaphore, #tpu.memory_space<semaphore_mem>>) src(%arg11 : memref<48x128xf32, #tpu.memory_space<vmem>>) dst(%dma_wait3A_144 : memref<48x128xf32, #tpu.memory_space<vmem_shared>>)
    %dma_wait3A_145 = arith.constant 0 : i32
    %dma_wait3A_146 = tpu.memref_slice %arg12[%add3A_75, %dma_wait3A_145] : memref<10008x128xf32, #tpu.memory_space<vmem_shared>> -> memref<48x128xf32, #tpu.memory_space<vmem_shared>>
    %dma_wait3A_147 = arith.constant 0 : i32
    %dma_wait3A_148 = tpu.memref_slice %arg12[%add3A_75, %dma_wait3A_147] : memref<10008x128xf32, #tpu.memory_space<vmem_shared>> -> memref<48x128xf32, #tpu.memory_space<vmem_shared>>
    tpu.wait_dma2 semaphore(%arg14 : memref<!tpu.dma_semaphore, #tpu.memory_space<semaphore_mem>>) src(%arg11 : memref<48x128xf32, #tpu.memory_space<vmem>>) dst(%dma_wait3A_148 : memref<48x128xf32, #tpu.memory_space<vmem_shared>>)
    %dma_wait3A_149 = arith.constant 0 : i32
    %dma_wait3A_150 = tpu.memref_slice %arg12[%add3A_83, %dma_wait3A_149] : memref<10008x128xf32, #tpu.memory_space<vmem_shared>> -> memref<48x128xf32, #tpu.memory_space<vmem_shared>>
    %dma_wait3A_151 = arith.constant 0 : i32
    %dma_wait3A_152 = tpu.memref_slice %arg12[%add3A_83, %dma_wait3A_151] : memref<10008x128xf32, #tpu.memory_space<vmem_shared>> -> memref<48x128xf32, #tpu.memory_space<vmem_shared>>
    tpu.wait_dma2 semaphore(%arg14 : memref<!tpu.dma_semaphore, #tpu.memory_space<semaphore_mem>>) src(%arg11 : memref<48x128xf32, #tpu.memory_space<vmem>>) dst(%dma_wait3A_152 : memref<48x128xf32, #tpu.memory_space<vmem_shared>>)
    %dma_wait3A_153 = arith.constant 0 : i32
    %dma_wait3A_154 = tpu.memref_slice %arg12[%add3A_91, %dma_wait3A_153] : memref<10008x128xf32, #tpu.memory_space<vmem_shared>> -> memref<48x128xf32, #tpu.memory_space<vmem_shared>>
    %dma_wait3A_155 = arith.constant 0 : i32
    %dma_wait3A_156 = tpu.memref_slice %arg12[%add3A_91, %dma_wait3A_155] : memref<10008x128xf32, #tpu.memory_space<vmem_shared>> -> memref<48x128xf32, #tpu.memory_space<vmem_shared>>
    tpu.wait_dma2 semaphore(%arg14 : memref<!tpu.dma_semaphore, #tpu.memory_space<semaphore_mem>>) src(%arg11 : memref<48x128xf32, #tpu.memory_space<vmem>>) dst(%dma_wait3A_156 : memref<48x128xf32, #tpu.memory_space<vmem_shared>>)
    %dma_wait3A_157 = arith.constant 0 : i32
    %dma_wait3A_158 = tpu.memref_slice %arg12[%add3A_99, %dma_wait3A_157] : memref<10008x128xf32, #tpu.memory_space<vmem_shared>> -> memref<48x128xf32, #tpu.memory_space<vmem_shared>>
    %dma_wait3A_159 = arith.constant 0 : i32
    %dma_wait3A_160 = tpu.memref_slice %arg12[%add3A_99, %dma_wait3A_159] : memref<10008x128xf32, #tpu.memory_space<vmem_shared>> -> memref<48x128xf32, #tpu.memory_space<vmem_shared>>
    tpu.wait_dma2 semaphore(%arg14 : memref<!tpu.dma_semaphore, #tpu.memory_space<semaphore_mem>>) src(%arg11 : memref<48x128xf32, #tpu.memory_space<vmem>>) dst(%dma_wait3A_160 : memref<48x128xf32, #tpu.memory_space<vmem_shared>>)
    %dma_wait3A_161 = arith.constant 0 : i32
    %dma_wait3A_162 = tpu.memref_slice %arg12[%add3A_107, %dma_wait3A_161] : memref<10008x128xf32, #tpu.memory_space<vmem_shared>> -> memref<48x128xf32, #tpu.memory_space<vmem_shared>>
    %dma_wait3A_163 = arith.constant 0 : i32
    %dma_wait3A_164 = tpu.memref_slice %arg12[%add3A_107, %dma_wait3A_163] : memref<10008x128xf32, #tpu.memory_space<vmem_shared>> -> memref<48x128xf32, #tpu.memory_space<vmem_shared>>
    tpu.wait_dma2 semaphore(%arg14 : memref<!tpu.dma_semaphore, #tpu.memory_space<semaphore_mem>>) src(%arg11 : memref<48x128xf32, #tpu.memory_space<vmem>>) dst(%dma_wait3A_164 : memref<48x128xf32, #tpu.memory_space<vmem_shared>>)
    %dma_wait3A_165 = tpu.memref_slice %arg3[%mul3A_2] : memref<327680xi32, #tpu.memory_space<hbm>> -> memref<10240xi32, #tpu.memory_space<hbm>>
    %dma_wait3A_166 = tpu.memref_slice %arg3[%mul3A_2] : memref<327680xi32, #tpu.memory_space<hbm>> -> memref<10240xi32, #tpu.memory_space<hbm>>
    tpu.wait_dma2 semaphore(%arg13 : memref<!tpu.dma_semaphore, #tpu.memory_space<semaphore_mem>>) src(%dma_wait3A_166 : memref<10240xi32, #tpu.memory_space<hbm>>) dst(%arg6 : memref<10240xi32, #tpu.memory_space<vmem>>)
    %barrier3A = arith.constant 0 : index
    tpu.barrier barrier_id(%barrier3A)
    %scan3A_167 = arith.constant 0 : i32
    %scan3A_168 = arith.constant 40 : i32
    %scan3A_169 = arith.addi %scan3A_167, %scan3A_168 : i32
    %scan3A_170 = arith.constant 1 : i32
    scf.for %scan3A_188 = %scan3A_167 to %scan3A_169 step %scan3A_170  : i32 {
      %mul3A_189 = arith.constant 1 : i32
      %mul3A_190 = arith.muli %scan3A_188, %mul3A_189 : i32
      %add3A_191 = arith.constant 0 : i32
      %add3A_192 = arith.addi %add3A_191, %mul3A_190 : i32
      %mul3A_193 = arith.constant 2 : i32
      %mul3A_194 = arith.muli %add3A_192, %mul3A_193 : i32
      %gt3A = arith.constant 0 : i32
      %gt3A_195 = arith.cmpi sgt, %add3A_192, %gt3A : i32
      %convert_element_type3A_196 = arith.extui %gt3A_195 : i1 to i32
      %cond3A_197 = arith.constant 0 : i32
      %cond3A_198 = arith.cmpi ne, %convert_element_type3A_196, %cond3A_197 : i32
      scf.if %cond3A_198 {
        %dma_wait3A_251 = arith.constant 0 : i32
        %dma_wait3A_252 = arith.constant 0 : i32
        %dma_wait3A_253 = tpu.memref_slice %arg12[%dma_wait3A_251, %dma_wait3A_252] : memref<10008x128xf32, #tpu.memory_space<vmem_shared>> -> memref<10008x128xf32, #tpu.memory_space<vmem_shared>>
        tpu.wait_indirect_dma semaphore(%arg17 : memref<!tpu.dma_semaphore, #tpu.memory_space<semaphore_mem>>) src(%arg9 : memref<128x128xf32, #tpu.memory_space<vmem>>) dst(%dma_wait3A_253 : memref<10008x128xf32, #tpu.memory_space<vmem_shared>>)
        %dma_wait3A_254 = arith.constant 0 : i32
        %dma_wait3A_255 = arith.constant 0 : i32
        %dma_wait3A_256 = tpu.memref_slice %arg12[%dma_wait3A_254, %dma_wait3A_255] : memref<10008x128xf32, #tpu.memory_space<vmem_shared>> -> memref<10008x128xf32, #tpu.memory_space<vmem_shared>>
        tpu.wait_indirect_dma semaphore(%arg18 : memref<!tpu.dma_semaphore, #tpu.memory_space<semaphore_mem>>) src(%arg10 : memref<128x128xf32, #tpu.memory_space<vmem>>) dst(%dma_wait3A_256 : memref<10008x128xf32, #tpu.memory_space<vmem_shared>>)
      } else {
      }
      %mul3A_199 = arith.constant 10240 : i32
      %mul3A_200 = arith.muli %add3A, %mul3A_199 : i32
      %add3A_201 = arith.constant 0 : i32
      %add3A_202 = arith.addi %mul3A_194, %add3A_201 : i32
      %mul3A_203 = arith.constant 128 : i32
      %mul3A_204 = arith.muli %add3A_202, %mul3A_203 : i32
      %add3A_205 = arith.addi %mul3A_200, %mul3A_204 : i32
      %dma_start3A_206 = tpu.memref_slice %arg4[%add3A_205] : memref<327680xi32, #tpu.memory_space<hbm>> -> memref<128xi32, #tpu.memory_space<hbm>>
      %dma_start3A_207 = tpu.memref_slice %arg4[%add3A_205] : memref<327680xi32, #tpu.memory_space<hbm>> -> memref<128xi32, #tpu.memory_space<hbm>>
      tpu.enqueue_dma source(%dma_start3A_207 : memref<128xi32, #tpu.memory_space<hbm>>) target(%arg7 : memref<128xi32, #tpu.memory_space<vmem>>) target_semaphore(%arg15 : memref<!tpu.dma_semaphore, #tpu.memory_space<semaphore_mem>>)
      %mul3A_208 = arith.constant 10240 : i32
      %mul3A_209 = arith.muli %add3A, %mul3A_208 : i32
      %add3A_210 = arith.constant 1 : i32
      %add3A_211 = arith.addi %mul3A_194, %add3A_210 : i32
      %mul3A_212 = arith.constant 128 : i32
      %mul3A_213 = arith.muli %add3A_211, %mul3A_212 : i32
      %add3A_214 = arith.addi %mul3A_209, %mul3A_213 : i32
      %dma_start3A_215 = tpu.memref_slice %arg4[%add3A_214] : memref<327680xi32, #tpu.memory_space<hbm>> -> memref<128xi32, #tpu.memory_space<hbm>>
      %dma_start3A_216 = tpu.memref_slice %arg4[%add3A_214] : memref<327680xi32, #tpu.memory_space<hbm>> -> memref<128xi32, #tpu.memory_space<hbm>>
      tpu.enqueue_dma source(%dma_start3A_216 : memref<128xi32, #tpu.memory_space<hbm>>) target(%arg8 : memref<128xi32, #tpu.memory_space<vmem>>) target_semaphore(%arg16 : memref<!tpu.dma_semaphore, #tpu.memory_space<semaphore_mem>>)
      %add3A_217 = arith.constant 0 : i32
      %add3A_218 = arith.addi %mul3A_194, %add3A_217 : i32
      %mul3A_219 = arith.constant 128 : i32
      %mul3A_220 = arith.muli %add3A_218, %mul3A_219 : i32
      %dma_start3A_221 = tpu.memref_slice %arg6[%mul3A_220] : memref<10240xi32, #tpu.memory_space<vmem>> -> memref<128xi32, #tpu.memory_space<vmem>>
      %dma_start3A_222 = arith.constant 0 : i32
      %dma_start3A_223 = arith.constant 0 : i32
      %dma_start3A_224 = tpu.memref_slice %arg2[%dma_start3A_222, %dma_start3A_223] : memref<10000x128xf32, #tpu.memory_space<hbm>> -> memref<10000x128xf32, #tpu.memory_space<hbm>>
      tpu.enqueue_indirect_dma source(%dma_start3A_224 : memref<10000x128xf32, #tpu.memory_space<hbm>>) target(%arg9 : memref<128x128xf32, #tpu.memory_space<vmem>>) offsets(%dma_start3A_221 : memref<128xi32, #tpu.memory_space<vmem>>) semaphore(%arg13 : memref<!tpu.dma_semaphore, #tpu.memory_space<semaphore_mem>>)
      %add3A_225 = arith.constant 1 : i32
      %add3A_226 = arith.addi %mul3A_194, %add3A_225 : i32
      %mul3A_227 = arith.constant 128 : i32
      %mul3A_228 = arith.muli %add3A_226, %mul3A_227 : i32
      %dma_start3A_229 = tpu.memref_slice %arg6[%mul3A_228] : memref<10240xi32, #tpu.memory_space<vmem>> -> memref<128xi32, #tpu.memory_space<vmem>>
      %dma_start3A_230 = arith.constant 0 : i32
      %dma_start3A_231 = arith.constant 0 : i32
      %dma_start3A_232 = tpu.memref_slice %arg2[%dma_start3A_230, %dma_start3A_231] : memref<10000x128xf32, #tpu.memory_space<hbm>> -> memref<10000x128xf32, #tpu.memory_space<hbm>>
      tpu.enqueue_indirect_dma source(%dma_start3A_232 : memref<10000x128xf32, #tpu.memory_space<hbm>>) target(%arg10 : memref<128x128xf32, #tpu.memory_space<vmem>>) offsets(%dma_start3A_229 : memref<128xi32, #tpu.memory_space<vmem>>) semaphore(%arg14 : memref<!tpu.dma_semaphore, #tpu.memory_space<semaphore_mem>>)
      %dma_wait3A_233 = tpu.memref_slice %arg4[%add3A_205] : memref<327680xi32, #tpu.memory_space<hbm>> -> memref<128xi32, #tpu.memory_space<hbm>>
      %dma_wait3A_234 = tpu.memref_slice %arg4[%add3A_205] : memref<327680xi32, #tpu.memory_space<hbm>> -> memref<128xi32, #tpu.memory_space<hbm>>
      tpu.wait_dma2 semaphore(%arg15 : memref<!tpu.dma_semaphore, #tpu.memory_space<semaphore_mem>>) src(%dma_wait3A_234 : memref<128xi32, #tpu.memory_space<hbm>>) dst(%arg7 : memref<128xi32, #tpu.memory_space<vmem>>)
      %dma_wait3A_235 = tpu.memref_slice %arg6[%mul3A_220] : memref<10240xi32, #tpu.memory_space<vmem>> -> memref<128xi32, #tpu.memory_space<vmem>>
      %dma_wait3A_236 = arith.constant 0 : i32
      %dma_wait3A_237 = arith.constant 0 : i32
      %dma_wait3A_238 = tpu.memref_slice %arg2[%dma_wait3A_236, %dma_wait3A_237] : memref<10000x128xf32, #tpu.memory_space<hbm>> -> memref<10000x128xf32, #tpu.memory_space<hbm>>
      tpu.wait_indirect_dma semaphore(%arg13 : memref<!tpu.dma_semaphore, #tpu.memory_space<semaphore_mem>>) src(%dma_wait3A_238 : memref<10000x128xf32, #tpu.memory_space<hbm>>) dst(%arg9 : memref<128x128xf32, #tpu.memory_space<vmem>>)
      %dma_start3A_239 = arith.constant 0 : i32
      %dma_start3A_240 = arith.constant 0 : i32
      %dma_start3A_241 = tpu.memref_slice %arg12[%dma_start3A_239, %dma_start3A_240] : memref<10008x128xf32, #tpu.memory_space<vmem_shared>> -> memref<10008x128xf32, #tpu.memory_space<vmem_shared>>
      tpu.enqueue_indirect_dma source(%arg9 : memref<128x128xf32, #tpu.memory_space<vmem>>) target(%dma_start3A_241 : memref<10008x128xf32, #tpu.memory_space<vmem_shared>>) offsets(%arg7 : memref<128xi32, #tpu.memory_space<vmem>>) semaphore(%arg17 : memref<!tpu.dma_semaphore, #tpu.memory_space<semaphore_mem>>) {add = true}
      %dma_wait3A_242 = tpu.memref_slice %arg4[%add3A_214] : memref<327680xi32, #tpu.memory_space<hbm>> -> memref<128xi32, #tpu.memory_space<hbm>>
      %dma_wait3A_243 = tpu.memref_slice %arg4[%add3A_214] : memref<327680xi32, #tpu.memory_space<hbm>> -> memref<128xi32, #tpu.memory_space<hbm>>
      tpu.wait_dma2 semaphore(%arg16 : memref<!tpu.dma_semaphore, #tpu.memory_space<semaphore_mem>>) src(%dma_wait3A_243 : memref<128xi32, #tpu.memory_space<hbm>>) dst(%arg8 : memref<128xi32, #tpu.memory_space<vmem>>)
      %dma_wait3A_244 = tpu.memref_slice %arg6[%mul3A_228] : memref<10240xi32, #tpu.memory_space<vmem>> -> memref<128xi32, #tpu.memory_space<vmem>>
      %dma_wait3A_245 = arith.constant 0 : i32
      %dma_wait3A_246 = arith.constant 0 : i32
      %dma_wait3A_247 = tpu.memref_slice %arg2[%dma_wait3A_245, %dma_wait3A_246] : memref<10000x128xf32, #tpu.memory_space<hbm>> -> memref<10000x128xf32, #tpu.memory_space<hbm>>
      tpu.wait_indirect_dma semaphore(%arg14 : memref<!tpu.dma_semaphore, #tpu.memory_space<semaphore_mem>>) src(%dma_wait3A_247 : memref<10000x128xf32, #tpu.memory_space<hbm>>) dst(%arg10 : memref<128x128xf32, #tpu.memory_space<vmem>>)
      %dma_start3A_248 = arith.constant 0 : i32
      %dma_start3A_249 = arith.constant 0 : i32
      %dma_start3A_250 = tpu.memref_slice %arg12[%dma_start3A_248, %dma_start3A_249] : memref<10008x128xf32, #tpu.memory_space<vmem_shared>> -> memref<10008x128xf32, #tpu.memory_space<vmem_shared>>
      tpu.enqueue_indirect_dma source(%arg10 : memref<128x128xf32, #tpu.memory_space<vmem>>) target(%dma_start3A_250 : memref<10008x128xf32, #tpu.memory_space<vmem_shared>>) offsets(%arg8 : memref<128xi32, #tpu.memory_space<vmem>>) semaphore(%arg18 : memref<!tpu.dma_semaphore, #tpu.memory_space<semaphore_mem>>) {add = true}
    }
    %scan3A_171 = arith.constant 40 : i32
    %dma_wait3A_172 = arith.constant 0 : i32
    %dma_wait3A_173 = arith.constant 0 : i32
    %dma_wait3A_174 = tpu.memref_slice %arg12[%dma_wait3A_172, %dma_wait3A_173] : memref<10008x128xf32, #tpu.memory_space<vmem_shared>> -> memref<10008x128xf32, #tpu.memory_space<vmem_shared>>
    tpu.wait_indirect_dma semaphore(%arg17 : memref<!tpu.dma_semaphore, #tpu.memory_space<semaphore_mem>>) src(%arg9 : memref<128x128xf32, #tpu.memory_space<vmem>>) dst(%dma_wait3A_174 : memref<10008x128xf32, #tpu.memory_space<vmem_shared>>)
    %dma_wait3A_175 = arith.constant 0 : i32
    %dma_wait3A_176 = arith.constant 0 : i32
    %dma_wait3A_177 = tpu.memref_slice %arg12[%dma_wait3A_175, %dma_wait3A_176] : memref<10008x128xf32, #tpu.memory_space<vmem_shared>> -> memref<10008x128xf32, #tpu.memory_space<vmem_shared>>
    tpu.wait_indirect_dma semaphore(%arg18 : memref<!tpu.dma_semaphore, #tpu.memory_space<semaphore_mem>>) src(%arg10 : memref<128x128xf32, #tpu.memory_space<vmem>>) dst(%dma_wait3A_177 : memref<10008x128xf32, #tpu.memory_space<vmem_shared>>)
    %barrier3A_178 = arith.constant 0 : index
    tpu.barrier barrier_id(%barrier3A_178)
    %mul3A_179 = arith.constant 624 : i32
    %mul3A_180 = arith.muli %arg1, %mul3A_179 : i32
    %mul3A_181 = arith.constant 624 : i32
    %mul3A_182 = arith.muli %arg1, %mul3A_181 : i32
    "tpu.region"() ({
      %run_scoped3A = tpu.sem_alloc : memref<!tpu.dma_semaphore, #tpu.memory_space<semaphore_mem>>
      %dma_start3A_188 = arith.constant 0 : i32
      %dma_start3A_189 = tpu.memref_slice %arg5[%arg0, %mul3A_182, %dma_start3A_188] : memref<2x10000x128xf32, #tpu.memory_space<hbm>> -> memref<1x624x128xf32, #tpu.memory_space<hbm>>
      %dma_start3A_190 = tpu.memref_squeeze %dma_start3A_189 : memref<1x624x128xf32, #tpu.memory_space<hbm>> -> memref<624x128xf32, #tpu.memory_space<hbm>>
      %dma_start3A_191 = arith.constant 0 : i32
      %dma_start3A_192 = tpu.memref_slice %arg12[%mul3A_180, %dma_start3A_191] : memref<10008x128xf32, #tpu.memory_space<vmem_shared>> -> memref<624x128xf32, #tpu.memory_space<vmem_shared>>
      tpu.enqueue_dma source(%dma_start3A_192 : memref<624x128xf32, #tpu.memory_space<vmem_shared>>) target(%dma_start3A_190 : memref<624x128xf32, #tpu.memory_space<hbm>>) target_semaphore(%run_scoped3A : memref<!tpu.dma_semaphore, #tpu.memory_space<semaphore_mem>>)
      %dma_wait3A_193 = arith.constant 0 : i32
      %dma_wait3A_194 = tpu.memref_slice %arg5[%arg0, %mul3A_182, %dma_wait3A_193] : memref<2x10000x128xf32, #tpu.memory_space<hbm>> -> memref<1x624x128xf32, #tpu.memory_space<hbm>>
      %dma_wait3A_195 = tpu.memref_squeeze %dma_wait3A_194 : memref<1x624x128xf32, #tpu.memory_space<hbm>> -> memref<624x128xf32, #tpu.memory_space<hbm>>
      %dma_wait3A_196 = arith.constant 0 : i32
      %dma_wait3A_197 = tpu.memref_slice %arg12[%mul3A_180, %dma_wait3A_196] : memref<10008x128xf32, #tpu.memory_space<vmem_shared>> -> memref<624x128xf32, #tpu.memory_space<vmem_shared>>
      tpu.wait_dma2 semaphore(%run_scoped3A : memref<!tpu.dma_semaphore, #tpu.memory_space<semaphore_mem>>) src(%dma_wait3A_197 : memref<624x128xf32, #tpu.memory_space<vmem_shared>>) dst(%dma_wait3A_195 : memref<624x128xf32, #tpu.memory_space<hbm>>)
      tpu.yield
    }) : () -> ()
    %eq3A_183 = arith.constant 15 : i32
    %eq3A_184 = arith.cmpi eq, %arg1, %eq3A_183 : i32
    %convert_element_type3A_185 = arith.extui %eq3A_184 : i1 to i32
    %cond3A_186 = arith.constant 0 : i32
    %cond3A_187 = arith.cmpi ne, %convert_element_type3A_185, %cond3A_186 : i32
    scf.if %cond3A_187 {
      "tpu.region"() ({
        %run_scoped3A = tpu.sem_alloc : memref<!tpu.dma_semaphore, #tpu.memory_space<semaphore_mem>>
        %dma_start3A_188 = arith.constant 9984 : i32
        %dma_start3A_189 = arith.constant 0 : i32
        %dma_start3A_190 = tpu.memref_slice %arg5[%arg0, %dma_start3A_188, %dma_start3A_189] : memref<2x10000x128xf32, #tpu.memory_space<hbm>> -> memref<1x16x128xf32, #tpu.memory_space<hbm>>
        %dma_start3A_191 = tpu.memref_squeeze %dma_start3A_190 : memref<1x16x128xf32, #tpu.memory_space<hbm>> -> memref<16x128xf32, #tpu.memory_space<hbm>>
        %dma_start3A_192 = arith.constant 9984 : i32
        %dma_start3A_193 = arith.constant 0 : i32
        %dma_start3A_194 = tpu.memref_slice %arg12[%dma_start3A_192, %dma_start3A_193] : memref<10008x128xf32, #tpu.memory_space<vmem_shared>> -> memref<16x128xf32, #tpu.memory_space<vmem_shared>>
        tpu.enqueue_dma source(%dma_start3A_194 : memref<16x128xf32, #tpu.memory_space<vmem_shared>>) target(%dma_start3A_191 : memref<16x128xf32, #tpu.memory_space<hbm>>) target_semaphore(%run_scoped3A : memref<!tpu.dma_semaphore, #tpu.memory_space<semaphore_mem>>)
        %dma_wait3A_195 = arith.constant 9984 : i32
        %dma_wait3A_196 = arith.constant 0 : i32
        %dma_wait3A_197 = tpu.memref_slice %arg5[%arg0, %dma_wait3A_195, %dma_wait3A_196] : memref<2x10000x128xf32, #tpu.memory_space<hbm>> -> memref<1x16x128xf32, #tpu.memory_space<hbm>>
        %dma_wait3A_198 = tpu.memref_squeeze %dma_wait3A_197 : memref<1x16x128xf32, #tpu.memory_space<hbm>> -> memref<16x128xf32, #tpu.memory_space<hbm>>
        %dma_wait3A_199 = arith.constant 9984 : i32
        %dma_wait3A_200 = arith.constant 0 : i32
        %dma_wait3A_201 = tpu.memref_slice %arg12[%dma_wait3A_199, %dma_wait3A_200] : memref<10008x128xf32, #tpu.memory_space<vmem_shared>> -> memref<16x128xf32, #tpu.memory_space<vmem_shared>>
        tpu.wait_dma2 semaphore(%run_scoped3A : memref<!tpu.dma_semaphore, #tpu.memory_space<semaphore_mem>>) src(%dma_wait3A_201 : memref<16x128xf32, #tpu.memory_space<vmem_shared>>) dst(%dma_wait3A_198 : memref<16x128xf32, #tpu.memory_space<hbm>>)
        tpu.yield
      }) : () -> ()
    } else {
    }
    return
  }
}

module attributes {stable_mosaic.version = 14 : i64} {
  func.func @body(%arg0: i32, %arg1: memref<1000x2xf32, #tpu.memory_space<vmem>>, %arg2: memref<1000x128xf32, #tpu.memory_space<vmem>>, %arg3: memref<128x128xf32, #tpu.memory_space<vmem>>, %arg4: memref<1000x128xf32, #tpu.memory_space<vmem>>) attributes {dimension_semantics = [#tpu.dimension_semantics<arbitrary>], iteration_bounds = array<i64: 10>, scalar_prefetch = 0 : i64, scratch_operands = 0 : i64, tpu.core_type = #tpu.core_type<tc>, window_params = [{transform_indices = @transform_0, window_bounds = array<i64: 1000, 2>}, {transform_indices = @transform_1, window_bounds = array<i64: 1000, 128>}, {pipeline_mode = #tpu.pipeline_mode<synchronous>, transform_indices = @transform_2, window_bounds = array<i64: 128, 128>}, {transform_indices = @transform_3, window_bounds = array<i64: 1000, 128>}]} {
    %get3A = arith.constant 0 : index
    %get3A_0 = arith.constant 0 : index
    %get3A_1 = vector.load %arg1[%get3A, %get3A_0] : memref<1000x2xf32, #tpu.memory_space<vmem>>, vector<1000x1xf32>
    %get3A_2 = arith.constant 0 : index
    %get3A_3 = arith.constant 1 : index
    %get3A_4 = vector.load %arg1[%get3A_2, %get3A_3] : memref<1000x2xf32, #tpu.memory_space<vmem>>, vector<1000x1xf32>
    %add3A = arith.addf %get3A_1, %get3A_4 : vector<1000x1xf32>
    %max3A = arith.constant 1.000000e+00 : f32
    %max3A_5 = vector.broadcast %max3A : f32 to vector<1000x1xf32>
    %max3A_6 = arith.maximumf %add3A, %max3A_5 : vector<1000x1xf32>
    %rsqrt3A = math.rsqrt %max3A_6 : vector<1000x1xf32>
    %get3A_7 = arith.constant 0 : index
    %get3A_8 = arith.constant 0 : index
    %get3A_9 = vector.load %arg2[%get3A_7, %get3A_8] : memref<1000x128xf32, #tpu.memory_space<vmem>>, vector<1000x128xf32>
    %get3A_10 = arith.constant 0 : index
    %get3A_11 = arith.constant 0 : index
    %get3A_12 = vector.load %arg3[%get3A_10, %get3A_11] : memref<128x128xf32, #tpu.memory_space<vmem>>, vector<128x128xf32>
    %dot_general3A = arith.constant dense<0.000000e+00> : vector<1000x128xf32>
    %dot_general3A_13 = tpu.matmul %get3A_9, %get3A_12, %dot_general3A {dimension_numbers = #tpu.dot_dimension_numbers<[1], [0], [0], [1], [0, 0, 1, 1], [], []>, transpose_lhs_hint = false} : vector<1000x128xf32>, vector<128x128xf32>, vector<1000x128xf32> -> vector<1000x128xf32>
    %mul3A = vector.broadcast %rsqrt3A : vector<1000x1xf32> to vector<1000x128xf32>
    %mul3A_14 = arith.mulf %dot_general3A_13, %mul3A : vector<1000x128xf32>
    %swap3A = arith.constant 0 : index
    %swap3A_15 = arith.constant 0 : index
    %swap3A_16 = vector.load %arg4[%swap3A, %swap3A_15] : memref<1000x128xf32, #tpu.memory_space<vmem>>, vector<1000x128xf32>
    tpu.vector_store %arg4[%swap3A, %swap3A_15], %mul3A_14 {strides = array<i32>} : memref<1000x128xf32, #tpu.memory_space<vmem>>, vector<1000x128xf32>,
    return
  }
  func.func @transform_0(%arg0: i32) -> (i32, i32) {
    %c0_i32 = arith.constant 0 : i32
    %c0_i32_0 = arith.constant 0 : i32
    return %arg0, %c0_i32 : i32, i32
  }
  func.func @transform_1(%arg0: i32) -> (i32, i32) {
    %c0_i32 = arith.constant 0 : i32
    %c0_i32_0 = arith.constant 0 : i32
    return %arg0, %c0_i32 : i32, i32
  }
  func.func @transform_2(%arg0: i32) -> (i32, i32) {
    %c0_i32 = arith.constant 0 : i32
    %c0_i32_0 = arith.constant 0 : i32
    %c0_i32_1 = arith.constant 0 : i32
    return %c0_i32, %c0_i32_0 : i32, i32
  }
  func.func @transform_3(%arg0: i32) -> (i32, i32) {
    %c0_i32 = arith.constant 0 : i32
    %c0_i32_0 = arith.constant 0 : i32
    return %arg0, %c0_i32 : i32, i32
  }
}

module attributes {stable_mosaic.version = 14 : i64} {
  func.func @body(%arg0: i32, %arg1: memref<1000x2xf32, #tpu.memory_space<vmem>>, %arg2: memref<2x1000x128xf32, #tpu.memory_space<vmem>>, %arg3: memref<128x128xf32, #tpu.memory_space<vmem>>, %arg4: memref<1x128xf32, #tpu.memory_space<vmem>>, %arg5: memref<1000x128xf32, #tpu.memory_space<vmem>>) attributes {dimension_semantics = [#tpu.dimension_semantics<arbitrary>], iteration_bounds = array<i64: 10>, scalar_prefetch = 0 : i64, scratch_operands = 0 : i64, tpu.core_type = #tpu.core_type<tc>, window_params = [{transform_indices = @transform_0, window_bounds = array<i64: 1000, 2>}, {transform_indices = @transform_1, window_bounds = array<i64: 2, 1000, 128>}, {pipeline_mode = #tpu.pipeline_mode<synchronous>, transform_indices = @transform_2, window_bounds = array<i64: 128, 128>}, {pipeline_mode = #tpu.pipeline_mode<synchronous>, transform_indices = @transform_3, window_bounds = array<i64: 1, 128>}, {transform_indices = @transform_4, window_bounds = array<i64: 1000, 128>}]} {
    %get3A = arith.constant 0 : index
    %get3A_0 = arith.constant 0 : index
    %get3A_1 = vector.load %arg1[%get3A, %get3A_0] : memref<1000x2xf32, #tpu.memory_space<vmem>>, vector<1000x1xf32>
    %get3A_2 = arith.constant 0 : index
    %get3A_3 = arith.constant 1 : index
    %get3A_4 = vector.load %arg1[%get3A_2, %get3A_3] : memref<1000x2xf32, #tpu.memory_space<vmem>>, vector<1000x1xf32>
    %add3A = arith.addf %get3A_1, %get3A_4 : vector<1000x1xf32>
    %max3A = arith.constant 1.000000e+00 : f32
    %max3A_5 = vector.broadcast %max3A : f32 to vector<1000x1xf32>
    %max3A_6 = arith.maximumf %add3A, %max3A_5 : vector<1000x1xf32>
    %rsqrt3A = math.rsqrt %max3A_6 : vector<1000x1xf32>
    %get3A_7 = arith.constant 0 : index
    %get3A_8 = arith.constant 0 : index
    %get3A_9 = arith.constant 0 : index
    %get3A_10 = vector.load %arg2[%get3A_7, %get3A_8, %get3A_9] : memref<2x1000x128xf32, #tpu.memory_space<vmem>>, vector<1x1000x128xf32>
    %get3A_11 = vector.shape_cast %get3A_10 : vector<1x1000x128xf32> to vector<1000x128xf32>
    %get3A_12 = arith.constant 1 : index
    %get3A_13 = arith.constant 0 : index
    %get3A_14 = arith.constant 0 : index
    %get3A_15 = vector.load %arg2[%get3A_12, %get3A_13, %get3A_14] : memref<2x1000x128xf32, #tpu.memory_space<vmem>>, vector<1x1000x128xf32>
    %get3A_16 = vector.shape_cast %get3A_15 : vector<1x1000x128xf32> to vector<1000x128xf32>
    %add3A_17 = arith.addf %get3A_11, %get3A_16 : vector<1000x128xf32>
    %mul3A = vector.broadcast %rsqrt3A : vector<1000x1xf32> to vector<1000x128xf32>
    %mul3A_18 = arith.mulf %add3A_17, %mul3A : vector<1000x128xf32>
    %get3A_19 = arith.constant 0 : index
    %get3A_20 = arith.constant 0 : index
    %get3A_21 = vector.load %arg4[%get3A_19, %get3A_20] : memref<1x128xf32, #tpu.memory_space<vmem>>, vector<1x128xf32>
    %add3A_22 = vector.broadcast %get3A_21 : vector<1x128xf32> to vector<1000x128xf32>
    %add3A_23 = arith.addf %mul3A_18, %add3A_22 : vector<1000x128xf32>
    %max3A_24 = arith.constant 0.000000e+00 : f32
    %max3A_25 = vector.broadcast %max3A_24 : f32 to vector<1000x128xf32>
    %max3A_26 = arith.maximumf %add3A_23, %max3A_25 : vector<1000x128xf32>
    %get3A_27 = arith.constant 0 : index
    %get3A_28 = arith.constant 0 : index
    %get3A_29 = vector.load %arg3[%get3A_27, %get3A_28] : memref<128x128xf32, #tpu.memory_space<vmem>>, vector<128x128xf32>
    %dot_general3A = arith.constant dense<0.000000e+00> : vector<1000x128xf32>
    %dot_general3A_30 = tpu.matmul %max3A_26, %get3A_29, %dot_general3A {dimension_numbers = #tpu.dot_dimension_numbers<[1], [0], [0], [1], [0, 0, 1, 1], [], []>, transpose_lhs_hint = false} : vector<1000x128xf32>, vector<128x128xf32>, vector<1000x128xf32> -> vector<1000x128xf32>
    %mul3A_31 = vector.broadcast %rsqrt3A : vector<1000x1xf32> to vector<1000x128xf32>
    %mul3A_32 = arith.mulf %dot_general3A_30, %mul3A_31 : vector<1000x128xf32>
    %swap3A = arith.constant 0 : index
    %swap3A_33 = arith.constant 0 : index
    %swap3A_34 = vector.load %arg5[%swap3A, %swap3A_33] : memref<1000x128xf32, #tpu.memory_space<vmem>>, vector<1000x128xf32>
    tpu.vector_store %arg5[%swap3A, %swap3A_33], %mul3A_32 {strides = array<i32>} : memref<1000x128xf32, #tpu.memory_space<vmem>>, vector<1000x128xf32>,
    return
  }
  func.func @transform_0(%arg0: i32) -> (i32, i32) {
    %c0_i32 = arith.constant 0 : i32
    %c0_i32_0 = arith.constant 0 : i32
    return %arg0, %c0_i32 : i32, i32
  }
  func.func @transform_1(%arg0: i32) -> (i32, i32, i32) {
    %c0_i32 = arith.constant 0 : i32
    %c0_i32_0 = arith.constant 0 : i32
    %c0_i32_1 = arith.constant 0 : i32
    return %c0_i32, %arg0, %c0_i32_0 : i32, i32, i32
  }
  func.func @transform_2(%arg0: i32) -> (i32, i32) {
    %c0_i32 = arith.constant 0 : i32
    %c0_i32_0 = arith.constant 0 : i32
    %c0_i32_1 = arith.constant 0 : i32
    return %c0_i32, %c0_i32_0 : i32, i32
  }
  func.func @transform_3(%arg0: i32) -> (i32, i32) {
    %c0_i32 = arith.constant 0 : i32
    %c0_i32_0 = arith.constant 0 : i32
    %c0_i32_1 = arith.constant 0 : i32
    return %c0_i32, %c0_i32_0 : i32, i32
  }
  func.func @transform_4(%arg0: i32) -> (i32, i32) {
    %c0_i32 = arith.constant 0 : i32
    %c0_i32_0 = arith.constant 0 : i32
    return %arg0, %c0_i32 : i32, i32
  }
}

module attributes {stable_mosaic.version = 14 : i64} {
  func.func @body(%arg0: i32, %arg1: memref<1000x2xf32, #tpu.memory_space<vmem>>, %arg2: memref<2x1000x128xf32, #tpu.memory_space<vmem>>, %arg3: memref<1x128xf32, #tpu.memory_space<vmem>>, %arg4: memref<128x1xf32, #tpu.memory_space<vmem>>, %arg5: memref<1x1xf32, #tpu.memory_space<vmem>>, %arg6: memref<1000x128xf32, #tpu.memory_space<vmem>>, %arg7: memref<1x128xf32, #tpu.memory_space<vmem>>) attributes {dimension_semantics = [#tpu.dimension_semantics<arbitrary>], iteration_bounds = array<i64: 10>, scalar_prefetch = 0 : i64, scratch_operands = 0 : i64, tpu.core_type = #tpu.core_type<tc>, window_params = [{transform_indices = @transform_0, window_bounds = array<i64: 1000, 2>}, {transform_indices = @transform_1, window_bounds = array<i64: 2, 1000, 128>}, {pipeline_mode = #tpu.pipeline_mode<synchronous>, transform_indices = @transform_2, window_bounds = array<i64: 1, 128>}, {pipeline_mode = #tpu.pipeline_mode<synchronous>, transform_indices = @transform_3, window_bounds = array<i64: 128, 1>}, {pipeline_mode = #tpu.pipeline_mode<synchronous>, transform_indices = @transform_4, window_bounds = array<i64: 1, 1>}, {transform_indices = @transform_5, window_bounds = array<i64: 1000, 128>}, {pipeline_mode = #tpu.pipeline_mode<synchronous>, transform_indices = @transform_6, window_bounds = array<i64: 1, 128>}]} {
    %get3A = arith.constant 0 : index
    %get3A_0 = arith.constant 0 : index
    %get3A_1 = vector.load %arg1[%get3A, %get3A_0] : memref<1000x2xf32, #tpu.memory_space<vmem>>, vector<1000x1xf32>
    %get3A_2 = arith.constant 0 : index
    %get3A_3 = arith.constant 1 : index
    %get3A_4 = vector.load %arg1[%get3A_2, %get3A_3] : memref<1000x2xf32, #tpu.memory_space<vmem>>, vector<1000x1xf32>
    %add3A = arith.addf %get3A_1, %get3A_4 : vector<1000x1xf32>
    %max3A = arith.constant 1.000000e+00 : f32
    %max3A_5 = vector.broadcast %max3A : f32 to vector<1000x1xf32>
    %max3A_6 = arith.maximumf %add3A, %max3A_5 : vector<1000x1xf32>
    %rsqrt3A = math.rsqrt %max3A_6 : vector<1000x1xf32>
    %get3A_7 = arith.constant 0 : index
    %get3A_8 = arith.constant 0 : index
    %get3A_9 = arith.constant 0 : index
    %get3A_10 = vector.load %arg2[%get3A_7, %get3A_8, %get3A_9] : memref<2x1000x128xf32, #tpu.memory_space<vmem>>, vector<1x1000x128xf32>
    %get3A_11 = vector.shape_cast %get3A_10 : vector<1x1000x128xf32> to vector<1000x128xf32>
    %get3A_12 = arith.constant 1 : index
    %get3A_13 = arith.constant 0 : index
    %get3A_14 = arith.constant 0 : index
    %get3A_15 = vector.load %arg2[%get3A_12, %get3A_13, %get3A_14] : memref<2x1000x128xf32, #tpu.memory_space<vmem>>, vector<1x1000x128xf32>
    %get3A_16 = vector.shape_cast %get3A_15 : vector<1x1000x128xf32> to vector<1000x128xf32>
    %add3A_17 = arith.addf %get3A_11, %get3A_16 : vector<1000x128xf32>
    %mul3A = vector.broadcast %rsqrt3A : vector<1000x1xf32> to vector<1000x128xf32>
    %mul3A_18 = arith.mulf %add3A_17, %mul3A : vector<1000x128xf32>
    %get3A_19 = arith.constant 0 : index
    %get3A_20 = arith.constant 0 : index
    %get3A_21 = vector.load %arg3[%get3A_19, %get3A_20] : memref<1x128xf32, #tpu.memory_space<vmem>>, vector<1x128xf32>
    %add3A_22 = vector.broadcast %get3A_21 : vector<1x128xf32> to vector<1000x128xf32>
    %add3A_23 = arith.addf %mul3A_18, %add3A_22 : vector<1000x128xf32>
    %max3A_24 = arith.constant 0.000000e+00 : f32
    %max3A_25 = vector.broadcast %max3A_24 : f32 to vector<1000x128xf32>
    %max3A_26 = arith.maximumf %add3A_23, %max3A_25 : vector<1000x128xf32>
    %swap3A = arith.constant 0 : index
    %swap3A_27 = arith.constant 0 : index
    %swap3A_28 = vector.load %arg6[%swap3A, %swap3A_27] : memref<1000x128xf32, #tpu.memory_space<vmem>>, vector<1000x128xf32>
    tpu.vector_store %arg6[%swap3A, %swap3A_27], %max3A_26 {strides = array<i32>} : memref<1000x128xf32, #tpu.memory_space<vmem>>, vector<1000x128xf32>,
    %get3A_29 = arith.constant 0 : index
    %get3A_30 = arith.constant 0 : index
    %get3A_31 = vector.load %arg4[%get3A_29, %get3A_30] : memref<128x1xf32, #tpu.memory_space<vmem>>, vector<128x1xf32>
    %dot_general3A = arith.constant dense<0.000000e+00> : vector<1000x1xf32>
    %dot_general3A_32 = tpu.matmul %max3A_26, %get3A_31, %dot_general3A {dimension_numbers = #tpu.dot_dimension_numbers<[1], [0], [0], [1], [0, 0, 1, 1], [], []>, transpose_lhs_hint = false} : vector<1000x128xf32>, vector<128x1xf32>, vector<1000x1xf32> -> vector<1000x1xf32>
    %get3A_33 = arith.constant 0 : index
    %get3A_34 = arith.constant 0 : index
    %get3A_35 = vector.load %arg5[%get3A_33, %get3A_34] : memref<1x1xf32, #tpu.memory_space<vmem>>, vector<1x1xf32>
    %add3A_36 = vector.broadcast %get3A_35 : vector<1x1xf32> to vector<1000x1xf32>
    %add3A_37 = arith.addf %dot_general3A_32, %add3A_36 : vector<1000x1xf32>
    %logistic3A = arith.negf %add3A_37 : vector<1000x1xf32>
    %logistic3A_38 = math.exp %logistic3A : vector<1000x1xf32>
    %logistic3A_39 = arith.constant 1.000000e+00 : f32
    %logistic3A_40 = vector.broadcast %logistic3A_39 : f32 to vector<1000x1xf32>
    %logistic3A_41 = arith.addf %logistic3A_40, %logistic3A_38 : vector<1000x1xf32>
    %logistic3A_42 = arith.divf %logistic3A_40, %logistic3A_41 : vector<1000x1xf32>
    %mul3A_43 = vector.broadcast %logistic3A_42 : vector<1000x1xf32> to vector<1000x128xf32>
    %mul3A_44 = arith.mulf %mul3A_43, %max3A_26 : vector<1000x128xf32>
    %reduce_sum3A = arith.constant dense<0.000000e+00> : vector<128xf32>
    %reduce_sum3A_45 = vector.multi_reduction <add>, %mul3A_44, %reduce_sum3A [0] : vector<1000x128xf32> to vector<128xf32>
    %broadcast_in_dim3A = vector.shape_cast %reduce_sum3A_45 : vector<128xf32> to vector<1x128xf32>
    %eq3A = arith.constant 0 : i32
    %eq3A_46 = arith.cmpi eq, %arg0, %eq3A : i32
    %convert_element_type3A = arith.extui %eq3A_46 : i1 to i32
    %cond3A = arith.constant 0 : i32
    %cond3A_47 = arith.cmpi ne, %convert_element_type3A, %cond3A : i32
    scf.if %cond3A_47 {
      %broadcast_in_dim3A_55 = arith.constant 0.000000e+00 : f32
      %broadcast_in_dim3A_56 = vector.broadcast %broadcast_in_dim3A_55 : f32 to vector<1x128xf32>
      %swap3A_57 = arith.constant 0 : index
      %swap3A_58 = arith.constant 0 : index
      %swap3A_59 = vector.load %arg7[%swap3A_57, %swap3A_58] : memref<1x128xf32, #tpu.memory_space<vmem>>, vector<1x128xf32>
      tpu.vector_store %arg7[%swap3A_57, %swap3A_58], %broadcast_in_dim3A_56 {strides = array<i32>} : memref<1x128xf32, #tpu.memory_space<vmem>>, vector<1x128xf32>,
    } else {
    }
    %get3A_48 = arith.constant 0 : index
    %get3A_49 = arith.constant 0 : index
    %get3A_50 = vector.load %arg7[%get3A_48, %get3A_49] : memref<1x128xf32, #tpu.memory_space<vmem>>, vector<1x128xf32>
    %add3A_51 = arith.addf %get3A_50, %broadcast_in_dim3A : vector<1x128xf32>
    %swap3A_52 = arith.constant 0 : index
    %swap3A_53 = arith.constant 0 : index
    %swap3A_54 = vector.load %arg7[%swap3A_52, %swap3A_53] : memref<1x128xf32, #tpu.memory_space<vmem>>, vector<1x128xf32>
    tpu.vector_store %arg7[%swap3A_52, %swap3A_53], %add3A_51 {strides = array<i32>} : memref<1x128xf32, #tpu.memory_space<vmem>>, vector<1x128xf32>,
    return
  }
  func.func @transform_0(%arg0: i32) -> (i32, i32) {
    %c0_i32 = arith.constant 0 : i32
    %c0_i32_0 = arith.constant 0 : i32
    return %arg0, %c0_i32 : i32, i32
  }
  func.func @transform_1(%arg0: i32) -> (i32, i32, i32) {
    %c0_i32 = arith.constant 0 : i32
    %c0_i32_0 = arith.constant 0 : i32
    %c0_i32_1 = arith.constant 0 : i32
    return %c0_i32, %arg0, %c0_i32_0 : i32, i32, i32
  }
  func.func @transform_2(%arg0: i32) -> (i32, i32) {
    %c0_i32 = arith.constant 0 : i32
    %c0_i32_0 = arith.constant 0 : i32
    %c0_i32_1 = arith.constant 0 : i32
    return %c0_i32, %c0_i32_0 : i32, i32
  }
  func.func @transform_3(%arg0: i32) -> (i32, i32) {
    %c0_i32 = arith.constant 0 : i32
    %c0_i32_0 = arith.constant 0 : i32
    %c0_i32_1 = arith.constant 0 : i32
    return %c0_i32, %c0_i32_0 : i32, i32
  }
  func.func @transform_4(%arg0: i32) -> (i32, i32) {
    %c0_i32 = arith.constant 0 : i32
    %c0_i32_0 = arith.constant 0 : i32
    %c0_i32_1 = arith.constant 0 : i32
    return %c0_i32, %c0_i32_0 : i32, i32
  }
  func.func @transform_5(%arg0: i32) -> (i32, i32) {
    %c0_i32 = arith.constant 0 : i32
    %c0_i32_0 = arith.constant 0 : i32
    return %arg0, %c0_i32 : i32, i32
  }
  func.func @transform_6(%arg0: i32) -> (i32, i32) {
    %c0_i32 = arith.constant 0 : i32
    %c0_i32_0 = arith.constant 0 : i32
    %c0_i32_1 = arith.constant 0 : i32
    return %c0_i32, %c0_i32_0 : i32, i32
  }
}

</mosaic_0001>

<sc_bundles>
// kernel: kernel.11.cloned.1.call-start
scs
__scs_entry_jumppad:
0x0: {  	(pc) =	sbr.rel $0x88, $3  }
0x1: {  	(tag) =	ssettag $0x0;
	lr =	simm.s32 $0x1  }
0x2: {  	[smem:$0x3F99] =	sst lr;
	_ =	strace $0xD0000000  }
0x3: {  	_ = 	snop  }
0x4: {  	_ = 	snop  }
0x5: {  	_ = 	snop  }
0x6: {  	_ = 	snop  }
0x7: {  	_ = 	snop  }
__scs_overlays_trampoline_lowered:
0x8: {  	[smem:$0x3FA8] =	sst s0  }
0x9: {  	[smem:$0x3FA9] =	sst s1  }
0xa: {  	[smem:$0x3FAA] =	sst s2  }
0xb: {  	[smem:$0x3FAB] =	sst s3  }
0xc: {  	[smem:$0x3FAC] =	sst s4  }
0xd: {  	[smem:$0x3FAD] =	sst s5  }
0xe: {  	[smem:$0x3FAE] =	sst s6  }
0xf: {  	[smem:$0x3FAF] =	sst s7  }
0x10: {  	[smem:$0x3FB0] =	sst s8  }
0x11: {  	[smem:$0x3FB1] =	sst s9;
	s0 =	simm.s32 @!p0 $0x0  }
0x12: {  	s1 =	sld [smem:$0x3F97];
	s0 =	simm.s32 @p0 $0x1  }
0x13: {  	[smem:$0x3FB2] =	sst s0;
	s0 =	simm.s32 @!p1 $0x0  }
0x14: {  	s2 =	sld [smem:$0x3F96];
	s0 =	simm.s32 @p1 $0x1  }
0x15: {  	[smem:$0x3FB3] =	sst s0;
	s0 =	simm.s32 @!p2 $0x0  }
0x16: {  	s3 =	sld [smem:$0x3FDB];
	s0 =	simm.s32 @p2 $0x1  }
0x17: {  	s4 =	simm.s32 $0x1BF5;
	[smem:$0x3FB5] =	sst s0  }
0x18: {  	s0 =	sld [smem:$0x3F98];
	_ =	swait.ge [sflag:s4], $0x0  }
0x19: {  	s7 =	sld [smem:$0x3F99]  }
0x1a: {  	s8 =	sadd.s32 $0xFFFFE003, lr  }
0x1b: {  	s9 =	sadd.s32 $0xFFFFFEF7, lr;
	s5 =	simm.s32 $0xFFFFFFFF;
	p2 =	slt.u32 s8, $0xFFFFF086  }
0x1c: {  	p1 =	slt.u32 s9, $0xF7A;
	s5 =	simm.s32 @!p2 $0x0  }
0x1d: {  	s5 =	simm.s32 @p1 $0x1;
	p0 =	seq.s32 s7, s2  }
0x1e: {  	s7 =	smul.u32 @!p0 $0xF7A, s2;
	p2 =	seq.s32 @!p0 s5, $0x0  }
0x1f: {  	s9 =	smul.u32 $0xF7A, s1;
	s8 =	simm.s32 @!p0 $0x1BF5;
	p2 =	por !p2, p0  }
0x20: {  	[sflag:s8] =	ssyncset.s32 @!p0 $0xFFFFF086;
	s6 =	sadd.s32 @!p0 s3, s7;
	s7 =	simm.s32 @!p0 $0x108  }
0x21: {  	s3 =	sadd.s32 s3, s9;
	s6 =	sadd.s32 @!p0 $0x88, s6;
	s7 =	simm.s32 @p2 $0x1082  }
0x22: {  	[simem:s7], [sflag:s8] =	dma.local @!p0 [hbm:s6], $0xF7A  }
0x23: {  	s9 =	sor.u32 $0xD0000000, s2;
	s6 =	simm.s32 $0x108;
	_ =	swait.ge @!p0 [sflag:s8], $0x0  }
0x24: {  	s3 =	sadd.s32 $0x88, s3;
	s6 =	simm.s32 @!p1 $0x1082;
	[sflag:s4] =	ssyncset.s32 $0xFFFFF086  }
0x25: {  	[simem:s6], [sflag:s4] =	dma.local [hbm:s3], $0xF7A  }
0x26: {  	[smem:$0x3F99] =	sst s1;
	(tag) =	ssettag s2;
	_ =	strace s9  }
0x27: {  	s1 =	sld [smem:$0x3FA9]  }
0x28: {  	s2 =	sld [smem:$0x3FAA]  }
0x29: {  	s4 =	sld [smem:$0x3FAC]  }
0x2a: {  	p0 =	seq.s32 s5, $0x0;
	s5 =	sld [smem:$0x3FAD]  }
0x2b: {  	s6 =	sld [smem:$0x3FAE]  }
0x2c: {  	s7 =	sld [smem:$0x3FAF]  }
0x2d: {  	s3 =	simm.s32 $0x108;
	s8 =	sld [smem:$0x3FB0]  }
0x2e: {  	s3 =	simm.s32 @!p0 $0x1082;
	s9 =	sld [smem:$0x3FB1]  }
0x2f: {  	lr =	sadd.s32 s0, s3;
	s0 =	sld [smem:$0x3FA8]  }
0x30: {  	s3 =	sld [smem:$0x3FAB]  }
0x31: {  	[smem:$0x3FB4] =	sst s10  }
0x32: {  	s10 =	sld [smem:$0x3FB2];
	_ =	sdelay $0x3  }
0x33: {  	p0 =	seq.s32 s10, $0x1;
	s10 =	sld [smem:$0x3FB4];
	_ =	sdelay $0x3  }
0x34: {  	[smem:$0x3FB4] =	sst s10  }
0x35: {  	s10 =	sld [smem:$0x3FB3];
	_ =	sdelay $0x3  }
0x36: {  	p1 =	seq.s32 s10, $0x1;
	s10 =	sld [smem:$0x3FB4];
	_ =	sdelay $0x3  }
0x37: {  	[smem:$0x3FB4] =	sst s10  }
0x38: {  	s10 =	sld [smem:$0x3FB5]  }
0x39: {  	_ = 	snop;
	(pc) =	sbr.ind lr, $3  }
0x3a: {  	_ = 	snop  }
0x3b: {  	_ = 	snop  }
0x3c: {  	p2 =	seq.s32 s10, $0x1;
	s10 =	sld [smem:$0x3FB4]  }
0x3d: {  	_ =	shalt  }
0x3e: {  	_ =	shalt  }
0x3f: {  	_ =	shalt  }
0x40: {  	_ =	shalt  }
0x41: {  	_ =	shalt  }
0x42: {  	_ =	shalt  }
0x43: {  	_ =	shalt  }
0x44: {  	_ =	shalt  }
0x45: {  	_ =	shalt  }
0x46: {  	_ =	shalt  }
0x47: {  	_ =	shalt  }
0x48: {  	_ =	shalt  }
0x49: {  	_ =	shalt  }
0x4a: {  	_ =	shalt  }
0x4b: {  	_ =	shalt  }
0x4c: {  	_ =	shalt  }
0x4d: {  	_ =	shalt  }
0x4e: {  	_ =	shalt  }
0x4f: {  	_ =	shalt  }
0x50: {  	_ =	shalt  }
0x51: {  	_ =	shalt  }
0x52: {  	_ =	shalt  }
0x53: {  	_ =	shalt  }
0x54: {  	_ =	shalt  }
0x55: {  	_ =	shalt  }
0x56: {  	_ =	shalt  }
0x57: {  	_ =	shalt  }
0x58: {  	_ =	shalt  }
0x59: {  	_ =	shalt  }
0x5a: {  	_ =	shalt  }
0x5b: {  	_ =	shalt  }
0x5c: {  	_ =	shalt  }
0x5d: {  	_ =	shalt  }
0x5e: {  	_ =	shalt  }
0x5f: {  	_ =	shalt  }
0x60: {  	_ =	shalt  }
0x61: {  	_ =	shalt  }
0x62: {  	_ =	shalt  }
0x63: {  	_ =	shalt  }
0x64: {  	_ =	shalt  }
0x65: {  	_ =	shalt  }
0x66: {  	_ =	shalt  }
0x67: {  	_ =	shalt  }
0x68: {  	_ =	shalt  }
0x69: {  	_ =	shalt  }
0x6a: {  	_ =	shalt  }
0x6b: {  	_ =	shalt  }
0x6c: {  	_ =	shalt  }
0x6d: {  	_ =	shalt  }
0x6e: {  	_ =	shalt  }
0x6f: {  	_ =	shalt  }
0x70: {  	_ =	shalt  }
0x71: {  	_ =	shalt  }
0x72: {  	_ =	shalt  }
0x73: {  	_ =	shalt  }
0x74: {  	_ =	shalt  }
0x75: {  	_ =	shalt  }
0x76: {  	_ =	shalt  }
0x77: {  	_ =	shalt  }
0x78: {  	_ =	shalt  }
0x79: {  	_ =	shalt  }
0x7a: {  	_ =	shalt  }
0x7b: {  	_ =	shalt  }
0x7c: {  	_ =	shalt  }
0x7d: {  	_ =	shalt  }
0x7e: {  	_ =	shalt  }
0x7f: {  	_ =	shalt  }
0x80: {  	_ =	shalt  }
0x81: {  	_ =	shalt  }
0x82: {  	_ =	shalt  }
0x83: {  	_ =	shalt  }
0x84: {  	_ =	shalt  }
0x85: {  	_ =	shalt  }
0x86: {  	_ =	shalt  }
0x87: {  	_ =	shalt  }
.Lfunc_end0:
.L_simem_size_0:
called_computation.1_lowered:
.L_overlay_start_0:
0x88: {  	s2 =	sld [smem:$0x3FD9]  }
0x89: {  	s3 =	sld [smem:$0x3FFE];
	_ =	sdelay $0x1  }
0x8a: {  	s1 =	srdreg.scid  }
0x8b: {  	s0 =	sand.u32 $0x1, s1  }
0x8c: {  	s14 =	sshll.u32 s0, $0xA;
	s2 =	sadd.s32 s3, s2  }
0x8d: {  	s2 =	sadd.s32 s2, s14  }
0x8e: {  	[smem:$0x3FC0] =	sst s2  }
0x8f: {  	_ = 	snop  }
0x90: {  	s2 =	sld [smem:$0x3FD0];
	_ =	sdelay $0x2  }
0x91: {  	s15 =	simm.s32 $0xA;
	s4 =	simm.s32 $0x10  }
0x92: {  	[smem:s4], [sflag:s15] =	dma.local [hbm:s2], $0x1  }
0x93: {  	_ =	swait.eq [sflag:s15], $0x1  }
0x94: {  	[sflag:s15] =	ssyncset.done $0x0  }
0x95: {  	[sflag:s15] =	ssyncadd.s32 $0xFFFFFFFF  }
0x96: {  	s16 =	sld [smem:$0x11];
	(tm) =	ssettm $0x1  }
0x97: {  	s17 =	sld [smem:$0x3FFB];
	_ =	sdelay $0x3  }
0x98: {  	_ =	strace s17  }
0x99: {  	s3 =	sld [smem:$0x3FFC];
	_ =	sdelay $0x3  }
0x9a: {  	_ =	strace s3  }
0x9b: {  	s3 =	sld [smem:$0x3FFD];
	_ =	sdelay $0x3  }
0x9c: {  	_ =	strace s3  }
0x9d: {  	_ =	strace $0x8FFFFFFF  }
0x9e: {  	s18 =	sld [smem:$0x3FDB];
	_ =	sdelay $0x1  }
0x9f: {  	s19 =	simm.s32 $_scs_section_size  }
0xa0: {  	s5 =	simm.s32 $_size__tile_overlayer_lowered;
	s6 =	simm.s32 $_tile_overlayer_lowered  }
0xa1: {  	s22 =	simm.s32 $0x1BFF;
	s21 =	sshll.u32 s6, $0x1;
	s3 =	sadd.s32 s19, s18  }
0xa2: {  	s7 =	simm.s32 $0x0;
	s20 =	sshll.u32 s5, $0x1;
	s5 =	sadd.s32 s21, s3  }
0xa3: {  	[timem:s7], [sflag:s22] =	dma.local [hbm:s5], s20  }
0xa4: {  	_ =	swait.ge [sflag:s22], s20  }
0xa5: {  	s4 =	ssub.s32 $0x0, s20;
	[sflag:s22] =	ssyncset.done $0x0  }
0xa6: {  	[sflag:s22] =	ssyncadd.s32 s4;
	_ =	sdelay $0x1  }
0xa7: {  	s23 =	simm.s32 $0x1B8B  }
0xa8: {  	_ =	swait.ge [sflag:s23], $0x1  }
0xa9: {  	[sflag:s23] =	ssyncset.done $0x0  }
0xaa: {  	s25 =	simm.s32 $0x1B8E;
	s24 =	sld [smem:$0x3FFE];
	[sflag:s23] =	ssyncadd.s32 $0xFFFFFFFF  }
0xab: {  	s26 =	simm.s32 $execute0_lowered;
	[smem:$0x3FD2] =	sst s25  }
0xac: {  	s5 =	sshll.u32 s26, $0x1;
	_ =	strace $0x80000049;
	[dreg:$0x1] =	wrdreg $0xFFFFFFFF  }
0xad: {  	s28 =	simm.s32 $_size_execute0_lowered;
	s3 =	sadd.s32 s3, s5;
	[dreg:$0x0] =	wrdreg $0x0  }
0xae: {  	s5 =	sshll.u32 s28, $0x1;
	[dreg:$0x2] =	wrdreg s3  }
0xaf: {  	[dreg:$0x3] =	wrdreg s5  }
0xb0: {  	[dreg:$0x4] =	wrdreg $0xC0  }
0xb1: {  	_ =	task [dreg:s7], $0x5FFFF  }
0xb2: {  	[dreg:$0x1] =	wrdreg $0xFFFFFFFF  }
0xb3: {  	[dreg:$0x0] =	wrdreg $0x60  }
0xb4: {  	[dreg:$0x2] =	wrdreg s16  }
0xb5: {  	[dreg:$0x3] =	wrdreg s24  }
0xb6: {  	[dreg:$0x4] =	wrdreg $0xC1000  }
0xb7: {  	[dreg:$0x5] =	wrdreg $0x9  }
0xb8: {  	_ =	task.clear_ibuf [dreg:s7], $0x6FFFF;
	_ =	strace $0x90000049  }
0xb9: {  	s29 =	simm.s32 $0x9;
	_ =	strace $0x8000004B  }
0xba: {  	_ =	swait.ge [sflag:s29], $0x1  }
0xbb: {  	[sflag:s29] =	ssyncadd.s32 $0xFFFFFFFF  }
0xbc: {  	_ =	strace $0x9000004B  }
0xbd: {  	_ =	sfence  }
0xbe: {  	s30 =	sld [smem:$0x0];
	_ =	sdelay $0x2  }
0xbf: {  	s31 =	sshll.u32 s1, $0xD;
	s1 =	sshrl.u32 s1, $0x2  }
0xc0: {  	s3 =	sand.u32 $0x4000, s31;
	s1 =	sadd.s32 s1, s30  }
0xc1: {  	s0 =	sor.u32 s3, s0;
	s1 =	sshll.u32 s1, $0x11  }
0xc2: {  	s0 =	sor.u32 s1, s0  }
0xc3: {  	s0 =	sadd.s32 $0x8F2B, s0  }
0xc4: {  	[sflag:s0] =	ssyncadd.remote.s32 $0x1  }
0xc5: {  	_ =	sfence.sel $0xFFFF  }
0xc6: {  	[dreg:$0x0] =	wrdreg $0xFFFFFFFF;
	(pc) =	sbr.abs _section_cstart, $3  }
0xc7: {  	[dreg:$0x1] =	wrdreg $0xFFFFFFFF  }
0xc8: {  	_ =	task.clear_ibuf [dreg:s7], $0x2FFFF;
	_ =	strace $0x9FFFFFFF  }
0xc9: {  	(tm) =	ssettm $0x7FFFFFFF  }
tec
execute0_lowered:
.L_overlay_start_1:
0x0: {  	(tag) =	ssettag $0x1  }
0x1: {  	s1 =	rddreg [dreg:$0x0]  }
0x2: {  	s0 =	srdreg.scid;
	s2 =	rddreg [dreg:$0x1]  }
0x3: {  	s12 =	stileid.u32;
	s3 =	rddreg [dreg:$0x2]  }
0x4: {  	s28 =	simm.s32 $0xA900;
	s29 =	simm.s32 $0x2;
	s30 =	simm.s32 $0x1  }
0x5: {  	s31 =	simm.s32 $0x2800;
	s0 =	sand.u32 $0x1, s0;
	s6 =	smul.u32 $0x4E000, s12  }
0x6: {  	s4 =	sshll.u32 s12, $0x1;
	s8 =	sadd.s32 $0x2000, s2;
	s18 =	smul.u32 $0x13800, s12  }
0x7: {  	s20 =	smul.u32 $0x5000, s12;
	p0 =	sne.s32 s12, $0xF;
	s12 =	simm.s32 $0x7  }
0x8: {  	s5 =	sor.u32 s0, s4;
	s4 =	simm.s32 $0x0;
	s15 =	smul.u32 $0x138800, s0  }
0x9: {  	s9 =	ssub.s32 $0x2, s0;
	s0 =	smul.u32 $0x2800, s0;
	s6 =	sshrl.u32 s6, $0x2  }
0xa: {  	s5 =	smul.u32 $0x2800, s5;
	[smem:$0x7FF] =	sst s4;
	s6 =	sadd.s32 s6, s3  }
0xb: {  	s10 =	sshrl.u32 s9, $0x1;
	_ =	strace $0x8000004A;
	s13 =	sadd.s32 $0x1800, s6  }
0xc: {  	s9 =	ssub.s32 s9, s10;
	s14 =	sadd.s32 $0x3000, s6;
	[dreg:$0x5] =	wrdreg s13  }
0xd: {  	s10 =	sadd.s32 s18, s15;
	s16 =	sadd.s32 $0x4800, s6;
	[dreg:$0x6] =	wrdreg s14  }
0xe: {  	s0 =	sadd.s32 s0, s20;
	s17 =	sadd.s32 $0x6000, s6;
	[dreg:$0x7] =	wrdreg s16  }
0xf: {  	s5 =	sshrl.u32 s5, $0x3;
	s11 =	sadd.s32 $0x7800, s6;
	[dreg:$0x8] =	wrdreg s17  }
0x10: {  	s19 =	sadd.s32 $0x9000, s6;
	s21 =	sadd.s32 $0xC000, s6;
	[dreg:$0x9] =	wrdreg s11  }
0x11: {  	s22 =	sadd.s32 $0xD800, s6;
	s23 =	sadd.s32 $0xF000, s6;
	[dreg:$0xa] =	wrdreg s19  }
0x12: {  	s24 =	sadd.s32 $0x10800, s6;
	s10 =	sshrl.u32 s10, $0x3;
	[dreg:$0xc] =	wrdreg s21  }
0x13: {  	s18 =	sadd.s32 $0x12000, s6;
	s25 =	sor.u32 $0x100, s0;
	[dreg:$0xd] =	wrdreg s22  }
0x14: {  	s0 =	sor.u32 $0x180, s0;
	s7 =	sadd.s32 s5, s2;
	[dreg:$0xe] =	wrdreg s23  }
0x15: {  	s2 =	sadd.s32 $0x16000, s2;
	s13 =	sadd.s32 $0xA800, s6;
	[dreg:$0xf] =	wrdreg s24  }
0x16: {  	s20 =	sadd.s32 s8, s5;
	s26 =	sshrl.u32 s25, $0x3;
	s0 =	sshrl.u32 s0, $0x3  }
0x17: {  	s23 =	sadd.s32 $0x138000, s3;
	s25 =	smax.u32 s9, $0x1;
	s5 =	simm.s32 $0x2900  }
0x18: {  	s9 =	simm.s32 $0x4;
	s11 =	simm.s32 $0x6;
	s7 =	sadd.s32 $0xC000, s7  }
0x19: {  	[dreg:$0xb] =	wrdreg s13;
	s19 =	sadd.s32 s2, s10;
	s21 =	sadd.s32 s26, s8  }
0x1a: {  	s22 =	sadd.s32 s0, s8;
	s26 =	sadd.s32 $0x10, s20;
	s0 =	simm.s32 $0x80  }
0x1b: {  	s8 =	simm.s32 $0x3;
	[dreg:$0x4] =	wrdreg s7;
	s7 =	sshrl.u32 s15, $0x3  }
0x1c: {  	s10 =	simm.s32 $0x5;
	s13 =	simm.s32 $0x0;
	s2 =	sadd.s32 s2, s7  }
0x1d: {  	v0 =	vimm.f32 $0.0e+00;
	s7 =	simm.s32 $0x6900;
	s24 =	sadd.s32 $0x27000, s2;
	s2 =	simm.s32 $0x2880  }
.LBB2_1:
0x1e: {  	s14 =	rddreg [dreg:$0x4]  }
0x1f: {  	[tilespmem:s4], [sflag:$0x1] =	stream.linear.gather [hbm4b:s14+s4], $0x2800, $0x38;
	[tilespmem:$0x1F9C0] =	vst v63  }
0x20: {  	s15 =	simm.s32 $0x3C0;
	s14 =	simm.s32 $0x70  }
.LBB2_2:
0x21: {  	p1 =	sne.s32 s15, $0x5FC0;
	[tilespmem:s14+$0xA900] =	vst v0  }
0x22: {  	[tilespmem:s14+$0xA890] =	vst v0  }
0x23: {  	[tilespmem:s14+$0xA8A0] =	vst v0  }
.Ltmp0:
0x24: {  	[tilespmem:s14+$0xA8B0] =	vst v0;
	(pc) =	sbr.rel @p1 .LBB2_2-.Ltmp0, $4  }
0x25: {  	[tilespmem:s14+$0xA8C0] =	vst v0  }
0x26: {  	[tilespmem:s14+$0xA8D0] =	vst v0  }
0x27: {  	[tilespmem:s14+$0xA8E0] =	vst v0  }
0x28: {  	[tilespmem:s14+$0xA8F0] =	vst v0;
	s14 =	sshra.s32 s15, $0x2;
	s15 =	sadd.s32 $0x200, s15  }
0x29: {  	[tilespmem:s14+$0xA900] =	vst v0  }
0x2a: {  	[tilespmem:s14+$0xA890] =	vst v0  }
0x2b: {  	[tilespmem:s14+$0xA8A0] =	vst v0  }
0x2c: {  	[tilespmem:s14+$0xA8B0] =	vst v0  }
0x2d: {  	[tilespmem:s14+$0xA8C0] =	vst v0  }
0x2e: {  	[tilespmem:s14+$0xA8D0] =	vst v0  }
0x2f: {  	[tilespmem:s14+$0xA8E0] =	vst v0  }
0x30: {  	[tilespmem:s14+$0xA8F0] =	vst v0  }
0x31: {  	[spmem:s6] =	stream.linear.scatter [tilespmem:s28], [sflag:$0x2], $0x1800, $0x38;
	[tilespmem:$0x1F9C0] =	vst v63  }
0x32: {  	s17 =	rddreg [dreg:$0x5]  }
0x33: {  	[spmem:s17] =	stream.linear.scatter [tilespmem:s28], [sflag:$0x2], $0x1800, $0x38;
	[tilespmem:$0x1F9C0] =	vst v63  }
0x34: {  	s15 =	rddreg [dreg:$0x6]  }
0x35: {  	[spmem:s15] =	stream.linear.scatter [tilespmem:s28], [sflag:$0x2], $0x1800, $0x38;
	[tilespmem:$0x1F9C0] =	vst v63  }
0x36: {  	s16 =	rddreg [dreg:$0x7]  }
0x37: {  	[spmem:s16] =	stream.linear.scatter [tilespmem:s28], [sflag:$0x2], $0x1800, $0x38;
	[tilespmem:$0x1F9C0] =	vst v63  }
0x38: {  	s17 =	rddreg [dreg:$0x8]  }
0x39: {  	[spmem:s17] =	stream.linear.scatter [tilespmem:s28], [sflag:$0x2], $0x1800, $0x38;
	[tilespmem:$0x1F9C0] =	vst v63  }
0x3a: {  	s15 =	rddreg [dreg:$0x9]  }
0x3b: {  	[spmem:s15] =	stream.linear.scatter [tilespmem:s28], [sflag:$0x2], $0x1800, $0x38;
	[tilespmem:$0x1F9C0] =	vst v63  }
0x3c: {  	s16 =	rddreg [dreg:$0xa]  }
0x3d: {  	[spmem:s16] =	stream.linear.scatter [tilespmem:s28], [sflag:$0x2], $0x1800, $0x38;
	[tilespmem:$0x1F9C0] =	vst v63  }
0x3e: {  	s17 =	rddreg [dreg:$0xb]  }
0x3f: {  	[spmem:s17] =	stream.linear.scatter [tilespmem:s28], [sflag:$0x2], $0x1800, $0x38;
	[tilespmem:$0x1F9C0] =	vst v63  }
0x40: {  	s15 =	rddreg [dreg:$0xc]  }
0x41: {  	[spmem:s15] =	stream.linear.scatter [tilespmem:s28], [sflag:$0x2], $0x1800, $0x38;
	[tilespmem:$0x1F9C0] =	vst v63  }
0x42: {  	s16 =	rddreg [dreg:$0xd]  }
0x43: {  	[spmem:s16] =	stream.linear.scatter [tilespmem:s28], [sflag:$0x2], $0x1800, $0x38;
	[tilespmem:$0x1F9C0] =	vst v63  }
0x44: {  	s17 =	rddreg [dreg:$0xe]  }
0x45: {  	[spmem:s17] =	stream.linear.scatter [tilespmem:s28], [sflag:$0x2], $0x1800, $0x38;
	[tilespmem:$0x1F9C0] =	vst v63  }
0x46: {  	s15 =	rddreg [dreg:$0xf]  }
0x47: {  	[spmem:s15] =	stream.linear.scatter [tilespmem:s28], [sflag:$0x2], $0x1800, $0x38;
	[tilespmem:$0x1F9C0] =	vst v63  }
0x48: {  	_ = 	snop  }
0x49: {  	[spmem:s18] =	stream.linear.scatter [tilespmem:s28], [sflag:$0x2], $0x1800, $0x38;
	[tilespmem:$0x1F9C0] =	vst v63  }
0x4a: {  	s14 =	simm.s32 @!p0 $0xA900  }
0x4b: {  	[spmem:s23] =	stream.linear.scatter @!p0 [tilespmem:s14], [sflag:$0x7], $0x800, $0x38;
	[tilespmem:$0x1F9C0] =	vst v63  }
0x4c: {  	s14 =	simm.s32 @!p0 $0x7  }
0x4d: {  	_ =	swait.ge @!p0 [sflag:s14], $0x800  }
0x4e: {  	[sflag:s14] =	ssyncset.done @!p0 $0x0  }
0x4f: {  	[sflag:s14] =	ssyncadd.s32 @!p0 $0xFFFFF800  }
0x50: {  	_ =	swait.ge [sflag:s29], $0x1800  }
0x51: {  	[sflag:s29] =	ssyncset.done $0x0  }
0x52: {  	[sflag:s29] =	ssyncadd.s32 $0xFFFFE800  }
0x53: {  	_ =	swait.ge [sflag:s29], $0x1800  }
0x54: {  	[sflag:s29] =	ssyncset.done $0x0  }
0x55: {  	[sflag:s29] =	ssyncadd.s32 $0xFFFFE800  }
0x56: {  	_ =	swait.ge [sflag:s29], $0x1800  }
0x57: {  	[sflag:s29] =	ssyncset.done $0x0  }
0x58: {  	[sflag:s29] =	ssyncadd.s32 $0xFFFFE800  }
0x59: {  	_ =	swait.ge [sflag:s29], $0x1800  }
0x5a: {  	[sflag:s29] =	ssyncset.done $0x0  }
0x5b: {  	[sflag:s29] =	ssyncadd.s32 $0xFFFFE800  }
0x5c: {  	_ =	swait.ge [sflag:s29], $0x1800  }
0x5d: {  	[sflag:s29] =	ssyncset.done $0x0  }
0x5e: {  	[sflag:s29] =	ssyncadd.s32 $0xFFFFE800  }
0x5f: {  	_ =	swait.ge [sflag:s29], $0x1800  }
0x60: {  	[sflag:s29] =	ssyncset.done $0x0  }
0x61: {  	[sflag:s29] =	ssyncadd.s32 $0xFFFFE800  }
0x62: {  	_ =	swait.ge [sflag:s29], $0x1800  }
0x63: {  	[sflag:s29] =	ssyncset.done $0x0  }
0x64: {  	[sflag:s29] =	ssyncadd.s32 $0xFFFFE800  }
0x65: {  	_ =	swait.ge [sflag:s29], $0x1800  }
0x66: {  	[sflag:s29] =	ssyncset.done $0x0  }
0x67: {  	[sflag:s29] =	ssyncadd.s32 $0xFFFFE800  }
0x68: {  	_ =	swait.ge [sflag:s29], $0x1800  }
0x69: {  	[sflag:s29] =	ssyncset.done $0x0  }
0x6a: {  	[sflag:s29] =	ssyncadd.s32 $0xFFFFE800  }
0x6b: {  	_ =	swait.ge [sflag:s29], $0x1800  }
0x6c: {  	[sflag:s29] =	ssyncset.done $0x0  }
0x6d: {  	[sflag:s29] =	ssyncadd.s32 $0xFFFFE800  }
0x6e: {  	_ =	swait.ge [sflag:s29], $0x1800  }
0x6f: {  	[sflag:s29] =	ssyncset.done $0x0  }
0x70: {  	[sflag:s29] =	ssyncadd.s32 $0xFFFFE800  }
0x71: {  	_ =	swait.ge [sflag:s29], $0x1800  }
0x72: {  	[sflag:s29] =	ssyncset.done $0x0  }
0x73: {  	[sflag:s29] =	ssyncadd.s32 $0xFFFFE800  }
0x74: {  	_ =	swait.ge [sflag:s29], $0x1800  }
0x75: {  	[sflag:s29] =	ssyncset.done $0x0  }
0x76: {  	[sflag:s29] =	ssyncadd.s32 $0xFFFFE800  }
0x77: {  	_ =	swait.ge [sflag:s30], $0x2800  }
0x78: {  	[sflag:s30] =	ssyncset.done $0x0  }
0x79: {  	[sflag:s30] =	ssyncadd.s32 $0xFFFFD800  }
0x7a: {  	s16 =	simm.s32 $0x0;
	[bflag:$0x0] =	sbarrier.arrive $0xFFFF  }
0x7b: {  	[tilespmem:s31], [sflag:$0x3] =	stream.linear.gather [hbm4b:s20+s16], $0x80, $0x38;
	[tilespmem:$0x1F9C0] =	vst v63  }
0x7c: {  	_ = 	snop  }
0x7d: {  	[tilespmem:s2], [sflag:$0x4] =	stream.linear.gather [hbm4b:s26+s16], $0x80, $0x38;
	[tilespmem:$0x1F9C0] =	vst v63  }
0x7e: {  	_ = 	snop  }
0x7f: {  	[tilespmem:s5], [sflag:$0x1] =	stream.indirect.gather [hbm4b:s1+s0], $0x80, s16, s0, $0xb8;
	[tilespmem:$0x1F9C0] =	vst v63  }
0x80: {  	_ = 	snop  }
0x81: {  	[tilespmem:s7], [sflag:$0x2] =	stream.indirect.gather [hbm4b:s1+s0], $0x80, s0, s0, $0xb8;
	[tilespmem:$0x1F9C0] =	vst v63  }
0x82: {  	_ =	swait.ge [sflag:s8], $0x80  }
0x83: {  	[sflag:s8] =	ssyncset.done $0x0  }
0x84: {  	[sflag:s8] =	ssyncadd.s32 $0xFFFFFF80  }
0x85: {  	_ =	swait.ge [sflag:s30], $0x4000  }
0x86: {  	[sflag:s30] =	ssyncset.done $0x0  }
0x87: {  	[sflag:s30] =	ssyncadd.s32 $0xFFFFC000  }
0x88: {  	[spmem:s3] =	stream.indirect.scatter.add.f32 [tilespmem:s5], [sflag:$0x5], $0x80, s31, s0, $0xb8;
	[tilespmem:$0x1F9C0] =	vst v63  }
0x89: {  	_ =	swait.ge [sflag:s9], $0x80  }
0x8a: {  	[sflag:s9] =	ssyncset.done $0x0  }
0x8b: {  	[sflag:s9] =	ssyncadd.s32 $0xFFFFFF80  }
0x8c: {  	_ =	swait.ge [sflag:s29], $0x4000  }
0x8d: {  	[sflag:s29] =	ssyncset.done $0x0  }
0x8e: {  	[sflag:s29] =	ssyncadd.s32 $0xFFFFC000  }
0x8f: {  	[spmem:s3] =	stream.indirect.scatter.add.f32 [tilespmem:s7], [sflag:$0x6], $0x80, s2, s0, $0xb8;
	[tilespmem:$0x1F9C0] =	vst v63  }
0x90: {  	_ =	swait.ge [sflag:s10], $0x4000  }
0x91: {  	[sflag:s10] =	ssyncset.done $0x0  }
0x92: {  	[sflag:s10] =	ssyncadd.s32 $0xFFFFC000  }
0x93: {  	_ =	swait.ge [sflag:s11], $0x4000  }
0x94: {  	[sflag:s11] =	ssyncset.done $0x0  }
0x95: {  	s17 =	sadd.s32 $0x0, s21;
	[sflag:s11] =	ssyncadd.s32 $0xFFFFC000  }
0x96: {  	[tilespmem:s31], [sflag:$0x3] =	stream.linear.gather [hbm4b:s17+s4], $0x80, $0x38;
	[tilespmem:$0x1F9C0] =	vst v63  }
0x97: {  	s15 =	sadd.s32 $0x0, s22  }
0x98: {  	[tilespmem:s2], [sflag:$0x4] =	stream.linear.gather [hbm4b:s15+s4], $0x80, $0x38;
	[tilespmem:$0x1F9C0] =	vst v63  }
0x99: {  	s16 =	simm.s32 $0x100  }
0x9a: {  	[tilespmem:s5], [sflag:$0x1] =	stream.indirect.gather [hbm4b:s1+s0], $0x80, s16, s0, $0xb8;
	[tilespmem:$0x1F9C0] =	vst v63  }
0x9b: {  	s17 =	simm.s32 $0x180  }
0x9c: {  	[tilespmem:s7], [sflag:$0x2] =	stream.indirect.gather [hbm4b:s1+s0], $0x80, s17, s0, $0xb8;
	[tilespmem:$0x1F9C0] =	vst v63  }
0x9d: {  	_ =	swait.ge [sflag:s8], $0x80  }
0x9e: {  	[sflag:s8] =	ssyncset.done $0x0  }
0x9f: {  	[sflag:s8] =	ssyncadd.s32 $0xFFFFFF80  }
0xa0: {  	_ =	swait.ge [sflag:s30], $0x4000  }
0xa1: {  	[sflag:s30] =	ssyncset.done $0x0  }
0xa2: {  	[sflag:s30] =	ssyncadd.s32 $0xFFFFC000  }
0xa3: {  	[spmem:s3] =	stream.indirect.scatter.add.f32 [tilespmem:s5], [sflag:$0x5], $0x80, s31, s0, $0xb8;
	[tilespmem:$0x1F9C0] =	vst v63  }
0xa4: {  	_ =	swait.ge [sflag:s9], $0x80  }
0xa5: {  	[sflag:s9] =	ssyncset.done $0x0  }
0xa6: {  	[sflag:s9] =	ssyncadd.s32 $0xFFFFFF80  }
0xa7: {  	_ =	swait.ge [sflag:s29], $0x4000  }
0xa8: {  	[sflag:s29] =	ssyncset.done $0x0  }
0xa9: {  	s14 =	simm.s32 $0x20;
	s15 =	simm.s32 $0x200;
	[sflag:s29] =	ssyncadd.s32 $0xFFFFC000  }
.LBB2_4:
0xaa: {  	[spmem:s3] =	stream.indirect.scatter.add.f32 [tilespmem:s7], [sflag:$0x6], $0x80, s2, s0, $0xb8;
	[tilespmem:$0x1F9C0] =	vst v63  }
0xab: {  	s16 =	smov.u32 s14  }
0xac: {  	p1 =	sne.s32 s14, $0x4C0;
	s14 =	sadd.s32 $0x20, s14;
	_ =	swait.ge [sflag:s10], $0x4000  }
0xad: {  	[sflag:s10] =	ssyncset.done $0x0  }
0xae: {  	[sflag:s10] =	ssyncadd.s32 $0xFFFFC000  }
0xaf: {  	_ =	swait.ge [sflag:s11], $0x4000  }
0xb0: {  	[sflag:s11] =	ssyncset.done $0x0  }
0xb1: {  	s17 =	sadd.s32 s16, s21;
	[sflag:s11] =	ssyncadd.s32 $0xFFFFC000  }
0xb2: {  	[tilespmem:s31], [sflag:$0x3] =	stream.linear.gather [hbm4b:s17+s4], $0x80, $0x38;
	[tilespmem:$0x1F9C0] =	vst v63  }
0xb3: {  	s16 =	sadd.s32 s16, s22  }
0xb4: {  	[tilespmem:s2], [sflag:$0x4] =	stream.linear.gather [hbm4b:s16+s4], $0x80, $0x38;
	[tilespmem:$0x1F9C0] =	vst v63  }
0xb5: {  	_ = 	snop  }
0xb6: {  	[tilespmem:s5], [sflag:$0x1] =	stream.indirect.gather [hbm4b:s1+s0], $0x80, s15, s0, $0xb8;
	[tilespmem:$0x1F9C0] =	vst v63  }
0xb7: {  	s16 =	sadd.s32 $0x80, s15  }
0xb8: {  	[tilespmem:s7], [sflag:$0x2] =	stream.indirect.gather [hbm4b:s1+s0], $0x80, s16, s0, $0xb8;
	[tilespmem:$0x1F9C0] =	vst v63  }
0xb9: {  	_ =	swait.ge [sflag:s8], $0x80  }
0xba: {  	[sflag:s8] =	ssyncset.done $0x0  }
0xbb: {  	[sflag:s8] =	ssyncadd.s32 $0xFFFFFF80  }
0xbc: {  	_ =	swait.ge [sflag:s30], $0x4000  }
0xbd: {  	[sflag:s30] =	ssyncset.done $0x0  }
0xbe: {  	[sflag:s30] =	ssyncadd.s32 $0xFFFFC000  }
0xbf: {  	[spmem:s3] =	stream.indirect.scatter.add.f32 [tilespmem:s5], [sflag:$0x5], $0x80, s31, s0, $0xb8;
	[tilespmem:$0x1F9C0] =	vst v63  }
0xc0: {  	_ =	swait.ge [sflag:s9], $0x80  }
.Ltmp1:
0xc1: {  	[sflag:s9] =	ssyncset.done $0x0;
	(pc) =	sbr.rel @p1 .LBB2_4-.Ltmp1, $4  }
0xc2: {  	[sflag:s9] =	ssyncadd.s32 $0xFFFFFF80  }
0xc3: {  	_ =	swait.ge [sflag:s29], $0x4000  }
0xc4: {  	[sflag:s29] =	ssyncset.done $0x0  }
0xc5: {  	s15 =	sadd.s32 $0x100, s15;
	[sflag:s29] =	ssyncadd.s32 $0xFFFFC000  }
0xc6: {  	[spmem:s3] =	stream.indirect.scatter.add.f32 [tilespmem:s7], [sflag:$0x6], $0x80, s2, s0, $0xb8;
	[tilespmem:$0x1F9C0] =	vst v63  }
0xc7: {  	_ =	swait.ge [sflag:s10], $0x4000  }
0xc8: {  	[sflag:s10] =	ssyncset.done $0x0  }
0xc9: {  	[sflag:s10] =	ssyncadd.s32 $0xFFFFC000  }
0xca: {  	_ =	swait.ge [sflag:s11], $0x4000  }
0xcb: {  	s14 =	stileid.u32;
	[sflag:s11] =	ssyncset.done $0x0  }
0xcc: {  	s14 =	sshll.u32 s14, $0x6;
	[sflag:s11] =	ssyncadd.s32 $0xFFFFC000  }
0xcd: {  	s15 =	sshrl.u32 s6, $0x3;
	s14 =	sor.u32 $0x1C07, s14;
	[bflag:$0x0] =	sbarrier.arrive $0xFFFF  }
0xce: {  	[hbm:s19], [sflag:s14] =	dma.local [spmem:s15], $0x2700  }
0xcf: {  	_ =	swait.ge [sflag:s12], $0x2700  }
0xd0: {  	s13 =	sadd.s32 $0x1, s13;
	[sflag:s12] =	ssyncset.done $0x0  }
0xd1: {  	p1 =	sne.s32 s13, s25;
	s15 =	sshrl.u32 @!p0 s23, $0x3;
	[sflag:s12] =	ssyncadd.s32 $0xFFFFD900  }
0xd2: {  	[hbm:s24], [sflag:s14] =	dma.local @!p0 [spmem:s15], $0x100  }
.Ltmp2:
0xd3: {  	_ = 	snop;
	(pc) =	sbr.rel @p1 .LBB2_1-.Ltmp2, $4  }
0xd4: {  	s14 =	simm.s32 @!p0 $0x7  }
0xd5: {  	_ =	swait.ge @!p0 [sflag:s14], $0x100  }
0xd6: {  	[sflag:s14] =	ssyncset.done @!p0 $0x0  }
0xd7: {  	[sflag:s14] =	ssyncadd.s32 @!p0 $0xFFFFFF00  }
0xd8: {  	_ =	sfence.sel $0x180000  }
0xd9: {  	[bflag:$0x0] =	sbarrier.arrive $0xFFFF  }
0xda: {  	_ =	strace $0x9000004A  }
0xdb: {  	s0 =	stileid.u32;
	[bflag:$0x2] =	sbarrier.arrive $0xFFFF  }
0xdc: {  	p0 =	sne.s32 s0, $0x0;
	s0 =	rddreg [dreg:$0x3]  }
0xdd: {  	s0 =	sadd.s32 @!p0 $0x100000, s0  }
0xde: {  	[sflag:s0] =	ssyncadd.tile.s32 @!p0 $0x1;
	_ =	shalt  }
.Lfunc_end2:
_tile_overlayer_lowered:
.L_overlay_start_2:
0xdf: {  	(tag) =	ssettag $0x2  }
0xe0: {  	s0 =	rddreg [dreg:$0x0];
	s2 =	stileid.u32  }
0xe1: {  	s1 =	rddreg [dreg:$0x1];
	p0 =	sne.s32 s2, $0x0  }
0xe2: {  	s3 =	rddreg [dreg:$0x2];
	[bflag:$0x3] =	sbarrier.arrive $0xFFFF;
	s2 =	simm.s32 @!p0 $0x1C07  }
0xe3: {  	[timem:s3], [sflag:s2] =	dma.local @!p0 [hbm:s0], s1  }
0xe4: {  	s0 =	simm.s32 @!p0 $0x7  }
0xe5: {  	_ =	swait.ge @!p0 [sflag:s0], s1  }
0xe6: {  	s1 =	ssub.s32 @!p0 $0x0, s1;
	[sflag:s0] =	ssyncset.done @!p0 $0x0  }
0xe7: {  	[sflag:s0] =	ssyncadd.s32 @!p0 s1  }
0xe8: {  	[bflag:$0x3] =	sbarrier.arrive $0xFFFF  }
0xe9: {  	_ =	shalt  }

// kernel: kernel.14.cloned.1.call-start
scs
__scs_entry_jumppad:
0x0: {  	(pc) =	sbr.rel $0x88, $3  }
0x1: {  	(tag) =	ssettag $0x0;
	lr =	simm.s32 $0x1  }
0x2: {  	[smem:$0x3F99] =	sst lr;
	_ =	strace $0xD0000000  }
0x3: {  	_ = 	snop  }
0x4: {  	_ = 	snop  }
0x5: {  	_ = 	snop  }
0x6: {  	_ = 	snop  }
0x7: {  	_ = 	snop  }
__scs_overlays_trampoline_lowered:
0x8: {  	[smem:$0x3FA8] =	sst s0  }
0x9: {  	[smem:$0x3FA9] =	sst s1  }
0xa: {  	[smem:$0x3FAA] =	sst s2  }
0xb: {  	[smem:$0x3FAB] =	sst s3  }
0xc: {  	[smem:$0x3FAC] =	sst s4  }
0xd: {  	[smem:$0x3FAD] =	sst s5  }
0xe: {  	[smem:$0x3FAE] =	sst s6  }
0xf: {  	[smem:$0x3FAF] =	sst s7  }
0x10: {  	[smem:$0x3FB0] =	sst s8  }
0x11: {  	[smem:$0x3FB1] =	sst s9;
	s0 =	simm.s32 @!p0 $0x0  }
0x12: {  	s1 =	sld [smem:$0x3F97];
	s0 =	simm.s32 @p0 $0x1  }
0x13: {  	[smem:$0x3FB2] =	sst s0;
	s0 =	simm.s32 @!p1 $0x0  }
0x14: {  	s2 =	sld [smem:$0x3F96];
	s0 =	simm.s32 @p1 $0x1  }
0x15: {  	[smem:$0x3FB3] =	sst s0;
	s0 =	simm.s32 @!p2 $0x0  }
0x16: {  	s3 =	sld [smem:$0x3FDB];
	s0 =	simm.s32 @p2 $0x1  }
0x17: {  	s4 =	simm.s32 $0x1BF5;
	[smem:$0x3FB5] =	sst s0  }
0x18: {  	s0 =	sld [smem:$0x3F98];
	_ =	swait.ge [sflag:s4], $0x0  }
0x19: {  	s7 =	sld [smem:$0x3F99]  }
0x1a: {  	s8 =	sadd.s32 $0xFFFFE003, lr  }
0x1b: {  	s9 =	sadd.s32 $0xFFFFFEF7, lr;
	s5 =	simm.s32 $0xFFFFFFFF;
	p2 =	slt.u32 s8, $0xFFFFF086  }
0x1c: {  	p1 =	slt.u32 s9, $0xF7A;
	s5 =	simm.s32 @!p2 $0x0  }
0x1d: {  	s5 =	simm.s32 @p1 $0x1;
	p0 =	seq.s32 s7, s2  }
0x1e: {  	s7 =	smul.u32 @!p0 $0xF7A, s2;
	p2 =	seq.s32 @!p0 s5, $0x0  }
0x1f: {  	s9 =	smul.u32 $0xF7A, s1;
	s8 =	simm.s32 @!p0 $0x1BF5;
	p2 =	por !p2, p0  }
0x20: {  	[sflag:s8] =	ssyncset.s32 @!p0 $0xFFFFF086;
	s6 =	sadd.s32 @!p0 s3, s7;
	s7 =	simm.s32 @!p0 $0x108  }
0x21: {  	s3 =	sadd.s32 s3, s9;
	s6 =	sadd.s32 @!p0 $0x88, s6;
	s7 =	simm.s32 @p2 $0x1082  }
0x22: {  	[simem:s7], [sflag:s8] =	dma.local @!p0 [hbm:s6], $0xF7A  }
0x23: {  	s9 =	sor.u32 $0xD0000000, s2;
	s6 =	simm.s32 $0x108;
	_ =	swait.ge @!p0 [sflag:s8], $0x0  }
0x24: {  	s3 =	sadd.s32 $0x88, s3;
	s6 =	simm.s32 @!p1 $0x1082;
	[sflag:s4] =	ssyncset.s32 $0xFFFFF086  }
0x25: {  	[simem:s6], [sflag:s4] =	dma.local [hbm:s3], $0xF7A  }
0x26: {  	[smem:$0x3F99] =	sst s1;
	(tag) =	ssettag s2;
	_ =	strace s9  }
0x27: {  	s1 =	sld [smem:$0x3FA9]  }
0x28: {  	s2 =	sld [smem:$0x3FAA]  }
0x29: {  	s4 =	sld [smem:$0x3FAC]  }
0x2a: {  	p0 =	seq.s32 s5, $0x0;
	s5 =	sld [smem:$0x3FAD]  }
0x2b: {  	s6 =	sld [smem:$0x3FAE]  }
0x2c: {  	s7 =	sld [smem:$0x3FAF]  }
0x2d: {  	s3 =	simm.s32 $0x108;
	s8 =	sld [smem:$0x3FB0]  }
0x2e: {  	s3 =	simm.s32 @!p0 $0x1082;
	s9 =	sld [smem:$0x3FB1]  }
0x2f: {  	lr =	sadd.s32 s0, s3;
	s0 =	sld [smem:$0x3FA8]  }
0x30: {  	s3 =	sld [smem:$0x3FAB]  }
0x31: {  	[smem:$0x3FB4] =	sst s10  }
0x32: {  	s10 =	sld [smem:$0x3FB2];
	_ =	sdelay $0x3  }
0x33: {  	p0 =	seq.s32 s10, $0x1;
	s10 =	sld [smem:$0x3FB4];
	_ =	sdelay $0x3  }
0x34: {  	[smem:$0x3FB4] =	sst s10  }
0x35: {  	s10 =	sld [smem:$0x3FB3];
	_ =	sdelay $0x3  }
0x36: {  	p1 =	seq.s32 s10, $0x1;
	s10 =	sld [smem:$0x3FB4];
	_ =	sdelay $0x3  }
0x37: {  	[smem:$0x3FB4] =	sst s10  }
0x38: {  	s10 =	sld [smem:$0x3FB5]  }
0x39: {  	_ = 	snop;
	(pc) =	sbr.ind lr, $3  }
0x3a: {  	_ = 	snop  }
0x3b: {  	_ = 	snop  }
0x3c: {  	p2 =	seq.s32 s10, $0x1;
	s10 =	sld [smem:$0x3FB4]  }
0x3d: {  	_ =	shalt  }
0x3e: {  	_ =	shalt  }
0x3f: {  	_ =	shalt  }
0x40: {  	_ =	shalt  }
0x41: {  	_ =	shalt  }
0x42: {  	_ =	shalt  }
0x43: {  	_ =	shalt  }
0x44: {  	_ =	shalt  }
0x45: {  	_ =	shalt  }
0x46: {  	_ =	shalt  }
0x47: {  	_ =	shalt  }
0x48: {  	_ =	shalt  }
0x49: {  	_ =	shalt  }
0x4a: {  	_ =	shalt  }
0x4b: {  	_ =	shalt  }
0x4c: {  	_ =	shalt  }
0x4d: {  	_ =	shalt  }
0x4e: {  	_ =	shalt  }
0x4f: {  	_ =	shalt  }
0x50: {  	_ =	shalt  }
0x51: {  	_ =	shalt  }
0x52: {  	_ =	shalt  }
0x53: {  	_ =	shalt  }
0x54: {  	_ =	shalt  }
0x55: {  	_ =	shalt  }
0x56: {  	_ =	shalt  }
0x57: {  	_ =	shalt  }
0x58: {  	_ =	shalt  }
0x59: {  	_ =	shalt  }
0x5a: {  	_ =	shalt  }
0x5b: {  	_ =	shalt  }
0x5c: {  	_ =	shalt  }
0x5d: {  	_ =	shalt  }
0x5e: {  	_ =	shalt  }
0x5f: {  	_ =	shalt  }
0x60: {  	_ =	shalt  }
0x61: {  	_ =	shalt  }
0x62: {  	_ =	shalt  }
0x63: {  	_ =	shalt  }
0x64: {  	_ =	shalt  }
0x65: {  	_ =	shalt  }
0x66: {  	_ =	shalt  }
0x67: {  	_ =	shalt  }
0x68: {  	_ =	shalt  }
0x69: {  	_ =	shalt  }
0x6a: {  	_ =	shalt  }
0x6b: {  	_ =	shalt  }
0x6c: {  	_ =	shalt  }
0x6d: {  	_ =	shalt  }
0x6e: {  	_ =	shalt  }
0x6f: {  	_ =	shalt  }
0x70: {  	_ =	shalt  }
0x71: {  	_ =	shalt  }
0x72: {  	_ =	shalt  }
0x73: {  	_ =	shalt  }
0x74: {  	_ =	shalt  }
0x75: {  	_ =	shalt  }
0x76: {  	_ =	shalt  }
0x77: {  	_ =	shalt  }
0x78: {  	_ =	shalt  }
0x79: {  	_ =	shalt  }
0x7a: {  	_ =	shalt  }
0x7b: {  	_ =	shalt  }
0x7c: {  	_ =	shalt  }
0x7d: {  	_ =	shalt  }
0x7e: {  	_ =	shalt  }
0x7f: {  	_ =	shalt  }
0x80: {  	_ =	shalt  }
0x81: {  	_ =	shalt  }
0x82: {  	_ =	shalt  }
0x83: {  	_ =	shalt  }
0x84: {  	_ =	shalt  }
0x85: {  	_ =	shalt  }
0x86: {  	_ =	shalt  }
0x87: {  	_ =	shalt  }
.Lfunc_end0:
.L_simem_size_0:
called_computation.2_lowered:
.L_overlay_start_0:
0x88: {  	s2 =	sld [smem:$0x3FD9]  }
0x89: {  	s3 =	sld [smem:$0x3FFE];
	_ =	sdelay $0x1  }
0x8a: {  	s1 =	srdreg.scid  }
0x8b: {  	s0 =	sand.u32 $0x1, s1  }
0x8c: {  	s14 =	sshll.u32 s0, $0xA;
	s2 =	sadd.s32 s3, s2  }
0x8d: {  	s2 =	sadd.s32 s2, s14  }
0x8e: {  	[smem:$0x3FC0] =	sst s2  }
0x8f: {  	_ = 	snop  }
0x90: {  	s2 =	sld [smem:$0x3FD0];
	_ =	sdelay $0x2  }
0x91: {  	s15 =	simm.s32 $0xA;
	s4 =	simm.s32 $0x10  }
0x92: {  	[smem:s4], [sflag:s15] =	dma.local [hbm:s2], $0x1  }
0x93: {  	_ =	swait.eq [sflag:s15], $0x1  }
0x94: {  	[sflag:s15] =	ssyncset.done $0x0  }
0x95: {  	[sflag:s15] =	ssyncadd.s32 $0xFFFFFFFF  }
0x96: {  	s16 =	sld [smem:$0x11];
	(tm) =	ssettm $0x1  }
0x97: {  	s17 =	sld [smem:$0x3FFB];
	_ =	sdelay $0x3  }
0x98: {  	_ =	strace s17  }
0x99: {  	s3 =	sld [smem:$0x3FFC];
	_ =	sdelay $0x3  }
0x9a: {  	_ =	strace s3  }
0x9b: {  	s3 =	sld [smem:$0x3FFD];
	_ =	sdelay $0x3  }
0x9c: {  	_ =	strace s3  }
0x9d: {  	_ =	strace $0x8FFFFFFF  }
0x9e: {  	s18 =	sld [smem:$0x3FDB];
	_ =	sdelay $0x1  }
0x9f: {  	s19 =	simm.s32 $_scs_section_size  }
0xa0: {  	s5 =	simm.s32 $_size__tile_overlayer_lowered;
	s6 =	simm.s32 $_tile_overlayer_lowered  }
0xa1: {  	s22 =	simm.s32 $0x1BFF;
	s21 =	sshll.u32 s6, $0x1;
	s3 =	sadd.s32 s19, s18  }
0xa2: {  	s7 =	simm.s32 $0x0;
	s20 =	sshll.u32 s5, $0x1;
	s5 =	sadd.s32 s21, s3  }
0xa3: {  	[timem:s7], [sflag:s22] =	dma.local [hbm:s5], s20  }
0xa4: {  	_ =	swait.ge [sflag:s22], s20  }
0xa5: {  	s4 =	ssub.s32 $0x0, s20;
	[sflag:s22] =	ssyncset.done $0x0  }
0xa6: {  	[sflag:s22] =	ssyncadd.s32 s4;
	_ =	sdelay $0x1  }
0xa7: {  	s23 =	simm.s32 $0x1B8B  }
0xa8: {  	_ =	swait.ge [sflag:s23], $0x1  }
0xa9: {  	[sflag:s23] =	ssyncset.done $0x0  }
0xaa: {  	s25 =	simm.s32 $0x1B8E;
	s24 =	sld [smem:$0x3FFE];
	[sflag:s23] =	ssyncadd.s32 $0xFFFFFFFF  }
0xab: {  	s26 =	simm.s32 $execute0_lowered;
	[smem:$0x3FD2] =	sst s25  }
0xac: {  	s5 =	sshll.u32 s26, $0x1;
	_ =	strace $0x8000004C;
	[dreg:$0x1] =	wrdreg $0xFFFFFFFF  }
0xad: {  	s28 =	simm.s32 $_size_execute0_lowered;
	s3 =	sadd.s32 s3, s5;
	[dreg:$0x0] =	wrdreg $0x0  }
0xae: {  	s5 =	sshll.u32 s28, $0x1;
	[dreg:$0x2] =	wrdreg s3  }
0xaf: {  	[dreg:$0x3] =	wrdreg s5  }
0xb0: {  	[dreg:$0x4] =	wrdreg $0xC0  }
0xb1: {  	_ =	task [dreg:s7], $0x5FFFF  }
0xb2: {  	[dreg:$0x1] =	wrdreg $0xFFFFFFFF  }
0xb3: {  	[dreg:$0x0] =	wrdreg $0x60  }
0xb4: {  	[dreg:$0x2] =	wrdreg s16  }
0xb5: {  	[dreg:$0x3] =	wrdreg s24  }
0xb6: {  	[dreg:$0x4] =	wrdreg $0xC1000  }
0xb7: {  	[dreg:$0x5] =	wrdreg $0x9  }
0xb8: {  	_ =	task.clear_ibuf [dreg:s7], $0x6FFFF;
	_ =	strace $0x9000004C  }
0xb9: {  	s29 =	simm.s32 $0x9;
	_ =	strace $0x8000004E  }
0xba: {  	_ =	swait.ge [sflag:s29], $0x1  }
0xbb: {  	[sflag:s29] =	ssyncadd.s32 $0xFFFFFFFF  }
0xbc: {  	_ =	strace $0x9000004E  }
0xbd: {  	_ =	sfence  }
0xbe: {  	s30 =	sld [smem:$0x0];
	_ =	sdelay $0x2  }
0xbf: {  	s31 =	sshll.u32 s1, $0xD;
	s1 =	sshrl.u32 s1, $0x2  }
0xc0: {  	s3 =	sand.u32 $0x4000, s31;
	s1 =	sadd.s32 s1, s30  }
0xc1: {  	s0 =	sor.u32 s3, s0;
	s1 =	sshll.u32 s1, $0x11  }
0xc2: {  	s0 =	sor.u32 s1, s0  }
0xc3: {  	s0 =	sadd.s32 $0x8F2B, s0  }
0xc4: {  	[sflag:s0] =	ssyncadd.remote.s32 $0x1  }
0xc5: {  	_ =	sfence.sel $0xFFFF  }
0xc6: {  	[dreg:$0x0] =	wrdreg $0xFFFFFFFF;
	(pc) =	sbr.abs _section_cstart, $3  }
0xc7: {  	[dreg:$0x1] =	wrdreg $0xFFFFFFFF  }
0xc8: {  	_ =	task.clear_ibuf [dreg:s7], $0x2FFFF;
	_ =	strace $0x9FFFFFFF  }
0xc9: {  	(tm) =	ssettm $0x7FFFFFFF  }
tec
execute0_lowered:
.L_overlay_start_1:
0x0: {  	(tag) =	ssettag $0x1  }
0x1: {  	s1 =	rddreg [dreg:$0x0]  }
0x2: {  	s0 =	srdreg.scid;
	s2 =	rddreg [dreg:$0x1]  }
0x3: {  	s12 =	stileid.u32;
	s3 =	rddreg [dreg:$0x2]  }
0x4: {  	s28 =	simm.s32 $0xA900;
	s29 =	simm.s32 $0x2;
	s30 =	simm.s32 $0x1  }
0x5: {  	s31 =	simm.s32 $0x2800;
	s0 =	sand.u32 $0x1, s0;
	s6 =	smul.u32 $0x4E000, s12  }
0x6: {  	s4 =	sshll.u32 s12, $0x1;
	s8 =	sadd.s32 $0x2000, s2;
	s18 =	smul.u32 $0x13800, s12  }
0x7: {  	s20 =	smul.u32 $0x5000, s12;
	p0 =	sne.s32 s12, $0xF;
	s12 =	simm.s32 $0x7  }
0x8: {  	s5 =	sor.u32 s0, s4;
	s4 =	simm.s32 $0x0;
	s15 =	smul.u32 $0x138800, s0  }
0x9: {  	s9 =	ssub.s32 $0x2, s0;
	s0 =	smul.u32 $0x2800, s0;
	s6 =	sshrl.u32 s6, $0x2  }
0xa: {  	s5 =	smul.u32 $0x2800, s5;
	[smem:$0x7FF] =	sst s4;
	s6 =	sadd.s32 s6, s3  }
0xb: {  	s10 =	sshrl.u32 s9, $0x1;
	_ =	strace $0x8000004D;
	s13 =	sadd.s32 $0x1800, s6  }
0xc: {  	s9 =	ssub.s32 s9, s10;
	s14 =	sadd.s32 $0x3000, s6;
	[dreg:$0x5] =	wrdreg s13  }
0xd: {  	s10 =	sadd.s32 s18, s15;
	s16 =	sadd.s32 $0x4800, s6;
	[dreg:$0x6] =	wrdreg s14  }
0xe: {  	s0 =	sadd.s32 s0, s20;
	s17 =	sadd.s32 $0x6000, s6;
	[dreg:$0x7] =	wrdreg s16  }
0xf: {  	s5 =	sshrl.u32 s5, $0x3;
	s11 =	sadd.s32 $0x7800, s6;
	[dreg:$0x8] =	wrdreg s17  }
0x10: {  	s19 =	sadd.s32 $0x9000, s6;
	s21 =	sadd.s32 $0xC000, s6;
	[dreg:$0x9] =	wrdreg s11  }
0x11: {  	s22 =	sadd.s32 $0xD800, s6;
	s23 =	sadd.s32 $0xF000, s6;
	[dreg:$0xa] =	wrdreg s19  }
0x12: {  	s24 =	sadd.s32 $0x10800, s6;
	s10 =	sshrl.u32 s10, $0x3;
	[dreg:$0xc] =	wrdreg s21  }
0x13: {  	s18 =	sadd.s32 $0x12000, s6;
	s25 =	sor.u32 $0x100, s0;
	[dreg:$0xd] =	wrdreg s22  }
0x14: {  	s0 =	sor.u32 $0x180, s0;
	s7 =	sadd.s32 s5, s2;
	[dreg:$0xe] =	wrdreg s23  }
0x15: {  	s2 =	sadd.s32 $0x16000, s2;
	s13 =	sadd.s32 $0xA800, s6;
	[dreg:$0xf] =	wrdreg s24  }
0x16: {  	s20 =	sadd.s32 s8, s5;
	s26 =	sshrl.u32 s25, $0x3;
	s0 =	sshrl.u32 s0, $0x3  }
0x17: {  	s23 =	sadd.s32 $0x138000, s3;
	s25 =	smax.u32 s9, $0x1;
	s5 =	simm.s32 $0x2900  }
0x18: {  	s9 =	simm.s32 $0x4;
	s11 =	simm.s32 $0x6;
	s7 =	sadd.s32 $0xC000, s7  }
0x19: {  	[dreg:$0xb] =	wrdreg s13;
	s19 =	sadd.s32 s2, s10;
	s21 =	sadd.s32 s26, s8  }
0x1a: {  	s22 =	sadd.s32 s0, s8;
	s26 =	sadd.s32 $0x10, s20;
	s0 =	simm.s32 $0x80  }
0x1b: {  	s8 =	simm.s32 $0x3;
	[dreg:$0x4] =	wrdreg s7;
	s7 =	sshrl.u32 s15, $0x3  }
0x1c: {  	s10 =	simm.s32 $0x5;
	s13 =	simm.s32 $0x0;
	s2 =	sadd.s32 s2, s7  }
0x1d: {  	v0 =	vimm.f32 $0.0e+00;
	s7 =	simm.s32 $0x6900;
	s24 =	sadd.s32 $0x27000, s2;
	s2 =	simm.s32 $0x2880  }
.LBB2_1:
0x1e: {  	s14 =	rddreg [dreg:$0x4]  }
0x1f: {  	[tilespmem:s4], [sflag:$0x1] =	stream.linear.gather [hbm4b:s14+s4], $0x2800, $0x38;
	[tilespmem:$0x1F9C0] =	vst v63  }
0x20: {  	s15 =	simm.s32 $0x3C0;
	s14 =	simm.s32 $0x70  }
.LBB2_2:
0x21: {  	p1 =	sne.s32 s15, $0x5FC0;
	[tilespmem:s14+$0xA900] =	vst v0  }
0x22: {  	[tilespmem:s14+$0xA890] =	vst v0  }
0x23: {  	[tilespmem:s14+$0xA8A0] =	vst v0  }
.Ltmp0:
0x24: {  	[tilespmem:s14+$0xA8B0] =	vst v0;
	(pc) =	sbr.rel @p1 .LBB2_2-.Ltmp0, $4  }
0x25: {  	[tilespmem:s14+$0xA8C0] =	vst v0  }
0x26: {  	[tilespmem:s14+$0xA8D0] =	vst v0  }
0x27: {  	[tilespmem:s14+$0xA8E0] =	vst v0  }
0x28: {  	[tilespmem:s14+$0xA8F0] =	vst v0;
	s14 =	sshra.s32 s15, $0x2;
	s15 =	sadd.s32 $0x200, s15  }
0x29: {  	[tilespmem:s14+$0xA900] =	vst v0  }
0x2a: {  	[tilespmem:s14+$0xA890] =	vst v0  }
0x2b: {  	[tilespmem:s14+$0xA8A0] =	vst v0  }
0x2c: {  	[tilespmem:s14+$0xA8B0] =	vst v0  }
0x2d: {  	[tilespmem:s14+$0xA8C0] =	vst v0  }
0x2e: {  	[tilespmem:s14+$0xA8D0] =	vst v0  }
0x2f: {  	[tilespmem:s14+$0xA8E0] =	vst v0  }
0x30: {  	[tilespmem:s14+$0xA8F0] =	vst v0  }
0x31: {  	[spmem:s6] =	stream.linear.scatter [tilespmem:s28], [sflag:$0x2], $0x1800, $0x38;
	[tilespmem:$0x1F9C0] =	vst v63  }
0x32: {  	s17 =	rddreg [dreg:$0x5]  }
0x33: {  	[spmem:s17] =	stream.linear.scatter [tilespmem:s28], [sflag:$0x2], $0x1800, $0x38;
	[tilespmem:$0x1F9C0] =	vst v63  }
0x34: {  	s15 =	rddreg [dreg:$0x6]  }
0x35: {  	[spmem:s15] =	stream.linear.scatter [tilespmem:s28], [sflag:$0x2], $0x1800, $0x38;
	[tilespmem:$0x1F9C0] =	vst v63  }
0x36: {  	s16 =	rddreg [dreg:$0x7]  }
0x37: {  	[spmem:s16] =	stream.linear.scatter [tilespmem:s28], [sflag:$0x2], $0x1800, $0x38;
	[tilespmem:$0x1F9C0] =	vst v63  }
0x38: {  	s17 =	rddreg [dreg:$0x8]  }
0x39: {  	[spmem:s17] =	stream.linear.scatter [tilespmem:s28], [sflag:$0x2], $0x1800, $0x38;
	[tilespmem:$0x1F9C0] =	vst v63  }
0x3a: {  	s15 =	rddreg [dreg:$0x9]  }
0x3b: {  	[spmem:s15] =	stream.linear.scatter [tilespmem:s28], [sflag:$0x2], $0x1800, $0x38;
	[tilespmem:$0x1F9C0] =	vst v63  }
0x3c: {  	s16 =	rddreg [dreg:$0xa]  }
0x3d: {  	[spmem:s16] =	stream.linear.scatter [tilespmem:s28], [sflag:$0x2], $0x1800, $0x38;
	[tilespmem:$0x1F9C0] =	vst v63  }
0x3e: {  	s17 =	rddreg [dreg:$0xb]  }
0x3f: {  	[spmem:s17] =	stream.linear.scatter [tilespmem:s28], [sflag:$0x2], $0x1800, $0x38;
	[tilespmem:$0x1F9C0] =	vst v63  }
0x40: {  	s15 =	rddreg [dreg:$0xc]  }
0x41: {  	[spmem:s15] =	stream.linear.scatter [tilespmem:s28], [sflag:$0x2], $0x1800, $0x38;
	[tilespmem:$0x1F9C0] =	vst v63  }
0x42: {  	s16 =	rddreg [dreg:$0xd]  }
0x43: {  	[spmem:s16] =	stream.linear.scatter [tilespmem:s28], [sflag:$0x2], $0x1800, $0x38;
	[tilespmem:$0x1F9C0] =	vst v63  }
0x44: {  	s17 =	rddreg [dreg:$0xe]  }
0x45: {  	[spmem:s17] =	stream.linear.scatter [tilespmem:s28], [sflag:$0x2], $0x1800, $0x38;
	[tilespmem:$0x1F9C0] =	vst v63  }
0x46: {  	s15 =	rddreg [dreg:$0xf]  }
0x47: {  	[spmem:s15] =	stream.linear.scatter [tilespmem:s28], [sflag:$0x2], $0x1800, $0x38;
	[tilespmem:$0x1F9C0] =	vst v63  }
0x48: {  	_ = 	snop  }
0x49: {  	[spmem:s18] =	stream.linear.scatter [tilespmem:s28], [sflag:$0x2], $0x1800, $0x38;
	[tilespmem:$0x1F9C0] =	vst v63  }
0x4a: {  	s14 =	simm.s32 @!p0 $0xA900  }
0x4b: {  	[spmem:s23] =	stream.linear.scatter @!p0 [tilespmem:s14], [sflag:$0x7], $0x800, $0x38;
	[tilespmem:$0x1F9C0] =	vst v63  }
0x4c: {  	s14 =	simm.s32 @!p0 $0x7  }
0x4d: {  	_ =	swait.ge @!p0 [sflag:s14], $0x800  }
0x4e: {  	[sflag:s14] =	ssyncset.done @!p0 $0x0  }
0x4f: {  	[sflag:s14] =	ssyncadd.s32 @!p0 $0xFFFFF800  }
0x50: {  	_ =	swait.ge [sflag:s29], $0x1800  }
0x51: {  	[sflag:s29] =	ssyncset.done $0x0  }
0x52: {  	[sflag:s29] =	ssyncadd.s32 $0xFFFFE800  }
0x53: {  	_ =	swait.ge [sflag:s29], $0x1800  }
0x54: {  	[sflag:s29] =	ssyncset.done $0x0  }
0x55: {  	[sflag:s29] =	ssyncadd.s32 $0xFFFFE800  }
0x56: {  	_ =	swait.ge [sflag:s29], $0x1800  }
0x57: {  	[sflag:s29] =	ssyncset.done $0x0  }
0x58: {  	[sflag:s29] =	ssyncadd.s32 $0xFFFFE800  }
0x59: {  	_ =	swait.ge [sflag:s29], $0x1800  }
0x5a: {  	[sflag:s29] =	ssyncset.done $0x0  }
0x5b: {  	[sflag:s29] =	ssyncadd.s32 $0xFFFFE800  }
0x5c: {  	_ =	swait.ge [sflag:s29], $0x1800  }
0x5d: {  	[sflag:s29] =	ssyncset.done $0x0  }
0x5e: {  	[sflag:s29] =	ssyncadd.s32 $0xFFFFE800  }
0x5f: {  	_ =	swait.ge [sflag:s29], $0x1800  }
0x60: {  	[sflag:s29] =	ssyncset.done $0x0  }
0x61: {  	[sflag:s29] =	ssyncadd.s32 $0xFFFFE800  }
0x62: {  	_ =	swait.ge [sflag:s29], $0x1800  }
0x63: {  	[sflag:s29] =	ssyncset.done $0x0  }
0x64: {  	[sflag:s29] =	ssyncadd.s32 $0xFFFFE800  }
0x65: {  	_ =	swait.ge [sflag:s29], $0x1800  }
0x66: {  	[sflag:s29] =	ssyncset.done $0x0  }
0x67: {  	[sflag:s29] =	ssyncadd.s32 $0xFFFFE800  }
0x68: {  	_ =	swait.ge [sflag:s29], $0x1800  }
0x69: {  	[sflag:s29] =	ssyncset.done $0x0  }
0x6a: {  	[sflag:s29] =	ssyncadd.s32 $0xFFFFE800  }
0x6b: {  	_ =	swait.ge [sflag:s29], $0x1800  }
0x6c: {  	[sflag:s29] =	ssyncset.done $0x0  }
0x6d: {  	[sflag:s29] =	ssyncadd.s32 $0xFFFFE800  }
0x6e: {  	_ =	swait.ge [sflag:s29], $0x1800  }
0x6f: {  	[sflag:s29] =	ssyncset.done $0x0  }
0x70: {  	[sflag:s29] =	ssyncadd.s32 $0xFFFFE800  }
0x71: {  	_ =	swait.ge [sflag:s29], $0x1800  }
0x72: {  	[sflag:s29] =	ssyncset.done $0x0  }
0x73: {  	[sflag:s29] =	ssyncadd.s32 $0xFFFFE800  }
0x74: {  	_ =	swait.ge [sflag:s29], $0x1800  }
0x75: {  	[sflag:s29] =	ssyncset.done $0x0  }
0x76: {  	[sflag:s29] =	ssyncadd.s32 $0xFFFFE800  }
0x77: {  	_ =	swait.ge [sflag:s30], $0x2800  }
0x78: {  	[sflag:s30] =	ssyncset.done $0x0  }
0x79: {  	[sflag:s30] =	ssyncadd.s32 $0xFFFFD800  }
0x7a: {  	s16 =	simm.s32 $0x0;
	[bflag:$0x0] =	sbarrier.arrive $0xFFFF  }
0x7b: {  	[tilespmem:s31], [sflag:$0x3] =	stream.linear.gather [hbm4b:s20+s16], $0x80, $0x38;
	[tilespmem:$0x1F9C0] =	vst v63  }
0x7c: {  	_ = 	snop  }
0x7d: {  	[tilespmem:s2], [sflag:$0x4] =	stream.linear.gather [hbm4b:s26+s16], $0x80, $0x38;
	[tilespmem:$0x1F9C0] =	vst v63  }
0x7e: {  	_ = 	snop  }
0x7f: {  	[tilespmem:s5], [sflag:$0x1] =	stream.indirect.gather [hbm4b:s1+s0], $0x80, s16, s0, $0xb8;
	[tilespmem:$0x1F9C0] =	vst v63  }
0x80: {  	_ = 	snop  }
0x81: {  	[tilespmem:s7], [sflag:$0x2] =	stream.indirect.gather [hbm4b:s1+s0], $0x80, s0, s0, $0xb8;
	[tilespmem:$0x1F9C0] =	vst v63  }
0x82: {  	_ =	swait.ge [sflag:s8], $0x80  }
0x83: {  	[sflag:s8] =	ssyncset.done $0x0  }
0x84: {  	[sflag:s8] =	ssyncadd.s32 $0xFFFFFF80  }
0x85: {  	_ =	swait.ge [sflag:s30], $0x4000  }
0x86: {  	[sflag:s30] =	ssyncset.done $0x0  }
0x87: {  	[sflag:s30] =	ssyncadd.s32 $0xFFFFC000  }
0x88: {  	[spmem:s3] =	stream.indirect.scatter.add.f32 [tilespmem:s5], [sflag:$0x5], $0x80, s31, s0, $0xb8;
	[tilespmem:$0x1F9C0] =	vst v63  }
0x89: {  	_ =	swait.ge [sflag:s9], $0x80  }
0x8a: {  	[sflag:s9] =	ssyncset.done $0x0  }
0x8b: {  	[sflag:s9] =	ssyncadd.s32 $0xFFFFFF80  }
0x8c: {  	_ =	swait.ge [sflag:s29], $0x4000  }
0x8d: {  	[sflag:s29] =	ssyncset.done $0x0  }
0x8e: {  	[sflag:s29] =	ssyncadd.s32 $0xFFFFC000  }
0x8f: {  	[spmem:s3] =	stream.indirect.scatter.add.f32 [tilespmem:s7], [sflag:$0x6], $0x80, s2, s0, $0xb8;
	[tilespmem:$0x1F9C0] =	vst v63  }
0x90: {  	_ =	swait.ge [sflag:s10], $0x4000  }
0x91: {  	[sflag:s10] =	ssyncset.done $0x0  }
0x92: {  	[sflag:s10] =	ssyncadd.s32 $0xFFFFC000  }
0x93: {  	_ =	swait.ge [sflag:s11], $0x4000  }
0x94: {  	[sflag:s11] =	ssyncset.done $0x0  }
0x95: {  	s17 =	sadd.s32 $0x0, s21;
	[sflag:s11] =	ssyncadd.s32 $0xFFFFC000  }
0x96: {  	[tilespmem:s31], [sflag:$0x3] =	stream.linear.gather [hbm4b:s17+s4], $0x80, $0x38;
	[tilespmem:$0x1F9C0] =	vst v63  }
0x97: {  	s15 =	sadd.s32 $0x0, s22  }
0x98: {  	[tilespmem:s2], [sflag:$0x4] =	stream.linear.gather [hbm4b:s15+s4], $0x80, $0x38;
	[tilespmem:$0x1F9C0] =	vst v63  }
0x99: {  	s16 =	simm.s32 $0x100  }
0x9a: {  	[tilespmem:s5], [sflag:$0x1] =	stream.indirect.gather [hbm4b:s1+s0], $0x80, s16, s0, $0xb8;
	[tilespmem:$0x1F9C0] =	vst v63  }
0x9b: {  	s17 =	simm.s32 $0x180  }
0x9c: {  	[tilespmem:s7], [sflag:$0x2] =	stream.indirect.gather [hbm4b:s1+s0], $0x80, s17, s0, $0xb8;
	[tilespmem:$0x1F9C0] =	vst v63  }
0x9d: {  	_ =	swait.ge [sflag:s8], $0x80  }
0x9e: {  	[sflag:s8] =	ssyncset.done $0x0  }
0x9f: {  	[sflag:s8] =	ssyncadd.s32 $0xFFFFFF80  }
0xa0: {  	_ =	swait.ge [sflag:s30], $0x4000  }
0xa1: {  	[sflag:s30] =	ssyncset.done $0x0  }
0xa2: {  	[sflag:s30] =	ssyncadd.s32 $0xFFFFC000  }
0xa3: {  	[spmem:s3] =	stream.indirect.scatter.add.f32 [tilespmem:s5], [sflag:$0x5], $0x80, s31, s0, $0xb8;
	[tilespmem:$0x1F9C0] =	vst v63  }
0xa4: {  	_ =	swait.ge [sflag:s9], $0x80  }
0xa5: {  	[sflag:s9] =	ssyncset.done $0x0  }
0xa6: {  	[sflag:s9] =	ssyncadd.s32 $0xFFFFFF80  }
0xa7: {  	_ =	swait.ge [sflag:s29], $0x4000  }
0xa8: {  	[sflag:s29] =	ssyncset.done $0x0  }
0xa9: {  	s14 =	simm.s32 $0x20;
	s15 =	simm.s32 $0x200;
	[sflag:s29] =	ssyncadd.s32 $0xFFFFC000  }
.LBB2_4:
0xaa: {  	[spmem:s3] =	stream.indirect.scatter.add.f32 [tilespmem:s7], [sflag:$0x6], $0x80, s2, s0, $0xb8;
	[tilespmem:$0x1F9C0] =	vst v63  }
0xab: {  	s16 =	smov.u32 s14  }
0xac: {  	p1 =	sne.s32 s14, $0x4C0;
	s14 =	sadd.s32 $0x20, s14;
	_ =	swait.ge [sflag:s10], $0x4000  }
0xad: {  	[sflag:s10] =	ssyncset.done $0x0  }
0xae: {  	[sflag:s10] =	ssyncadd.s32 $0xFFFFC000  }
0xaf: {  	_ =	swait.ge [sflag:s11], $0x4000  }
0xb0: {  	[sflag:s11] =	ssyncset.done $0x0  }
0xb1: {  	s17 =	sadd.s32 s16, s21;
	[sflag:s11] =	ssyncadd.s32 $0xFFFFC000  }
0xb2: {  	[tilespmem:s31], [sflag:$0x3] =	stream.linear.gather [hbm4b:s17+s4], $0x80, $0x38;
	[tilespmem:$0x1F9C0] =	vst v63  }
0xb3: {  	s16 =	sadd.s32 s16, s22  }
0xb4: {  	[tilespmem:s2], [sflag:$0x4] =	stream.linear.gather [hbm4b:s16+s4], $0x80, $0x38;
	[tilespmem:$0x1F9C0] =	vst v63  }
0xb5: {  	_ = 	snop  }
0xb6: {  	[tilespmem:s5], [sflag:$0x1] =	stream.indirect.gather [hbm4b:s1+s0], $0x80, s15, s0, $0xb8;
	[tilespmem:$0x1F9C0] =	vst v63  }
0xb7: {  	s16 =	sadd.s32 $0x80, s15  }
0xb8: {  	[tilespmem:s7], [sflag:$0x2] =	stream.indirect.gather [hbm4b:s1+s0], $0x80, s16, s0, $0xb8;
	[tilespmem:$0x1F9C0] =	vst v63  }
0xb9: {  	_ =	swait.ge [sflag:s8], $0x80  }
0xba: {  	[sflag:s8] =	ssyncset.done $0x0  }
0xbb: {  	[sflag:s8] =	ssyncadd.s32 $0xFFFFFF80  }
0xbc: {  	_ =	swait.ge [sflag:s30], $0x4000  }
0xbd: {  	[sflag:s30] =	ssyncset.done $0x0  }
0xbe: {  	[sflag:s30] =	ssyncadd.s32 $0xFFFFC000  }
0xbf: {  	[spmem:s3] =	stream.indirect.scatter.add.f32 [tilespmem:s5], [sflag:$0x5], $0x80, s31, s0, $0xb8;
	[tilespmem:$0x1F9C0] =	vst v63  }
0xc0: {  	_ =	swait.ge [sflag:s9], $0x80  }
.Ltmp1:
0xc1: {  	[sflag:s9] =	ssyncset.done $0x0;
	(pc) =	sbr.rel @p1 .LBB2_4-.Ltmp1, $4  }
0xc2: {  	[sflag:s9] =	ssyncadd.s32 $0xFFFFFF80  }
0xc3: {  	_ =	swait.ge [sflag:s29], $0x4000  }
0xc4: {  	[sflag:s29] =	ssyncset.done $0x0  }
0xc5: {  	s15 =	sadd.s32 $0x100, s15;
	[sflag:s29] =	ssyncadd.s32 $0xFFFFC000  }
0xc6: {  	[spmem:s3] =	stream.indirect.scatter.add.f32 [tilespmem:s7], [sflag:$0x6], $0x80, s2, s0, $0xb8;
	[tilespmem:$0x1F9C0] =	vst v63  }
0xc7: {  	_ =	swait.ge [sflag:s10], $0x4000  }
0xc8: {  	[sflag:s10] =	ssyncset.done $0x0  }
0xc9: {  	[sflag:s10] =	ssyncadd.s32 $0xFFFFC000  }
0xca: {  	_ =	swait.ge [sflag:s11], $0x4000  }
0xcb: {  	s14 =	stileid.u32;
	[sflag:s11] =	ssyncset.done $0x0  }
0xcc: {  	s14 =	sshll.u32 s14, $0x6;
	[sflag:s11] =	ssyncadd.s32 $0xFFFFC000  }
0xcd: {  	s15 =	sshrl.u32 s6, $0x3;
	s14 =	sor.u32 $0x1C07, s14;
	[bflag:$0x0] =	sbarrier.arrive $0xFFFF  }
0xce: {  	[hbm:s19], [sflag:s14] =	dma.local [spmem:s15], $0x2700  }
0xcf: {  	_ =	swait.ge [sflag:s12], $0x2700  }
0xd0: {  	s13 =	sadd.s32 $0x1, s13;
	[sflag:s12] =	ssyncset.done $0x0  }
0xd1: {  	p1 =	sne.s32 s13, s25;
	s15 =	sshrl.u32 @!p0 s23, $0x3;
	[sflag:s12] =	ssyncadd.s32 $0xFFFFD900  }
0xd2: {  	[hbm:s24], [sflag:s14] =	dma.local @!p0 [spmem:s15], $0x100  }
.Ltmp2:
0xd3: {  	_ = 	snop;
	(pc) =	sbr.rel @p1 .LBB2_1-.Ltmp2, $4  }
0xd4: {  	s14 =	simm.s32 @!p0 $0x7  }
0xd5: {  	_ =	swait.ge @!p0 [sflag:s14], $0x100  }
0xd6: {  	[sflag:s14] =	ssyncset.done @!p0 $0x0  }
0xd7: {  	[sflag:s14] =	ssyncadd.s32 @!p0 $0xFFFFFF00  }
0xd8: {  	_ =	sfence.sel $0x180000  }
0xd9: {  	[bflag:$0x0] =	sbarrier.arrive $0xFFFF  }
0xda: {  	_ =	strace $0x9000004D  }
0xdb: {  	s0 =	stileid.u32;
	[bflag:$0x2] =	sbarrier.arrive $0xFFFF  }
0xdc: {  	p0 =	sne.s32 s0, $0x0;
	s0 =	rddreg [dreg:$0x3]  }
0xdd: {  	s0 =	sadd.s32 @!p0 $0x100000, s0  }
0xde: {  	[sflag:s0] =	ssyncadd.tile.s32 @!p0 $0x1;
	_ =	shalt  }
.Lfunc_end2:
_tile_overlayer_lowered:
.L_overlay_start_2:
0xdf: {  	(tag) =	ssettag $0x2  }
0xe0: {  	s0 =	rddreg [dreg:$0x0];
	s2 =	stileid.u32  }
0xe1: {  	s1 =	rddreg [dreg:$0x1];
	p0 =	sne.s32 s2, $0x0  }
0xe2: {  	s3 =	rddreg [dreg:$0x2];
	[bflag:$0x3] =	sbarrier.arrive $0xFFFF;
	s2 =	simm.s32 @!p0 $0x1C07  }
0xe3: {  	[timem:s3], [sflag:s2] =	dma.local @!p0 [hbm:s0], s1  }
0xe4: {  	s0 =	simm.s32 @!p0 $0x7  }
0xe5: {  	_ =	swait.ge @!p0 [sflag:s0], s1  }
0xe6: {  	s1 =	ssub.s32 @!p0 $0x0, s1;
	[sflag:s0] =	ssyncset.done @!p0 $0x0  }
0xe7: {  	[sflag:s0] =	ssyncadd.s32 @!p0 s1  }
0xe8: {  	[bflag:$0x3] =	sbarrier.arrive $0xFFFF  }
0xe9: {  	_ =	shalt  }

// kernel: kernel.8.cloned.1.call-start
scs
__scs_entry_jumppad:
0x0: {  	(pc) =	sbr.rel $0x88, $3  }
0x1: {  	(tag) =	ssettag $0x0;
	lr =	simm.s32 $0x1  }
0x2: {  	[smem:$0x3F99] =	sst lr;
	_ =	strace $0xD0000000  }
0x3: {  	_ = 	snop  }
0x4: {  	_ = 	snop  }
0x5: {  	_ = 	snop  }
0x6: {  	_ = 	snop  }
0x7: {  	_ = 	snop  }
__scs_overlays_trampoline_lowered:
0x8: {  	[smem:$0x3FA8] =	sst s0  }
0x9: {  	[smem:$0x3FA9] =	sst s1  }
0xa: {  	[smem:$0x3FAA] =	sst s2  }
0xb: {  	[smem:$0x3FAB] =	sst s3  }
0xc: {  	[smem:$0x3FAC] =	sst s4  }
0xd: {  	[smem:$0x3FAD] =	sst s5  }
0xe: {  	[smem:$0x3FAE] =	sst s6  }
0xf: {  	[smem:$0x3FAF] =	sst s7  }
0x10: {  	[smem:$0x3FB0] =	sst s8  }
0x11: {  	[smem:$0x3FB1] =	sst s9;
	s0 =	simm.s32 @!p0 $0x0  }
0x12: {  	s1 =	sld [smem:$0x3F97];
	s0 =	simm.s32 @p0 $0x1  }
0x13: {  	[smem:$0x3FB2] =	sst s0;
	s0 =	simm.s32 @!p1 $0x0  }
0x14: {  	s2 =	sld [smem:$0x3F96];
	s0 =	simm.s32 @p1 $0x1  }
0x15: {  	[smem:$0x3FB3] =	sst s0;
	s0 =	simm.s32 @!p2 $0x0  }
0x16: {  	s3 =	sld [smem:$0x3FDB];
	s0 =	simm.s32 @p2 $0x1  }
0x17: {  	s4 =	simm.s32 $0x1BF5;
	[smem:$0x3FB5] =	sst s0  }
0x18: {  	s0 =	sld [smem:$0x3F98];
	_ =	swait.ge [sflag:s4], $0x0  }
0x19: {  	s7 =	sld [smem:$0x3F99]  }
0x1a: {  	s8 =	sadd.s32 $0xFFFFE003, lr  }
0x1b: {  	s9 =	sadd.s32 $0xFFFFFEF7, lr;
	s5 =	simm.s32 $0xFFFFFFFF;
	p2 =	slt.u32 s8, $0xFFFFF086  }
0x1c: {  	p1 =	slt.u32 s9, $0xF7A;
	s5 =	simm.s32 @!p2 $0x0  }
0x1d: {  	s5 =	simm.s32 @p1 $0x1;
	p0 =	seq.s32 s7, s2  }
0x1e: {  	s7 =	smul.u32 @!p0 $0xF7A, s2;
	p2 =	seq.s32 @!p0 s5, $0x0  }
0x1f: {  	s9 =	smul.u32 $0xF7A, s1;
	s8 =	simm.s32 @!p0 $0x1BF5;
	p2 =	por !p2, p0  }
0x20: {  	[sflag:s8] =	ssyncset.s32 @!p0 $0xFFFFF086;
	s6 =	sadd.s32 @!p0 s3, s7;
	s7 =	simm.s32 @!p0 $0x108  }
0x21: {  	s3 =	sadd.s32 s3, s9;
	s6 =	sadd.s32 @!p0 $0x88, s6;
	s7 =	simm.s32 @p2 $0x1082  }
0x22: {  	[simem:s7], [sflag:s8] =	dma.local @!p0 [hbm:s6], $0xF7A  }
0x23: {  	s9 =	sor.u32 $0xD0000000, s2;
	s6 =	simm.s32 $0x108;
	_ =	swait.ge @!p0 [sflag:s8], $0x0  }
0x24: {  	s3 =	sadd.s32 $0x88, s3;
	s6 =	simm.s32 @!p1 $0x1082;
	[sflag:s4] =	ssyncset.s32 $0xFFFFF086  }
0x25: {  	[simem:s6], [sflag:s4] =	dma.local [hbm:s3], $0xF7A  }
0x26: {  	[smem:$0x3F99] =	sst s1;
	(tag) =	ssettag s2;
	_ =	strace s9  }
0x27: {  	s1 =	sld [smem:$0x3FA9]  }
0x28: {  	s2 =	sld [smem:$0x3FAA]  }
0x29: {  	s4 =	sld [smem:$0x3FAC]  }
0x2a: {  	p0 =	seq.s32 s5, $0x0;
	s5 =	sld [smem:$0x3FAD]  }
0x2b: {  	s6 =	sld [smem:$0x3FAE]  }
0x2c: {  	s7 =	sld [smem:$0x3FAF]  }
0x2d: {  	s3 =	simm.s32 $0x108;
	s8 =	sld [smem:$0x3FB0]  }
0x2e: {  	s3 =	simm.s32 @!p0 $0x1082;
	s9 =	sld [smem:$0x3FB1]  }
0x2f: {  	lr =	sadd.s32 s0, s3;
	s0 =	sld [smem:$0x3FA8]  }
0x30: {  	s3 =	sld [smem:$0x3FAB]  }
0x31: {  	[smem:$0x3FB4] =	sst s10  }
0x32: {  	s10 =	sld [smem:$0x3FB2];
	_ =	sdelay $0x3  }
0x33: {  	p0 =	seq.s32 s10, $0x1;
	s10 =	sld [smem:$0x3FB4];
	_ =	sdelay $0x3  }
0x34: {  	[smem:$0x3FB4] =	sst s10  }
0x35: {  	s10 =	sld [smem:$0x3FB3];
	_ =	sdelay $0x3  }
0x36: {  	p1 =	seq.s32 s10, $0x1;
	s10 =	sld [smem:$0x3FB4];
	_ =	sdelay $0x3  }
0x37: {  	[smem:$0x3FB4] =	sst s10  }
0x38: {  	s10 =	sld [smem:$0x3FB5]  }
0x39: {  	_ = 	snop;
	(pc) =	sbr.ind lr, $3  }
0x3a: {  	_ = 	snop  }
0x3b: {  	_ = 	snop  }
0x3c: {  	p2 =	seq.s32 s10, $0x1;
	s10 =	sld [smem:$0x3FB4]  }
0x3d: {  	_ =	shalt  }
0x3e: {  	_ =	shalt  }
0x3f: {  	_ =	shalt  }
0x40: {  	_ =	shalt  }
0x41: {  	_ =	shalt  }
0x42: {  	_ =	shalt  }
0x43: {  	_ =	shalt  }
0x44: {  	_ =	shalt  }
0x45: {  	_ =	shalt  }
0x46: {  	_ =	shalt  }
0x47: {  	_ =	shalt  }
0x48: {  	_ =	shalt  }
0x49: {  	_ =	shalt  }
0x4a: {  	_ =	shalt  }
0x4b: {  	_ =	shalt  }
0x4c: {  	_ =	shalt  }
0x4d: {  	_ =	shalt  }
0x4e: {  	_ =	shalt  }
0x4f: {  	_ =	shalt  }
0x50: {  	_ =	shalt  }
0x51: {  	_ =	shalt  }
0x52: {  	_ =	shalt  }
0x53: {  	_ =	shalt  }
0x54: {  	_ =	shalt  }
0x55: {  	_ =	shalt  }
0x56: {  	_ =	shalt  }
0x57: {  	_ =	shalt  }
0x58: {  	_ =	shalt  }
0x59: {  	_ =	shalt  }
0x5a: {  	_ =	shalt  }
0x5b: {  	_ =	shalt  }
0x5c: {  	_ =	shalt  }
0x5d: {  	_ =	shalt  }
0x5e: {  	_ =	shalt  }
0x5f: {  	_ =	shalt  }
0x60: {  	_ =	shalt  }
0x61: {  	_ =	shalt  }
0x62: {  	_ =	shalt  }
0x63: {  	_ =	shalt  }
0x64: {  	_ =	shalt  }
0x65: {  	_ =	shalt  }
0x66: {  	_ =	shalt  }
0x67: {  	_ =	shalt  }
0x68: {  	_ =	shalt  }
0x69: {  	_ =	shalt  }
0x6a: {  	_ =	shalt  }
0x6b: {  	_ =	shalt  }
0x6c: {  	_ =	shalt  }
0x6d: {  	_ =	shalt  }
0x6e: {  	_ =	shalt  }
0x6f: {  	_ =	shalt  }
0x70: {  	_ =	shalt  }
0x71: {  	_ =	shalt  }
0x72: {  	_ =	shalt  }
0x73: {  	_ =	shalt  }
0x74: {  	_ =	shalt  }
0x75: {  	_ =	shalt  }
0x76: {  	_ =	shalt  }
0x77: {  	_ =	shalt  }
0x78: {  	_ =	shalt  }
0x79: {  	_ =	shalt  }
0x7a: {  	_ =	shalt  }
0x7b: {  	_ =	shalt  }
0x7c: {  	_ =	shalt  }
0x7d: {  	_ =	shalt  }
0x7e: {  	_ =	shalt  }
0x7f: {  	_ =	shalt  }
0x80: {  	_ =	shalt  }
0x81: {  	_ =	shalt  }
0x82: {  	_ =	shalt  }
0x83: {  	_ =	shalt  }
0x84: {  	_ =	shalt  }
0x85: {  	_ =	shalt  }
0x86: {  	_ =	shalt  }
0x87: {  	_ =	shalt  }
.Lfunc_end0:
.L_simem_size_0:
called_computation_lowered:
.L_overlay_start_0:
0x88: {  	s2 =	sld [smem:$0x3FD9]  }
0x89: {  	s3 =	sld [smem:$0x3FFE];
	_ =	sdelay $0x1  }
0x8a: {  	s1 =	srdreg.scid  }
0x8b: {  	s0 =	sand.u32 $0x1, s1  }
0x8c: {  	s14 =	sshll.u32 s0, $0xA;
	s2 =	sadd.s32 s3, s2  }
0x8d: {  	s2 =	sadd.s32 s2, s14  }
0x8e: {  	[smem:$0x3FC0] =	sst s2  }
0x8f: {  	_ = 	snop  }
0x90: {  	s2 =	sld [smem:$0x3FD0];
	_ =	sdelay $0x2  }
0x91: {  	s15 =	simm.s32 $0xA;
	s4 =	simm.s32 $0x10  }
0x92: {  	[smem:s4], [sflag:s15] =	dma.local [hbm:s2], $0x1  }
0x93: {  	_ =	swait.eq [sflag:s15], $0x1  }
0x94: {  	[sflag:s15] =	ssyncset.done $0x0  }
0x95: {  	[sflag:s15] =	ssyncadd.s32 $0xFFFFFFFF  }
0x96: {  	s16 =	sld [smem:$0x11];
	(tm) =	ssettm $0x1  }
0x97: {  	s17 =	sld [smem:$0x3FFB];
	_ =	sdelay $0x3  }
0x98: {  	_ =	strace s17  }
0x99: {  	s3 =	sld [smem:$0x3FFC];
	_ =	sdelay $0x3  }
0x9a: {  	_ =	strace s3  }
0x9b: {  	s3 =	sld [smem:$0x3FFD];
	_ =	sdelay $0x3  }
0x9c: {  	_ =	strace s3  }
0x9d: {  	_ =	strace $0x8FFFFFFF  }
0x9e: {  	s18 =	sld [smem:$0x3FDB];
	_ =	sdelay $0x1  }
0x9f: {  	s19 =	simm.s32 $_scs_section_size  }
0xa0: {  	s5 =	simm.s32 $_size__tile_overlayer_lowered;
	s6 =	simm.s32 $_tile_overlayer_lowered  }
0xa1: {  	s22 =	simm.s32 $0x1BFF;
	s21 =	sshll.u32 s6, $0x1;
	s3 =	sadd.s32 s19, s18  }
0xa2: {  	s7 =	simm.s32 $0x0;
	s20 =	sshll.u32 s5, $0x1;
	s5 =	sadd.s32 s21, s3  }
0xa3: {  	[timem:s7], [sflag:s22] =	dma.local [hbm:s5], s20  }
0xa4: {  	_ =	swait.ge [sflag:s22], s20  }
0xa5: {  	s4 =	ssub.s32 $0x0, s20;
	[sflag:s22] =	ssyncset.done $0x0  }
0xa6: {  	[sflag:s22] =	ssyncadd.s32 s4;
	_ =	sdelay $0x1  }
0xa7: {  	s23 =	simm.s32 $0x1B8B  }
0xa8: {  	_ =	swait.ge [sflag:s23], $0x1  }
0xa9: {  	[sflag:s23] =	ssyncset.done $0x0  }
0xaa: {  	s25 =	simm.s32 $0x1B8E;
	s24 =	sld [smem:$0x3FFE];
	[sflag:s23] =	ssyncadd.s32 $0xFFFFFFFF  }
0xab: {  	s26 =	simm.s32 $execute0_lowered;
	[smem:$0x3FD2] =	sst s25  }
0xac: {  	s5 =	sshll.u32 s26, $0x1;
	_ =	strace $0x80000046;
	[dreg:$0x1] =	wrdreg $0xFFFFFFFF  }
0xad: {  	s28 =	simm.s32 $_size_execute0_lowered;
	s3 =	sadd.s32 s3, s5;
	[dreg:$0x0] =	wrdreg $0x0  }
0xae: {  	s5 =	sshll.u32 s28, $0x1;
	[dreg:$0x2] =	wrdreg s3  }
0xaf: {  	[dreg:$0x3] =	wrdreg s5  }
0xb0: {  	[dreg:$0x4] =	wrdreg $0xC0  }
0xb1: {  	_ =	task [dreg:s7], $0x5FFFF  }
0xb2: {  	[dreg:$0x1] =	wrdreg $0xFFFFFFFF  }
0xb3: {  	[dreg:$0x0] =	wrdreg $0x60  }
0xb4: {  	[dreg:$0x2] =	wrdreg s24  }
0xb5: {  	[dreg:$0x3] =	wrdreg s16  }
0xb6: {  	[dreg:$0x4] =	wrdreg $0x5800  }
0xb7: {  	[dreg:$0x5] =	wrdreg $0x9  }
0xb8: {  	_ =	task.clear_ibuf [dreg:s7], $0x6FFFF;
	_ =	strace $0x90000046  }
0xb9: {  	s29 =	simm.s32 $0x9;
	_ =	strace $0x80000048  }
0xba: {  	_ =	swait.ge [sflag:s29], $0x1  }
0xbb: {  	[sflag:s29] =	ssyncadd.s32 $0xFFFFFFFF  }
0xbc: {  	_ =	strace $0x90000048  }
0xbd: {  	_ =	sfence  }
0xbe: {  	s30 =	sld [smem:$0x0];
	_ =	sdelay $0x2  }
0xbf: {  	s31 =	sshll.u32 s1, $0xD;
	s1 =	sshrl.u32 s1, $0x2  }
0xc0: {  	s3 =	sand.u32 $0x4000, s31;
	s1 =	sadd.s32 s1, s30  }
0xc1: {  	s0 =	sor.u32 s3, s0;
	s1 =	sshll.u32 s1, $0x11  }
0xc2: {  	s0 =	sor.u32 s1, s0  }
0xc3: {  	s0 =	sadd.s32 $0x8F2B, s0  }
0xc4: {  	[sflag:s0] =	ssyncadd.remote.s32 $0x1  }
0xc5: {  	_ =	sfence.sel $0xFFFF  }
0xc6: {  	[dreg:$0x0] =	wrdreg $0xFFFFFFFF;
	(pc) =	sbr.abs _section_cstart, $3  }
0xc7: {  	[dreg:$0x1] =	wrdreg $0xFFFFFFFF  }
0xc8: {  	_ =	task.clear_ibuf [dreg:s7], $0x2FFFF;
	_ =	strace $0x9FFFFFFF  }
0xc9: {  	(tm) =	ssettm $0x7FFFFFFF  }
tec
execute0_lowered:
.L_overlay_start_1:
0x0: {  	(tag) =	ssettag $0x1  }
0x1: {  	s0 =	rddreg [dreg:$0x0]  }
0x2: {  	s1 =	rddreg [dreg:$0x1]  }
0x3: {  	s2 =	rddreg [dreg:$0x2]  }
0x4: {  	s4 =	srdreg.scid;
	s15 =	stileid.u32;
	s3 =	simm.s32 $0x0  }
0x5: {  	s31 =	simm.s32 $0x280;
	s6 =	sand.u32 $0x1, s4;
	s5 =	smul.u32 $0x9C0, s15  }
0x6: {  	s19 =	sshll.u32 s15, $0x1;
	[smem:$0x7FF] =	sst s3;
	s8 =	smul.u32 $0x270, s15  }
0x7: {  	s0 =	sadd.s32 $0x2000, s0;
	s26 =	smul.u32 $0x5000, s15;
	p0 =	sne.s32 s15, $0xF  }
0x8: {  	s15 =	simm.s32 $0x7;
	s4 =	sor.u32 s6, s19;
	s10 =	smul.u32 $0x2710, s6  }
0x9: {  	_ =	strace $0x80000047;
	s20 =	ssub.s32 $0x2, s6;
	s6 =	smul.u32 $0x2800, s6  }
0xa: {  	s7 =	smul.u32 $0x2800, s4;
	s9 =	sshrl.u32 s20, $0x1;
	s5 =	sshrl.u32 s5, $0x2  }
0xb: {  	s9 =	ssub.s32 s20, s9;
	s4 =	sadd.s32 s5, s2;
	s5 =	sadd.s32 $0x2700, s2  }
0xc: {  	s13 =	sadd.s32 s8, s10;
	s10 =	sshrl.u32 s10, $0x3;
	s8 =	sadd.s32 s8, s2  }
0xd: {  	s11 =	sor.u32 $0x80, s7;
	s12 =	sor.u32 $0x100, s7;
	s14 =	sor.u32 $0x180, s7  }
0xe: {  	s13 =	sshrl.u32 s13, $0x3;
	[dreg:$0x4] =	wrdreg s8;
	s22 =	smax.u32 s9, $0x1  }
0xf: {  	s23 =	sadd.s32 $0x30, s4;
	s24 =	sadd.s32 $0x60, s4;
	s25 =	sadd.s32 $0x90, s4  }
0x10: {  	s9 =	sadd.s32 $0xC0, s4;
	s16 =	sadd.s32 $0x150, s4;
	[dreg:$0x7] =	wrdreg s22  }
0x11: {  	s7 =	sshrl.u32 s7, $0x3;
	s28 =	sadd.s32 $0x1E0, s4;
	[dreg:$0x8] =	wrdreg s23  }
0x12: {  	s29 =	sadd.s32 $0x210, s4;
	s30 =	sadd.s32 $0x240, s4;
	[dreg:$0x9] =	wrdreg s24  }
0x13: {  	s8 =	simm.s32 $0x1;
	s21 =	sadd.s32 s1, s13;
	[dreg:$0xa] =	wrdreg s25  }
0x14: {  	s1 =	sadd.s32 s1, s10;
	[dreg:$0xb] =	wrdreg s9;
	s10 =	sadd.s32 $0xF0, s4  }
0x15: {  	s13 =	sadd.s32 $0x120, s4;
	[dreg:$0xe] =	wrdreg s16;
	s7 =	sadd.s32 s0, s7  }
0x16: {  	s17 =	sshrl.u32 s11, $0x3;
	s19 =	sshrl.u32 s12, $0x3;
	[dreg:$0x5] =	wrdreg s21  }
0x17: {  	s25 =	sadd.s32 $0x180, s4;
	s9 =	simm.s32 $0x200;
	[dreg:$0xc] =	wrdreg s10  }
0x18: {  	s11 =	simm.s32 $0x3;
	s12 =	simm.s32 $0x4;
	[dreg:$0xd] =	wrdreg s13  }
0x19: {  	s16 =	simm.s32 $0x8;
	s1 =	sadd.s32 $0x4E0, s1;
	[dreg:$0xf] =	wrdreg s7  }
0x1a: {  	s18 =	sadd.s32 s0, s17;
	s21 =	sshrl.u32 s14, $0x3;
	[dreg:$0x13] =	wrdreg s25  }
0x1b: {  	s10 =	simm.s32 $0x2;
	s13 =	simm.s32 $0x5;
	s14 =	simm.s32 $0x6  }
0x1c: {  	s17 =	simm.s32 $0x300;
	[dreg:$0x6] =	wrdreg s1;
	s1 =	sadd.s32 s6, s26  }
0x1d: {  	[dreg:$0x10] =	wrdreg s18;
	s6 =	sadd.s32 s0, s19;
	s26 =	sadd.s32 $0x1B0, s4  }
0x1e: {  	s18 =	simm.s32 $0x0;
	s20 =	sor.u32 $0x380, s1;
	[dreg:$0x11] =	wrdreg s6  }
0x1f: {  	s6 =	sadd.s32 s0, s21;
	s22 =	sor.u32 $0x300, s1;
	s23 =	sor.u32 $0x280, s1  }
0x20: {  	s1 =	sor.u32 $0x200, s1;
	[dreg:$0x14] =	wrdreg s26;
	s7 =	sshrl.u32 s20, $0x3  }
0x21: {  	[dreg:$0x12] =	wrdreg s6;
	s6 =	sshrl.u32 s22, $0x3;
	s24 =	sshrl.u32 s23, $0x3  }
0x22: {  	s1 =	sshrl.u32 s1, $0x3;
	s21 =	sadd.s32 s7, s0;
	s22 =	sadd.s32 s6, s0  }
0x23: {  	s23 =	sadd.s32 s24, s0;
	s24 =	sadd.s32 s1, s0;
	s0 =	simm.s32 $0x9  }
0x24: {  	v0 =	vimm.f32 $1.000000000e+00;
	v1 =	vimm.f32 $0.0e+00;
	s1 =	simm.s32 $0x80;
	s6 =	simm.s32 $0x100;
	s7 =	simm.s32 $0x180  }
.LBB2_1:
0x25: {  	[tilespmem:$0x200] =	vst v0  }
0x26: {  	[tilespmem:$0x210] =	vst v0  }
0x27: {  	[tilespmem:$0x220] =	vst v0  }
0x28: {  	[tilespmem:$0x230] =	vst v0  }
0x29: {  	[tilespmem:$0x240] =	vst v0  }
0x2a: {  	[tilespmem:$0x250] =	vst v0  }
0x2b: {  	[tilespmem:$0x260] =	vst v0  }
0x2c: {  	[tilespmem:$0x270] =	vst v0  }
0x2d: {  	[tilespmem:$0x280] =	vst v1  }
0x2e: {  	[tilespmem:$0x290] =	vst v1  }
0x2f: {  	[tilespmem:$0x2A0] =	vst v1  }
0x30: {  	[spmem:s4] =	stream.linear.scatter [tilespmem:s31], [sflag:$0x9], $0x30, $0x38;
	[tilespmem:$0x7F8] =	vst v63  }
0x31: {  	_ =	swait.ge [sflag:s0], $0x30  }
0x32: {  	[sflag:s0] =	ssyncset.done $0x0  }
0x33: {  	s19 =	rddreg [dreg:$0x8];
	[sflag:s0] =	ssyncadd.s32 $0xFFFFFFD0  }
0x34: {  	[spmem:s19] =	stream.linear.scatter [tilespmem:s31], [sflag:$0x9], $0x30, $0x38;
	[tilespmem:$0x7F8] =	vst v63  }
0x35: {  	_ =	swait.ge [sflag:s0], $0x30  }
0x36: {  	[sflag:s0] =	ssyncset.done $0x0  }
0x37: {  	s26 =	rddreg [dreg:$0x9];
	[sflag:s0] =	ssyncadd.s32 $0xFFFFFFD0  }
0x38: {  	[spmem:s26] =	stream.linear.scatter [tilespmem:s31], [sflag:$0x9], $0x30, $0x38;
	[tilespmem:$0x7F8] =	vst v63  }
0x39: {  	_ =	swait.ge [sflag:s0], $0x30  }
0x3a: {  	[sflag:s0] =	ssyncset.done $0x0  }
0x3b: {  	s20 =	rddreg [dreg:$0xa];
	[sflag:s0] =	ssyncadd.s32 $0xFFFFFFD0  }
0x3c: {  	[spmem:s20] =	stream.linear.scatter [tilespmem:s31], [sflag:$0x9], $0x30, $0x38;
	[tilespmem:$0x7F8] =	vst v63  }
0x3d: {  	_ =	swait.ge [sflag:s0], $0x30  }
0x3e: {  	[sflag:s0] =	ssyncset.done $0x0  }
0x3f: {  	s25 =	rddreg [dreg:$0xb];
	[sflag:s0] =	ssyncadd.s32 $0xFFFFFFD0  }
0x40: {  	[spmem:s25] =	stream.linear.scatter [tilespmem:s31], [sflag:$0x9], $0x30, $0x38;
	[tilespmem:$0x7F8] =	vst v63  }
0x41: {  	_ =	swait.ge [sflag:s0], $0x30  }
0x42: {  	[sflag:s0] =	ssyncset.done $0x0  }
0x43: {  	s26 =	rddreg [dreg:$0xc];
	[sflag:s0] =	ssyncadd.s32 $0xFFFFFFD0  }
0x44: {  	[spmem:s26] =	stream.linear.scatter [tilespmem:s31], [sflag:$0x9], $0x30, $0x38;
	[tilespmem:$0x7F8] =	vst v63  }
0x45: {  	_ =	swait.ge [sflag:s0], $0x30  }
0x46: {  	[sflag:s0] =	ssyncset.done $0x0  }
0x47: {  	s20 =	rddreg [dreg:$0xd];
	[sflag:s0] =	ssyncadd.s32 $0xFFFFFFD0  }
0x48: {  	[spmem:s20] =	stream.linear.scatter [tilespmem:s31], [sflag:$0x9], $0x30, $0x38;
	[tilespmem:$0x7F8] =	vst v63  }
0x49: {  	_ =	swait.ge [sflag:s0], $0x30  }
0x4a: {  	[sflag:s0] =	ssyncset.done $0x0  }
0x4b: {  	s25 =	rddreg [dreg:$0xe];
	[sflag:s0] =	ssyncadd.s32 $0xFFFFFFD0  }
0x4c: {  	[spmem:s25] =	stream.linear.scatter [tilespmem:s31], [sflag:$0x9], $0x30, $0x38;
	[tilespmem:$0x7F8] =	vst v63  }
0x4d: {  	_ =	swait.ge [sflag:s0], $0x30  }
0x4e: {  	[sflag:s0] =	ssyncset.done $0x0  }
0x4f: {  	s26 =	rddreg [dreg:$0x13];
	[sflag:s0] =	ssyncadd.s32 $0xFFFFFFD0  }
0x50: {  	[spmem:s26] =	stream.linear.scatter [tilespmem:s31], [sflag:$0x9], $0x30, $0x38;
	[tilespmem:$0x7F8] =	vst v63  }
0x51: {  	_ =	swait.ge [sflag:s0], $0x30  }
0x52: {  	[sflag:s0] =	ssyncset.done $0x0  }
0x53: {  	s20 =	rddreg [dreg:$0x14];
	[sflag:s0] =	ssyncadd.s32 $0xFFFFFFD0  }
0x54: {  	[spmem:s20] =	stream.linear.scatter [tilespmem:s31], [sflag:$0x9], $0x30, $0x38;
	[tilespmem:$0x7F8] =	vst v63  }
0x55: {  	_ =	swait.ge [sflag:s0], $0x30  }
0x56: {  	[sflag:s0] =	ssyncset.done $0x0  }
0x57: {  	[sflag:s0] =	ssyncadd.s32 $0xFFFFFFD0  }
0x58: {  	[spmem:s28] =	stream.linear.scatter [tilespmem:s31], [sflag:$0x9], $0x30, $0x38;
	[tilespmem:$0x7F8] =	vst v63  }
0x59: {  	_ =	swait.ge [sflag:s0], $0x30  }
0x5a: {  	[sflag:s0] =	ssyncset.done $0x0  }
0x5b: {  	[sflag:s0] =	ssyncadd.s32 $0xFFFFFFD0  }
0x5c: {  	[spmem:s29] =	stream.linear.scatter [tilespmem:s31], [sflag:$0x9], $0x30, $0x38;
	[tilespmem:$0x7F8] =	vst v63  }
0x5d: {  	_ =	swait.ge [sflag:s0], $0x30  }
0x5e: {  	[sflag:s0] =	ssyncset.done $0x0  }
0x5f: {  	[sflag:s0] =	ssyncadd.s32 $0xFFFFFFD0  }
0x60: {  	[spmem:s30] =	stream.linear.scatter [tilespmem:s31], [sflag:$0x9], $0x30, $0x38;
	[tilespmem:$0x7F8] =	vst v63  }
0x61: {  	_ =	swait.ge [sflag:s0], $0x30  }
0x62: {  	[sflag:s0] =	ssyncset.done $0x0  }
0x63: {  	s19 =	simm.s32 @!p0 $0x280;
	[sflag:s0] =	ssyncadd.s32 $0xFFFFFFD0  }
0x64: {  	[spmem:s5] =	stream.linear.scatter @!p0 [tilespmem:s19], [sflag:$0x9], $0x10, $0x38;
	[tilespmem:$0x7F8] =	vst v63  }
0x65: {  	s19 =	simm.s32 @!p0 $0x9  }
0x66: {  	_ =	swait.ge @!p0 [sflag:s19], $0x10  }
0x67: {  	[sflag:s19] =	ssyncset.done @!p0 $0x0  }
0x68: {  	[sflag:s19] =	ssyncadd.s32 @!p0 $0xFFFFFFF0  }
0x69: {  	[bflag:$0x0] =	sbarrier.arrive $0xFFFF  }
0x6a: {  	s25 =	rddreg [dreg:$0xf]  }
0x6b: {  	[tilespmem:s3], [sflag:$0x1] =	stream.linear.gather [hbm4b:s25+s3], $0x80, $0x38;
	[tilespmem:$0x7F8] =	vst v63  }
0x6c: {  	s26 =	rddreg [dreg:$0x10]  }
0x6d: {  	[tilespmem:s1], [sflag:$0x2] =	stream.linear.gather [hbm4b:s26+s3], $0x80, $0x38;
	[tilespmem:$0x7F8] =	vst v63  }
0x6e: {  	s20 =	rddreg [dreg:$0x11]  }
0x6f: {  	[tilespmem:s6], [sflag:$0x3] =	stream.linear.gather [hbm4b:s20+s3], $0x80, $0x38;
	[tilespmem:$0x7F8] =	vst v63  }
0x70: {  	s25 =	rddreg [dreg:$0x12]  }
0x71: {  	[tilespmem:s7], [sflag:$0x4] =	stream.linear.gather [hbm4b:s25+s3], $0x80, $0x38;
	[tilespmem:$0x7F8] =	vst v63  }
0x72: {  	_ =	swait.ge [sflag:s8], $0x80  }
0x73: {  	[sflag:s8] =	ssyncset.done $0x0  }
0x74: {  	[sflag:s8] =	ssyncadd.s32 $0xFFFFFF80  }
0x75: {  	[spmem:s2] =	stream.indirect.scatter.add.f32 [tilespmem:s9], [sflag:$0x5], $0x1, s3, s1, $0xb8;
	[tilespmem:$0x7F8] =	vst v63  }
0x76: {  	_ =	swait.ge [sflag:s10], $0x80  }
0x77: {  	[sflag:s10] =	ssyncset.done $0x0  }
0x78: {  	[sflag:s10] =	ssyncadd.s32 $0xFFFFFF80  }
0x79: {  	[spmem:s2] =	stream.indirect.scatter.add.f32 [tilespmem:s9], [sflag:$0x6], $0x1, s1, s1, $0xb8;
	[tilespmem:$0x7F8] =	vst v63  }
0x7a: {  	_ =	swait.ge [sflag:s11], $0x80  }
0x7b: {  	[sflag:s11] =	ssyncset.done $0x0  }
0x7c: {  	[sflag:s11] =	ssyncadd.s32 $0xFFFFFF80  }
0x7d: {  	[spmem:s2] =	stream.indirect.scatter.add.f32 [tilespmem:s9], [sflag:$0x7], $0x1, s6, s1, $0xb8;
	[tilespmem:$0x7F8] =	vst v63  }
0x7e: {  	_ =	swait.ge [sflag:s12], $0x80  }
0x7f: {  	[sflag:s12] =	ssyncset.done $0x0  }
0x80: {  	[sflag:s12] =	ssyncadd.s32 $0xFFFFFF80  }
0x81: {  	[spmem:s2] =	stream.indirect.scatter.add.f32 [tilespmem:s9], [sflag:$0x8], $0x1, s7, s1, $0xb8;
	[tilespmem:$0x7F8] =	vst v63  }
0x82: {  	_ =	swait.ge [sflag:s13], $0x80  }
0x83: {  	[sflag:s13] =	ssyncset.done $0x0  }
0x84: {  	[sflag:s13] =	ssyncadd.s32 $0xFFFFFF80  }
0x85: {  	_ =	swait.ge [sflag:s14], $0x80  }
0x86: {  	[sflag:s14] =	ssyncset.done $0x0  }
0x87: {  	[sflag:s14] =	ssyncadd.s32 $0xFFFFFF80  }
0x88: {  	_ =	swait.ge [sflag:s15], $0x80  }
0x89: {  	[sflag:s15] =	ssyncset.done $0x0  }
0x8a: {  	[sflag:s15] =	ssyncadd.s32 $0xFFFFFF80  }
0x8b: {  	_ =	swait.ge [sflag:s16], $0x80  }
0x8c: {  	[sflag:s16] =	ssyncset.done $0x0  }
0x8d: {  	s26 =	sadd.s32 $0x0, s24;
	[sflag:s16] =	ssyncadd.s32 $0xFFFFFF80  }
0x8e: {  	[tilespmem:s3], [sflag:$0x1] =	stream.linear.gather [hbm4b:s26+s3], $0x80, $0x38;
	[tilespmem:$0x7F8] =	vst v63  }
0x8f: {  	s20 =	sadd.s32 $0x0, s23  }
0x90: {  	[tilespmem:s1], [sflag:$0x2] =	stream.linear.gather [hbm4b:s20+s3], $0x80, $0x38;
	[tilespmem:$0x7F8] =	vst v63  }
0x91: {  	s25 =	sadd.s32 $0x0, s22  }
0x92: {  	[tilespmem:s6], [sflag:$0x3] =	stream.linear.gather [hbm4b:s25+s3], $0x80, $0x38;
	[tilespmem:$0x7F8] =	vst v63  }
0x93: {  	s26 =	sadd.s32 $0x0, s21  }
0x94: {  	[tilespmem:s7], [sflag:$0x4] =	stream.linear.gather [hbm4b:s26+s3], $0x80, $0x38;
	[tilespmem:$0x7F8] =	vst v63  }
0x95: {  	_ =	swait.ge [sflag:s8], $0x80  }
0x96: {  	[sflag:s8] =	ssyncset.done $0x0  }
0x97: {  	[sflag:s8] =	ssyncadd.s32 $0xFFFFFF80  }
0x98: {  	[spmem:s2] =	stream.indirect.scatter.add.f32 [tilespmem:s9], [sflag:$0x5], $0x1, s3, s1, $0xb8;
	[tilespmem:$0x7F8] =	vst v63  }
0x99: {  	_ =	swait.ge [sflag:s10], $0x80  }
0x9a: {  	[sflag:s10] =	ssyncset.done $0x0  }
0x9b: {  	[sflag:s10] =	ssyncadd.s32 $0xFFFFFF80  }
0x9c: {  	[spmem:s2] =	stream.indirect.scatter.add.f32 [tilespmem:s9], [sflag:$0x6], $0x1, s1, s1, $0xb8;
	[tilespmem:$0x7F8] =	vst v63  }
0x9d: {  	_ =	swait.ge [sflag:s11], $0x80  }
0x9e: {  	[sflag:s11] =	ssyncset.done $0x0  }
0x9f: {  	[sflag:s11] =	ssyncadd.s32 $0xFFFFFF80  }
0xa0: {  	[spmem:s2] =	stream.indirect.scatter.add.f32 [tilespmem:s9], [sflag:$0x7], $0x1, s6, s1, $0xb8;
	[tilespmem:$0x7F8] =	vst v63  }
0xa1: {  	_ =	swait.ge [sflag:s12], $0x80  }
0xa2: {  	[sflag:s12] =	ssyncset.done $0x0  }
0xa3: {  	s19 =	simm.s32 $0x40;
	[sflag:s12] =	ssyncadd.s32 $0xFFFFFF80  }
.LBB2_2:
0xa4: {  	[spmem:s2] =	stream.indirect.scatter.add.f32 [tilespmem:s9], [sflag:$0x8], $0x1, s7, s1, $0xb8;
	[tilespmem:$0x7F8] =	vst v63  }
0xa5: {  	s20 =	smov.u32 s19  }
0xa6: {  	p1 =	sne.s32 s19, $0x480;
	s19 =	sadd.s32 $0x40, s19;
	_ =	swait.ge [sflag:s13], $0x80  }
0xa7: {  	[sflag:s13] =	ssyncset.done $0x0  }
0xa8: {  	[sflag:s13] =	ssyncadd.s32 $0xFFFFFF80  }
0xa9: {  	_ =	swait.ge [sflag:s14], $0x80  }
0xaa: {  	[sflag:s14] =	ssyncset.done $0x0  }
0xab: {  	[sflag:s14] =	ssyncadd.s32 $0xFFFFFF80  }
0xac: {  	_ =	swait.ge [sflag:s15], $0x80  }
0xad: {  	[sflag:s15] =	ssyncset.done $0x0  }
0xae: {  	[sflag:s15] =	ssyncadd.s32 $0xFFFFFF80  }
0xaf: {  	_ =	swait.ge [sflag:s16], $0x80  }
0xb0: {  	[sflag:s16] =	ssyncset.done $0x0  }
0xb1: {  	s25 =	sadd.s32 s20, s24;
	[sflag:s16] =	ssyncadd.s32 $0xFFFFFF80  }
0xb2: {  	[tilespmem:s3], [sflag:$0x1] =	stream.linear.gather [hbm4b:s25+s3], $0x80, $0x38;
	[tilespmem:$0x7F8] =	vst v63  }
0xb3: {  	s25 =	sadd.s32 s20, s23  }
0xb4: {  	[tilespmem:s1], [sflag:$0x2] =	stream.linear.gather [hbm4b:s25+s3], $0x80, $0x38;
	[tilespmem:$0x7F8] =	vst v63  }
0xb5: {  	s25 =	sadd.s32 s20, s22  }
0xb6: {  	[tilespmem:s6], [sflag:$0x3] =	stream.linear.gather [hbm4b:s25+s3], $0x80, $0x38;
	[tilespmem:$0x7F8] =	vst v63  }
0xb7: {  	s20 =	sadd.s32 s20, s21  }
0xb8: {  	[tilespmem:s7], [sflag:$0x4] =	stream.linear.gather [hbm4b:s20+s3], $0x80, $0x38;
	[tilespmem:$0x7F8] =	vst v63  }
0xb9: {  	_ =	swait.ge [sflag:s8], $0x80  }
0xba: {  	[sflag:s8] =	ssyncset.done $0x0  }
0xbb: {  	[sflag:s8] =	ssyncadd.s32 $0xFFFFFF80  }
0xbc: {  	[spmem:s2] =	stream.indirect.scatter.add.f32 [tilespmem:s9], [sflag:$0x5], $0x1, s3, s1, $0xb8;
	[tilespmem:$0x7F8] =	vst v63  }
0xbd: {  	_ =	swait.ge [sflag:s10], $0x80  }
0xbe: {  	[sflag:s10] =	ssyncset.done $0x0  }
0xbf: {  	[sflag:s10] =	ssyncadd.s32 $0xFFFFFF80  }
0xc0: {  	[spmem:s2] =	stream.indirect.scatter.add.f32 [tilespmem:s9], [sflag:$0x6], $0x1, s1, s1, $0xb8;
	[tilespmem:$0x7F8] =	vst v63  }
0xc1: {  	_ =	swait.ge [sflag:s11], $0x80  }
0xc2: {  	[sflag:s11] =	ssyncset.done $0x0  }
.Ltmp0:
0xc3: {  	[sflag:s11] =	ssyncadd.s32 $0xFFFFFF80;
	(pc) =	sbr.rel @p1 .LBB2_2-.Ltmp0, $4  }
0xc4: {  	[spmem:s2] =	stream.indirect.scatter.add.f32 [tilespmem:s9], [sflag:$0x7], $0x1, s6, s1, $0xb8;
	[tilespmem:$0x7F8] =	vst v63  }
0xc5: {  	_ =	swait.ge [sflag:s12], $0x80  }
0xc6: {  	[sflag:s12] =	ssyncset.done $0x0  }
0xc7: {  	[sflag:s12] =	ssyncadd.s32 $0xFFFFFF80  }
0xc8: {  	[spmem:s2] =	stream.indirect.scatter.add.f32 [tilespmem:s9], [sflag:$0x8], $0x1, s7, s1, $0xb8;
	[tilespmem:$0x7F8] =	vst v63  }
0xc9: {  	_ =	swait.ge [sflag:s13], $0x80  }
0xca: {  	[sflag:s13] =	ssyncset.done $0x0  }
0xcb: {  	[sflag:s13] =	ssyncadd.s32 $0xFFFFFF80  }
0xcc: {  	_ =	swait.ge [sflag:s14], $0x80  }
0xcd: {  	[sflag:s14] =	ssyncset.done $0x0  }
0xce: {  	[sflag:s14] =	ssyncadd.s32 $0xFFFFFF80  }
0xcf: {  	_ =	swait.ge [sflag:s15], $0x80  }
0xd0: {  	[sflag:s15] =	ssyncset.done $0x0  }
0xd1: {  	[sflag:s15] =	ssyncadd.s32 $0xFFFFFF80  }
0xd2: {  	_ =	swait.ge [sflag:s16], $0x80  }
0xd3: {  	[sflag:s16] =	ssyncset.done $0x0  }
0xd4: {  	[sflag:s16] =	ssyncadd.s32 $0xFFFFFF80  }
0xd5: {  	[bflag:$0x0] =	sbarrier.arrive $0xFFFF  }
0xd6: {  	s19 =	rddreg [dreg:$0x4]  }
0xd7: {  	[tilespmem:s17], [sflag:$0x9] =	stream.linear.gather [spmem:s19], $0x270, $0x38;
	[tilespmem:$0x7F8] =	vst v63  }
0xd8: {  	_ =	swait.ge [sflag:s0], $0x270  }
0xd9: {  	[sflag:s0] =	ssyncset.done $0x0  }
0xda: {  	s25 =	rddreg [dreg:$0x5];
	[sflag:s0] =	ssyncadd.s32 $0xFFFFFD90  }
0xdb: {  	[hbm4b:s25+s3] =	stream.linear.scatter [tilespmem:s17], [sflag:$0x9], $0x270, $0x38;
	[tilespmem:$0x7F8] =	vst v63  }
0xdc: {  	_ =	swait.ge [sflag:s0], $0x270  }
0xdd: {  	[sflag:s0] =	ssyncset.done $0x0  }
0xde: {  	s20 =	simm.s32 @!p0 $0x9;
	s19 =	simm.s32 @!p0 $0x300;
	[sflag:s0] =	ssyncadd.s32 $0xFFFFFD90  }
0xdf: {  	[tilespmem:s19], [sflag:$0x9] =	stream.linear.gather @!p0 [spmem:s5], $0x10, $0x38;
	[tilespmem:$0x7F8] =	vst v63  }
0xe0: {  	_ =	swait.ge @!p0 [sflag:s20], $0x10  }
0xe1: {  	[sflag:s20] =	ssyncset.done @!p0 $0x0  }
0xe2: {  	s25 =	simm.s32 @!p0 $0x0;
	s26 =	rddreg [dreg:$0x6];
	[sflag:s20] =	ssyncadd.s32 @!p0 $0xFFFFFFF0  }
0xe3: {  	[hbm4b:s26+s25] =	stream.linear.scatter @!p0 [tilespmem:s19], [sflag:$0x9], $0x10, $0x38;
	[tilespmem:$0x7F8] =	vst v63  }
0xe4: {  	_ =	swait.ge @!p0 [sflag:s20], $0x10  }
0xe5: {  	s18 =	sadd.s32 $0x1, s18;
	s26 =	rddreg [dreg:$0x7]  }
0xe6: {  	p1 =	sne.s32 s18, s26  }
.Ltmp1:
0xe7: {  	_ = 	snop;
	(pc) =	sbr.rel @p1 .LBB2_1-.Ltmp1, $3  }
0xe8: {  	_ =	sdelay $0x1  }
0xe9: {  	[sflag:s20] =	ssyncset.done @!p0 $0x0  }
0xea: {  	[sflag:s20] =	ssyncadd.s32 @!p0 $0xFFFFFFF0  }
0xeb: {  	_ =	sfence.sel $0x180000  }
0xec: {  	[bflag:$0x0] =	sbarrier.arrive $0xFFFF  }
0xed: {  	_ =	strace $0x90000047  }
0xee: {  	s0 =	stileid.u32;
	[bflag:$0x2] =	sbarrier.arrive $0xFFFF  }
0xef: {  	p0 =	sne.s32 s0, $0x0;
	s0 =	rddreg [dreg:$0x3]  }
0xf0: {  	s0 =	sadd.s32 @!p0 $0x100000, s0  }
0xf1: {  	[sflag:s0] =	ssyncadd.tile.s32 @!p0 $0x1;
	_ =	shalt  }
.Lfunc_end2:
_tile_overlayer_lowered:
.L_overlay_start_2:
0xf2: {  	(tag) =	ssettag $0x2  }
0xf3: {  	s0 =	rddreg [dreg:$0x0];
	s2 =	stileid.u32  }
0xf4: {  	s1 =	rddreg [dreg:$0x1];
	p0 =	sne.s32 s2, $0x0  }
0xf5: {  	s3 =	rddreg [dreg:$0x2];
	[bflag:$0x3] =	sbarrier.arrive $0xFFFF;
	s2 =	simm.s32 @!p0 $0x1C09  }
0xf6: {  	[timem:s3], [sflag:s2] =	dma.local @!p0 [hbm:s0], s1  }
0xf7: {  	s0 =	simm.s32 @!p0 $0x9  }
0xf8: {  	_ =	swait.ge @!p0 [sflag:s0], s1  }
0xf9: {  	s1 =	ssub.s32 @!p0 $0x0, s1;
	[sflag:s0] =	ssyncset.done @!p0 $0x0  }
0xfa: {  	[sflag:s0] =	ssyncadd.s32 @!p0 s1  }
0xfb: {  	[bflag:$0x3] =	sbarrier.arrive $0xFFFF  }
0xfc: {  	_ =	shalt  }

</sc_bundles>
